<compile_context>
chip_gen: v7x
topology: tpu7x:2x2x1
jax: 0.10.2.dev20260603
libtpu: 0.0.44.dev20260713+nightly
codegen_flags: <defaults>
</compile_context>

<pallas_src>
import jax
import jax.numpy as jnp
from jax import lax
from jax.experimental import pallas as pl
from jax.experimental.pallas import tpu as pltpu
from jax.experimental.pallas import tpu_sc as plsc

_B = 16384
_D = 16
_L = 16
_V = 2_000_000

_info = plsc.get_sparse_core_info()
_NC, _NS = _info.num_cores, _info.num_subcores
_NW = _NC * _NS
_BPW = _B // _NW


def _fm_body(gidx_hbm, qflat_hbm, lin_hbm, w0_hbm, out_hbm,
             uv_v, iv_v, pb_v, pidx_v, gat_v, lg_v, out_v, w0_v, sem, lsem):
    wid = lax.axis_index("s") * _NC + lax.axis_index("c")
    base = wid * _BPW

    pltpu.sync_copy(gidx_hbm.at[pl.ds(base, _BPW)], uv_v)
    pltpu.sync_copy(gidx_hbm.at[pl.ds(_B + base, _BPW)], iv_v)
    pltpu.sync_copy(w0_hbm, w0_v)

    for c in range(_BPW // 128):
        pltpu.async_copy(lin_hbm.at[uv_v.at[pl.ds(c * 128, 128)]],
                         lg_v.at[pl.ds(c * 128, 128)], lsem)
        pltpu.async_copy(lin_hbm.at[iv_v.at[pl.ds(c * 128, 128)]],
                         lg_v.at[pl.ds(_BPW + c * 128, 128)], lsem)

    def pb_u(k, carry):
        v = uv_v[pl.ds(k * _L, _L)]
        pb_v[pl.ds(k * _L, _L)] = ((v >> 7) << 10) + (v & 127)
        return carry

    def pb_i(k, carry):
        v = iv_v[pl.ds(k * _L, _L)]
        pb_v[pl.ds(_BPW + k * _L, _L)] = ((v >> 7) << 10) + (v & 127)
        return carry

    lax.fori_loop(0, _BPW // _L, pb_u, 0)
    lax.fori_loop(0, _BPW // _L, pb_i, 0)

    for d in range(_D):
        cd = (d // 8) * (_V * 8) + (d % 8) * 128

        def pidx_block(k, carry, d=d, cd=cd):
            pidx_v[d, pl.ds(k * _L, _L)] = pb_v[pl.ds(k * _L, _L)] + cd
            return carry

        lax.fori_loop(0, 2 * _BPW // _L, pidx_block, 0)
        for c in range(2 * _BPW // 128):
            pltpu.async_copy(
                qflat_hbm.at[pidx_v.at[d, pl.ds(c * 128, 128)]],
                gat_v.at[pl.ds(d * 2 * _BPW + c * 128, 128)], sem)

    pltpu.make_async_copy(gidx_hbm.at[pl.ds(0, 2 * _BPW * _D)], gat_v,
                          sem).wait()
    pltpu.make_async_copy(lin_hbm.at[pl.ds(0, 2 * _BPW)], lg_v, lsem).wait()

    w0 = w0_v[...]

    def block(i, carry):
        o = i * _L
        acc = w0 + lg_v[pl.ds(o, _L)] + lg_v[pl.ds(_BPW + o, _L)]
        for d in range(_D):
            u = gat_v[pl.ds(d * 2 * _BPW + o, _L)]
            t = gat_v[pl.ds(d * 2 * _BPW + _BPW + o, _L)]
            acc = acc + u * t
        out_v[pl.ds(o, _L)] = acc
        return carry

    lax.fori_loop(0, _BPW // _L, block, 0)

    pltpu.sync_copy(out_v, out_hbm.at[pl.ds(base, _BPW)])


@jax.jit
def _fm(gidx, qflat, lin_flat, w0_16):
    run = pl.kernel(
        _fm_body,
        out_type=jax.ShapeDtypeStruct((_B,), jnp.float32),
        mesh=plsc.VectorSubcoreMesh(core_axis_name="c", subcore_axis_name="s"),
        scratch_types=[
            pltpu.VMEM((_BPW,), jnp.int32),
            pltpu.VMEM((_BPW,), jnp.int32),
            pltpu.VMEM((2 * _BPW,), jnp.int32),
            pltpu.VMEM((_D, 2 * _BPW), jnp.int32),
            pltpu.VMEM((_D * 2 * _BPW,), jnp.float32),
            pltpu.VMEM((2 * _BPW,), jnp.float32),
            pltpu.VMEM((_BPW,), jnp.float32),
            pltpu.VMEM((_L,), jnp.float32),
            pltpu.SemaphoreType.DMA,
            pltpu.SemaphoreType.DMA,
        ],
        compiler_params=pltpu.CompilerParams(
            needs_layout_passes=False, use_tc_tiling_on_sc=False,
            skip_device_barrier=True, disable_bounds_checks=True,
            disable_semaphore_checks=True),
    )
    return run(gidx, qflat, lin_flat, w0_16)


def kernel(user_item, offset, linear_emb, quad_emb, w_0):
    gidx = (user_item + offset[None, :]).T.reshape(-1)
    qflat = (quad_emb.T.reshape(2, 8, _V // 128, 128)
             .transpose(0, 2, 1, 3).reshape(-1))
    lin_flat = linear_emb.reshape(-1)
    w0_16 = jnp.broadcast_to(w_0, (_L,)).astype(jnp.float32)
    return _fm(gidx, qflat, lin_flat, w0_16)

# --- scband reference (transcript-rebuilt; emitter-appended) ---
"""Pipeline reference for scband-factorization-machine-90503550861868 (READ-ONLY COPY).

The authoritative reference and input builder live on the scoring server;
editing this copy changes nothing except your own understanding.
"""

import jax, jax.numpy as jnp
import numpy as np

BATCH = 16384
N_USERS = 1000000
N_ITEMS = 1000000
N_FEATURE = N_USERS + N_ITEMS
N_EMBEDDING = 16


def setup_inputs(seed: int = 0) -> dict:
    key = jax.random.key(seed)
    k1, k2, k3, k4 = jax.random.split(key, 4)
    # user_item: per-field raw indices in [0, vocab_of_field); offset maps item field into its table slice
    user_item = jax.random.randint(k1, (BATCH, 2), 0, 1000000, dtype=jnp.int32)
    offset = jnp.array([0, N_USERS], dtype=jnp.int32)
    # learned parameters
    linear_emb = jax.random.normal(k2, (N_FEATURE, 1), dtype=jnp.float32) * 0.01
    bound = float(np.sqrt(6.0 / (N_FEATURE + N_EMBEDDING)))
    quad_emb = jax.random.uniform(k3, (N_FEATURE, N_EMBEDDING), dtype=jnp.float32, minval=-bound, maxval=bound)
    w_0 = jax.random.uniform(k4, (1,), dtype=jnp.float32)
    return {"user_item": user_item, "offset": offset, "linear_emb": linear_emb, "quad_emb": quad_emb, "w_0": w_0}


def reference(user_item, offset, linear_emb, quad_emb, w_0):
    # user_item: [B, 2] -> add per-field offsets
    idx = user_item + offset[None, :]
    # linear term: sum of 1-dim embeddings over fields + global bias
    linear_total = jnp.sum(jnp.take(linear_emb, idx, axis=0), axis=1) + w_0  # [B, 1]
    # second-order FM term
    x = jnp.take(quad_emb, idx, axis=0)  # [B, 2, d]
    square_of_sum = jnp.sum(x, axis=1) ** 2  # [B, d]
    sum_of_square = jnp.sum(x ** 2, axis=1)  # [B, d]
    cal = square_of_sum - sum_of_square
    cal = jnp.sum(cal, axis=1, keepdims=True)  # [B, 1]
    quad_total = 0.5 * cal
    out = (linear_total + quad_total).squeeze(1)  # [B] (is_classifier=False -> no sigmoid)
    return out

if __name__ == "__main__":
    import jax
    _d = setup_inputs()
    print(jax.jit(kernel)(*tuple(_d.values())))

</pallas_src>

<mosaic_0001>
#map = affine_map<(d0, d1) -> (0)>
module attributes {stable_mosaic.version = 14 : i64} {
  func.func @_fm_body(%arg0: i32, %arg1: i32, %arg2: memref<32768xi32, #tpu.memory_space<hbm>>, %arg3: memref<32000000xf32, #tpu.memory_space<hbm>>, %arg4: memref<2000000xf32, #tpu.memory_space<hbm>>, %arg5: memref<16xf32, #tpu.memory_space<hbm>>, %arg6: memref<16384xf32, #tpu.memory_space<hbm>>, %arg7: memref<512xi32, #tpu.memory_space<vmem>>, %arg8: memref<512xi32, #tpu.memory_space<vmem>>, %arg9: memref<1024xi32, #tpu.memory_space<vmem>>, %arg10: memref<16x1024xi32, #tpu.memory_space<vmem>>, %arg11: memref<16384xf32, #tpu.memory_space<vmem>>, %arg12: memref<1024xf32, #tpu.memory_space<vmem>>, %arg13: memref<512xf32, #tpu.memory_space<vmem>>, %arg14: memref<16xf32, #tpu.memory_space<vmem>>, %arg15: memref<!tpu.dma_semaphore, #tpu.memory_space<semaphore_mem>>, %arg16: memref<!tpu.dma_semaphore, #tpu.memory_space<semaphore_mem>>) attributes {dimension_semantics = [#tpu.dimension_semantics<core_parallel>, #tpu.dimension_semantics<subcore_parallel>], iteration_bounds = array<i64: 2, 16>, scalar_prefetch = 0 : i64, scratch_operands = 10 : i64, tpu.core_type = #tpu.core_type<sc_vector_subcore>, window_params = [{transform_indices = #map}, {transform_indices = #map}, {transform_indices = #map}, {transform_indices = #map}, {transform_indices = #map}]} {
    %mul3A = arith.constant 2 : i32
    %mul3A_0 = arith.muli %arg1, %mul3A : i32
    %add3A = arith.addi %mul3A_0, %arg0 : i32
    %mul3A_1 = arith.constant 512 : i32
    %mul3A_2 = arith.muli %add3A, %mul3A_1 : i32
    "tpu.region"() ({
      %run_scoped3A = tpu.sem_alloc : memref<!tpu.dma_semaphore, #tpu.memory_space<semaphore_mem>>
      %dma_start3A_1197 = tpu.memref_slice %arg2[%mul3A_2] : memref<32768xi32, #tpu.memory_space<hbm>> -> memref<512xi32, #tpu.memory_space<hbm>>
      %dma_start3A_1198 = tpu.memref_slice %arg2[%mul3A_2] : memref<32768xi32, #tpu.memory_space<hbm>> -> memref<512xi32, #tpu.memory_space<hbm>>
      tpu.enqueue_dma source(%dma_start3A_1198 : memref<512xi32, #tpu.memory_space<hbm>>) target(%arg7 : memref<512xi32, #tpu.memory_space<vmem>>) target_semaphore(%run_scoped3A : memref<!tpu.dma_semaphore, #tpu.memory_space<semaphore_mem>>)
      %dma_wait3A_1199 = tpu.memref_slice %arg2[%mul3A_2] : memref<32768xi32, #tpu.memory_space<hbm>> -> memref<512xi32, #tpu.memory_space<hbm>>
      %dma_wait3A_1200 = tpu.memref_slice %arg2[%mul3A_2] : memref<32768xi32, #tpu.memory_space<hbm>> -> memref<512xi32, #tpu.memory_space<hbm>>
      tpu.wait_dma2 semaphore(%run_scoped3A : memref<!tpu.dma_semaphore, #tpu.memory_space<semaphore_mem>>) src(%dma_wait3A_1200 : memref<512xi32, #tpu.memory_space<hbm>>) dst(%arg7 : memref<512xi32, #tpu.memory_space<vmem>>)
      tpu.yield
    }) : () -> ()
    %add3A_3 = arith.constant 16384 : i32
    %add3A_4 = arith.addi %add3A_3, %mul3A_2 : i32
    "tpu.region"() ({
      %run_scoped3A = tpu.sem_alloc : memref<!tpu.dma_semaphore, #tpu.memory_space<semaphore_mem>>
      %dma_start3A_1197 = tpu.memref_slice %arg2[%add3A_4] : memref<32768xi32, #tpu.memory_space<hbm>> -> memref<512xi32, #tpu.memory_space<hbm>>
      %dma_start3A_1198 = tpu.memref_slice %arg2[%add3A_4] : memref<32768xi32, #tpu.memory_space<hbm>> -> memref<512xi32, #tpu.memory_space<hbm>>
      tpu.enqueue_dma source(%dma_start3A_1198 : memref<512xi32, #tpu.memory_space<hbm>>) target(%arg8 : memref<512xi32, #tpu.memory_space<vmem>>) target_semaphore(%run_scoped3A : memref<!tpu.dma_semaphore, #tpu.memory_space<semaphore_mem>>)
      %dma_wait3A_1199 = tpu.memref_slice %arg2[%add3A_4] : memref<32768xi32, #tpu.memory_space<hbm>> -> memref<512xi32, #tpu.memory_space<hbm>>
      %dma_wait3A_1200 = tpu.memref_slice %arg2[%add3A_4] : memref<32768xi32, #tpu.memory_space<hbm>> -> memref<512xi32, #tpu.memory_space<hbm>>
      tpu.wait_dma2 semaphore(%run_scoped3A : memref<!tpu.dma_semaphore, #tpu.memory_space<semaphore_mem>>) src(%dma_wait3A_1200 : memref<512xi32, #tpu.memory_space<hbm>>) dst(%arg8 : memref<512xi32, #tpu.memory_space<vmem>>)
      tpu.yield
    }) : () -> ()
    "tpu.region"() ({
      %run_scoped3A = tpu.sem_alloc : memref<!tpu.dma_semaphore, #tpu.memory_space<semaphore_mem>>
      tpu.enqueue_dma source(%arg5 : memref<16xf32, #tpu.memory_space<hbm>>) target(%arg14 : memref<16xf32, #tpu.memory_space<vmem>>) target_semaphore(%run_scoped3A : memref<!tpu.dma_semaphore, #tpu.memory_space<semaphore_mem>>)
      tpu.wait_dma2 semaphore(%run_scoped3A : memref<!tpu.dma_semaphore, #tpu.memory_space<semaphore_mem>>) src(%arg5 : memref<16xf32, #tpu.memory_space<hbm>>) dst(%arg14 : memref<16xf32, #tpu.memory_space<vmem>>)
      tpu.yield
    }) : () -> ()
    %dma_start3A = arith.constant 0 : i32
    %dma_start3A_5 = tpu.memref_slice %arg12[%dma_start3A] : memref<1024xf32, #tpu.memory_space<vmem>> -> memref<128xf32, #tpu.memory_space<vmem>>
    %dma_start3A_6 = arith.constant 0 : i32
    %dma_start3A_7 = tpu.memref_slice %arg7[%dma_start3A_6] : memref<512xi32, #tpu.memory_space<vmem>> -> memref<128xi32, #tpu.memory_space<vmem>>
    %dma_start3A_8 = arith.constant 0 : i32
    %dma_start3A_9 = tpu.memref_slice %arg4[%dma_start3A_8] : memref<2000000xf32, #tpu.memory_space<hbm>> -> memref<2000000xf32, #tpu.memory_space<hbm>>
    tpu.enqueue_indirect_dma source(%dma_start3A_9 : memref<2000000xf32, #tpu.memory_space<hbm>>) target(%dma_start3A_5 : memref<128xf32, #tpu.memory_space<vmem>>) offsets(%dma_start3A_7 : memref<128xi32, #tpu.memory_space<vmem>>) semaphore(%arg16 : memref<!tpu.dma_semaphore, #tpu.memory_space<semaphore_mem>>)
    %dma_start3A_10 = arith.constant 512 : i32
    %dma_start3A_11 = tpu.memref_slice %arg12[%dma_start3A_10] : memref<1024xf32, #tpu.memory_space<vmem>> -> memref<128xf32, #tpu.memory_space<vmem>>
    %dma_start3A_12 = arith.constant 0 : i32
    %dma_start3A_13 = tpu.memref_slice %arg8[%dma_start3A_12] : memref<512xi32, #tpu.memory_space<vmem>> -> memref<128xi32, #tpu.memory_space<vmem>>
    %dma_start3A_14 = arith.constant 0 : i32
    %dma_start3A_15 = tpu.memref_slice %arg4[%dma_start3A_14] : memref<2000000xf32, #tpu.memory_space<hbm>> -> memref<2000000xf32, #tpu.memory_space<hbm>>
    tpu.enqueue_indirect_dma source(%dma_start3A_15 : memref<2000000xf32, #tpu.memory_space<hbm>>) target(%dma_start3A_11 : memref<128xf32, #tpu.memory_space<vmem>>) offsets(%dma_start3A_13 : memref<128xi32, #tpu.memory_space<vmem>>) semaphore(%arg16 : memref<!tpu.dma_semaphore, #tpu.memory_space<semaphore_mem>>)
    %dma_start3A_16 = arith.constant 128 : i32
    %dma_start3A_17 = tpu.memref_slice %arg12[%dma_start3A_16] : memref<1024xf32, #tpu.memory_space<vmem>> -> memref<128xf32, #tpu.memory_space<vmem>>
    %dma_start3A_18 = arith.constant 128 : i32
    %dma_start3A_19 = tpu.memref_slice %arg7[%dma_start3A_18] : memref<512xi32, #tpu.memory_space<vmem>> -> memref<128xi32, #tpu.memory_space<vmem>>
    %dma_start3A_20 = arith.constant 0 : i32
    %dma_start3A_21 = tpu.memref_slice %arg4[%dma_start3A_20] : memref<2000000xf32, #tpu.memory_space<hbm>> -> memref<2000000xf32, #tpu.memory_space<hbm>>
    tpu.enqueue_indirect_dma source(%dma_start3A_21 : memref<2000000xf32, #tpu.memory_space<hbm>>) target(%dma_start3A_17 : memref<128xf32, #tpu.memory_space<vmem>>) offsets(%dma_start3A_19 : memref<128xi32, #tpu.memory_space<vmem>>) semaphore(%arg16 : memref<!tpu.dma_semaphore, #tpu.memory_space<semaphore_mem>>)
    %dma_start3A_22 = arith.constant 640 : i32
    %dma_start3A_23 = tpu.memref_slice %arg12[%dma_start3A_22] : memref<1024xf32, #tpu.memory_space<vmem>> -> memref<128xf32, #tpu.memory_space<vmem>>
    %dma_start3A_24 = arith.constant 128 : i32
    %dma_start3A_25 = tpu.memref_slice %arg8[%dma_start3A_24] : memref<512xi32, #tpu.memory_space<vmem>> -> memref<128xi32, #tpu.memory_space<vmem>>
    %dma_start3A_26 = arith.constant 0 : i32
    %dma_start3A_27 = tpu.memref_slice %arg4[%dma_start3A_26] : memref<2000000xf32, #tpu.memory_space<hbm>> -> memref<2000000xf32, #tpu.memory_space<hbm>>
    tpu.enqueue_indirect_dma source(%dma_start3A_27 : memref<2000000xf32, #tpu.memory_space<hbm>>) target(%dma_start3A_23 : memref<128xf32, #tpu.memory_space<vmem>>) offsets(%dma_start3A_25 : memref<128xi32, #tpu.memory_space<vmem>>) semaphore(%arg16 : memref<!tpu.dma_semaphore, #tpu.memory_space<semaphore_mem>>)
    %dma_start3A_28 = arith.constant 256 : i32
    %dma_start3A_29 = tpu.memref_slice %arg12[%dma_start3A_28] : memref<1024xf32, #tpu.memory_space<vmem>> -> memref<128xf32, #tpu.memory_space<vmem>>
    %dma_start3A_30 = arith.constant 256 : i32
    %dma_start3A_31 = tpu.memref_slice %arg7[%dma_start3A_30] : memref<512xi32, #tpu.memory_space<vmem>> -> memref<128xi32, #tpu.memory_space<vmem>>
    %dma_start3A_32 = arith.constant 0 : i32
    %dma_start3A_33 = tpu.memref_slice %arg4[%dma_start3A_32] : memref<2000000xf32, #tpu.memory_space<hbm>> -> memref<2000000xf32, #tpu.memory_space<hbm>>
    tpu.enqueue_indirect_dma source(%dma_start3A_33 : memref<2000000xf32, #tpu.memory_space<hbm>>) target(%dma_start3A_29 : memref<128xf32, #tpu.memory_space<vmem>>) offsets(%dma_start3A_31 : memref<128xi32, #tpu.memory_space<vmem>>) semaphore(%arg16 : memref<!tpu.dma_semaphore, #tpu.memory_space<semaphore_mem>>)
    %dma_start3A_34 = arith.constant 768 : i32
    %dma_start3A_35 = tpu.memref_slice %arg12[%dma_start3A_34] : memref<1024xf32, #tpu.memory_space<vmem>> -> memref<128xf32, #tpu.memory_space<vmem>>
    %dma_start3A_36 = arith.constant 256 : i32
    %dma_start3A_37 = tpu.memref_slice %arg8[%dma_start3A_36] : memref<512xi32, #tpu.memory_space<vmem>> -> memref<128xi32, #tpu.memory_space<vmem>>
    %dma_start3A_38 = arith.constant 0 : i32
    %dma_start3A_39 = tpu.memref_slice %arg4[%dma_start3A_38] : memref<2000000xf32, #tpu.memory_space<hbm>> -> memref<2000000xf32, #tpu.memory_space<hbm>>
    tpu.enqueue_indirect_dma source(%dma_start3A_39 : memref<2000000xf32, #tpu.memory_space<hbm>>) target(%dma_start3A_35 : memref<128xf32, #tpu.memory_space<vmem>>) offsets(%dma_start3A_37 : memref<128xi32, #tpu.memory_space<vmem>>) semaphore(%arg16 : memref<!tpu.dma_semaphore, #tpu.memory_space<semaphore_mem>>)
    %dma_start3A_40 = arith.constant 384 : i32
    %dma_start3A_41 = tpu.memref_slice %arg12[%dma_start3A_40] : memref<1024xf32, #tpu.memory_space<vmem>> -> memref<128xf32, #tpu.memory_space<vmem>>
    %dma_start3A_42 = arith.constant 384 : i32
    %dma_start3A_43 = tpu.memref_slice %arg7[%dma_start3A_42] : memref<512xi32, #tpu.memory_space<vmem>> -> memref<128xi32, #tpu.memory_space<vmem>>
    %dma_start3A_44 = arith.constant 0 : i32
    %dma_start3A_45 = tpu.memref_slice %arg4[%dma_start3A_44] : memref<2000000xf32, #tpu.memory_space<hbm>> -> memref<2000000xf32, #tpu.memory_space<hbm>>
    tpu.enqueue_indirect_dma source(%dma_start3A_45 : memref<2000000xf32, #tpu.memory_space<hbm>>) target(%dma_start3A_41 : memref<128xf32, #tpu.memory_space<vmem>>) offsets(%dma_start3A_43 : memref<128xi32, #tpu.memory_space<vmem>>) semaphore(%arg16 : memref<!tpu.dma_semaphore, #tpu.memory_space<semaphore_mem>>)
    %dma_start3A_46 = arith.constant 896 : i32
    %dma_start3A_47 = tpu.memref_slice %arg12[%dma_start3A_46] : memref<1024xf32, #tpu.memory_space<vmem>> -> memref<128xf32, #tpu.memory_space<vmem>>
    %dma_start3A_48 = arith.constant 384 : i32
    %dma_start3A_49 = tpu.memref_slice %arg8[%dma_start3A_48] : memref<512xi32, #tpu.memory_space<vmem>> -> memref<128xi32, #tpu.memory_space<vmem>>
    %dma_start3A_50 = arith.constant 0 : i32
    %dma_start3A_51 = tpu.memref_slice %arg4[%dma_start3A_50] : memref<2000000xf32, #tpu.memory_space<hbm>> -> memref<2000000xf32, #tpu.memory_space<hbm>>
    tpu.enqueue_indirect_dma source(%dma_start3A_51 : memref<2000000xf32, #tpu.memory_space<hbm>>) target(%dma_start3A_47 : memref<128xf32, #tpu.memory_space<vmem>>) offsets(%dma_start3A_49 : memref<128xi32, #tpu.memory_space<vmem>>) semaphore(%arg16 : memref<!tpu.dma_semaphore, #tpu.memory_space<semaphore_mem>>)
    %scan3A = arith.constant 0 : i32
    %scan3A_52 = arith.constant 0 : i32
    %scan3A_53 = arith.constant 32 : i32
    %scan3A_54 = arith.addi %scan3A_52, %scan3A_53 : i32
    %scan3A_55 = arith.constant 1 : i32
    scf.for %scan3A_1197 = %scan3A_52 to %scan3A_54 step %scan3A_55  : i32 {
      %mul3A_1198 = arith.constant 16 : i32
      %mul3A_1199 = arith.muli %scan3A_1197, %mul3A_1198 : i32
      %get3A_1200 = arith.index_cast %mul3A_1199 : i32 to index
      %get3A_1201 = tpu.vector_load %arg7[%get3A_1200] {strides = array<i32>} : memref<512xi32, #tpu.memory_space<vmem>>, vector<16xi32>,
      %shift_right_arithmetic3A = arith.constant 7 : i32
      %shift_right_arithmetic3A_1202 = vector.broadcast %shift_right_arithmetic3A : i32 to vector<16xi32>
      %shift_right_arithmetic3A_1203 = arith.shrsi %get3A_1201, %shift_right_arithmetic3A_1202 : vector<16xi32>
      %shift_left3A = arith.constant 10 : i32
      %shift_left3A_1204 = vector.broadcast %shift_left3A : i32 to vector<16xi32>
      %shift_left3A_1205 = arith.shli %shift_right_arithmetic3A_1203, %shift_left3A_1204 : vector<16xi32>
      %and3A = arith.constant 127 : i32
      %and3A_1206 = vector.broadcast %and3A : i32 to vector<16xi32>
      %and3A_1207 = arith.andi %get3A_1201, %and3A_1206 : vector<16xi32>
      %add3A_1208 = arith.addi %shift_left3A_1205, %and3A_1207 : vector<16xi32>
      %mul3A_1209 = arith.constant 16 : i32
      %mul3A_1210 = arith.muli %scan3A_1197, %mul3A_1209 : i32
      %swap3A = arith.index_cast %mul3A_1210 : i32 to index
      %swap3A_1211 = tpu.vector_load %arg9[%swap3A] {strides = array<i32>} : memref<1024xi32, #tpu.memory_space<vmem>>, vector<16xi32>,
      tpu.vector_store %arg9[%swap3A], %add3A_1208 {strides = array<i32>} : memref<1024xi32, #tpu.memory_space<vmem>>, vector<16xi32>,
    }
    %scan3A_56 = arith.constant 32 : i32
    %scan3A_57 = arith.constant 0 : i32
    %scan3A_58 = arith.constant 0 : i32
    %scan3A_59 = arith.constant 32 : i32
    %scan3A_60 = arith.addi %scan3A_58, %scan3A_59 : i32
    %scan3A_61 = arith.constant 1 : i32
    scf.for %scan3A_1197 = %scan3A_58 to %scan3A_60 step %scan3A_61  : i32 {
      %mul3A_1198 = arith.constant 16 : i32
      %mul3A_1199 = arith.muli %scan3A_1197, %mul3A_1198 : i32
      %get3A_1200 = arith.index_cast %mul3A_1199 : i32 to index
      %get3A_1201 = tpu.vector_load %arg8[%get3A_1200] {strides = array<i32>} : memref<512xi32, #tpu.memory_space<vmem>>, vector<16xi32>,
      %shift_right_arithmetic3A = arith.constant 7 : i32
      %shift_right_arithmetic3A_1202 = vector.broadcast %shift_right_arithmetic3A : i32 to vector<16xi32>
      %shift_right_arithmetic3A_1203 = arith.shrsi %get3A_1201, %shift_right_arithmetic3A_1202 : vector<16xi32>
      %shift_left3A = arith.constant 10 : i32
      %shift_left3A_1204 = vector.broadcast %shift_left3A : i32 to vector<16xi32>
      %shift_left3A_1205 = arith.shli %shift_right_arithmetic3A_1203, %shift_left3A_1204 : vector<16xi32>
      %and3A = arith.constant 127 : i32
      %and3A_1206 = vector.broadcast %and3A : i32 to vector<16xi32>
      %and3A_1207 = arith.andi %get3A_1201, %and3A_1206 : vector<16xi32>
      %add3A_1208 = arith.addi %shift_left3A_1205, %and3A_1207 : vector<16xi32>
      %mul3A_1209 = arith.constant 16 : i32
      %mul3A_1210 = arith.muli %scan3A_1197, %mul3A_1209 : i32
      %add3A_1211 = arith.constant 512 : i32
      %add3A_1212 = arith.addi %add3A_1211, %mul3A_1210 : i32
      %swap3A = arith.index_cast %add3A_1212 : i32 to index
      %swap3A_1213 = tpu.vector_load %arg9[%swap3A] {strides = array<i32>} : memref<1024xi32, #tpu.memory_space<vmem>>, vector<16xi32>,
      tpu.vector_store %arg9[%swap3A], %add3A_1208 {strides = array<i32>} : memref<1024xi32, #tpu.memory_space<vmem>>, vector<16xi32>,
    }
    %scan3A_62 = arith.constant 32 : i32
    %scan3A_63 = arith.constant 0 : i32
    %scan3A_64 = arith.constant 0 : i32
    %scan3A_65 = arith.constant 64 : i32
    %scan3A_66 = arith.addi %scan3A_64, %scan3A_65 : i32
    %scan3A_67 = arith.constant 1 : i32
    scf.for %scan3A_1197 = %scan3A_64 to %scan3A_66 step %scan3A_67  : i32 {
      %mul3A_1198 = arith.constant 16 : i32
      %mul3A_1199 = arith.muli %scan3A_1197, %mul3A_1198 : i32
      %get3A_1200 = arith.index_cast %mul3A_1199 : i32 to index
      %get3A_1201 = tpu.vector_load %arg9[%get3A_1200] {strides = array<i32>} : memref<1024xi32, #tpu.memory_space<vmem>>, vector<16xi32>,
      %add3A_1202 = arith.constant 0 : i32
      %add3A_1203 = vector.broadcast %add3A_1202 : i32 to vector<16xi32>
      %add3A_1204 = arith.addi %get3A_1201, %add3A_1203 : vector<16xi32>
      %mul3A_1205 = arith.constant 16 : i32
      %mul3A_1206 = arith.muli %scan3A_1197, %mul3A_1205 : i32
      %swap3A = arith.constant 0 : i32
      %swap3A_1207 = arith.index_cast %swap3A : i32 to index
      %swap3A_1208 = arith.index_cast %mul3A_1206 : i32 to index
      %swap3A_1209 = tpu.vector_load %arg10[%swap3A_1207, %swap3A_1208] {strides = array<i32>} : memref<16x1024xi32, #tpu.memory_space<vmem>>, vector<16xi32>,
      tpu.vector_store %arg10[%swap3A_1207, %swap3A_1208], %add3A_1204 {strides = array<i32>} : memref<16x1024xi32, #tpu.memory_space<vmem>>, vector<16xi32>,
    }
    %scan3A_68 = arith.constant 64 : i32
    %dma_start3A_69 = arith.constant 0 : i32
    %dma_start3A_70 = arith.constant 0 : i32
    %dma_start3A_71 = tpu.memref_slice %arg11[%dma_start3A_70] : memref<16384xf32, #tpu.memory_space<vmem>> -> memref<128xf32, #tpu.memory_space<vmem>>
    %dma_start3A_72 = arith.constant 0 : i32
    %dma_start3A_73 = tpu.memref_slice %arg10[%dma_start3A_69, %dma_start3A_72] : memref<16x1024xi32, #tpu.memory_space<vmem>> -> memref<1x128xi32, #tpu.memory_space<vmem>>
    %dma_start3A_74 = tpu.memref_squeeze %dma_start3A_73 : memref<1x128xi32, #tpu.memory_space<vmem>> -> memref<128xi32, #tpu.memory_space<vmem>>
    %dma_start3A_75 = arith.constant 0 : i32
    %dma_start3A_76 = tpu.memref_slice %arg3[%dma_start3A_75] : memref<32000000xf32, #tpu.memory_space<hbm>> -> memref<32000000xf32, #tpu.memory_space<hbm>>
    tpu.enqueue_indirect_dma source(%dma_start3A_76 : memref<32000000xf32, #tpu.memory_space<hbm>>) target(%dma_start3A_71 : memref<128xf32, #tpu.memory_space<vmem>>) offsets(%dma_start3A_74 : memref<128xi32, #tpu.memory_space<vmem>>) semaphore(%arg15 : memref<!tpu.dma_semaphore, #tpu.memory_space<semaphore_mem>>)
    %dma_start3A_77 = arith.constant 0 : i32
    %dma_start3A_78 = arith.constant 128 : i32
    %dma_start3A_79 = tpu.memref_slice %arg11[%dma_start3A_78] : memref<16384xf32, #tpu.memory_space<vmem>> -> memref<128xf32, #tpu.memory_space<vmem>>
    %dma_start3A_80 = arith.constant 128 : i32
    %dma_start3A_81 = tpu.memref_slice %arg10[%dma_start3A_77, %dma_start3A_80] : memref<16x1024xi32, #tpu.memory_space<vmem>> -> memref<1x128xi32, #tpu.memory_space<vmem>>
    %dma_start3A_82 = tpu.memref_squeeze %dma_start3A_81 : memref<1x128xi32, #tpu.memory_space<vmem>> -> memref<128xi32, #tpu.memory_space<vmem>>
    %dma_start3A_83 = arith.constant 0 : i32
    %dma_start3A_84 = tpu.memref_slice %arg3[%dma_start3A_83] : memref<32000000xf32, #tpu.memory_space<hbm>> -> memref<32000000xf32, #tpu.memory_space<hbm>>
    tpu.enqueue_indirect_dma source(%dma_start3A_84 : memref<32000000xf32, #tpu.memory_space<hbm>>) target(%dma_start3A_79 : memref<128xf32, #tpu.memory_space<vmem>>) offsets(%dma_start3A_82 : memref<128xi32, #tpu.memory_space<vmem>>) semaphore(%arg15 : memref<!tpu.dma_semaphore, #tpu.memory_space<semaphore_mem>>)
    %dma_start3A_85 = arith.constant 0 : i32
    %dma_start3A_86 = arith.constant 256 : i32
    %dma_start3A_87 = tpu.memref_slice %arg11[%dma_start3A_86] : memref<16384xf32, #tpu.memory_space<vmem>> -> memref<128xf32, #tpu.memory_space<vmem>>
    %dma_start3A_88 = arith.constant 256 : i32
    %dma_start3A_89 = tpu.memref_slice %arg10[%dma_start3A_85, %dma_start3A_88] : memref<16x1024xi32, #tpu.memory_space<vmem>> -> memref<1x128xi32, #tpu.memory_space<vmem>>
    %dma_start3A_90 = tpu.memref_squeeze %dma_start3A_89 : memref<1x128xi32, #tpu.memory_space<vmem>> -> memref<128xi32, #tpu.memory_space<vmem>>
    %dma_start3A_91 = arith.constant 0 : i32
    %dma_start3A_92 = tpu.memref_slice %arg3[%dma_start3A_91] : memref<32000000xf32, #tpu.memory_space<hbm>> -> memref<32000000xf32, #tpu.memory_space<hbm>>
    tpu.enqueue_indirect_dma source(%dma_start3A_92 : memref<32000000xf32, #tpu.memory_space<hbm>>) target(%dma_start3A_87 : memref<128xf32, #tpu.memory_space<vmem>>) offsets(%dma_start3A_90 : memref<128xi32, #tpu.memory_space<vmem>>) semaphore(%arg15 : memref<!tpu.dma_semaphore, #tpu.memory_space<semaphore_mem>>)
    %dma_start3A_93 = arith.constant 0 : i32
    %dma_start3A_94 = arith.constant 384 : i32
    %dma_start3A_95 = tpu.memref_slice %arg11[%dma_start3A_94] : memref<16384xf32, #tpu.memory_space<vmem>> -> memref<128xf32, #tpu.memory_space<vmem>>
    %dma_start3A_96 = arith.constant 384 : i32
    %dma_start3A_97 = tpu.memref_slice %arg10[%dma_start3A_93, %dma_start3A_96] : memref<16x1024xi32, #tpu.memory_space<vmem>> -> memref<1x128xi32, #tpu.memory_space<vmem>>
    %dma_start3A_98 = tpu.memref_squeeze %dma_start3A_97 : memref<1x128xi32, #tpu.memory_space<vmem>> -> memref<128xi32, #tpu.memory_space<vmem>>
    %dma_start3A_99 = arith.constant 0 : i32
    %dma_start3A_100 = tpu.memref_slice %arg3[%dma_start3A_99] : memref<32000000xf32, #tpu.memory_space<hbm>> -> memref<32000000xf32, #tpu.memory_space<hbm>>
    tpu.enqueue_indirect_dma source(%dma_start3A_100 : memref<32000000xf32, #tpu.memory_space<hbm>>) target(%dma_start3A_95 : memref<128xf32, #tpu.memory_space<vmem>>) offsets(%dma_start3A_98 : memref<128xi32, #tpu.memory_space<vmem>>) semaphore(%arg15 : memref<!tpu.dma_semaphore, #tpu.memory_space<semaphore_mem>>)
    %dma_start3A_101 = arith.constant 0 : i32
    %dma_start3A_102 = arith.constant 512 : i32
    %dma_start3A_103 = tpu.memref_slice %arg11[%dma_start3A_102] : memref<16384xf32, #tpu.memory_space<vmem>> -> memref<128xf32, #tpu.memory_space<vmem>>
    %dma_start3A_104 = arith.constant 512 : i32
    %dma_start3A_105 = tpu.memref_slice %arg10[%dma_start3A_101, %dma_start3A_104] : memref<16x1024xi32, #tpu.memory_space<vmem>> -> memref<1x128xi32, #tpu.memory_space<vmem>>
    %dma_start3A_106 = tpu.memref_squeeze %dma_start3A_105 : memref<1x128xi32, #tpu.memory_space<vmem>> -> memref<128xi32, #tpu.memory_space<vmem>>
    %dma_start3A_107 = arith.constant 0 : i32
    %dma_start3A_108 = tpu.memref_slice %arg3[%dma_start3A_107] : memref<32000000xf32, #tpu.memory_space<hbm>> -> memref<32000000xf32, #tpu.memory_space<hbm>>
    tpu.enqueue_indirect_dma source(%dma_start3A_108 : memref<32000000xf32, #tpu.memory_space<hbm>>) target(%dma_start3A_103 : memref<128xf32, #tpu.memory_space<vmem>>) offsets(%dma_start3A_106 : memref<128xi32, #tpu.memory_space<vmem>>) semaphore(%arg15 : memref<!tpu.dma_semaphore, #tpu.memory_space<semaphore_mem>>)
    %dma_start3A_109 = arith.constant 0 : i32
    %dma_start3A_110 = arith.constant 640 : i32
    %dma_start3A_111 = tpu.memref_slice %arg11[%dma_start3A_110] : memref<16384xf32, #tpu.memory_space<vmem>> -> memref<128xf32, #tpu.memory_space<vmem>>
    %dma_start3A_112 = arith.constant 640 : i32
    %dma_start3A_113 = tpu.memref_slice %arg10[%dma_start3A_109, %dma_start3A_112] : memref<16x1024xi32, #tpu.memory_space<vmem>> -> memref<1x128xi32, #tpu.memory_space<vmem>>
    %dma_start3A_114 = tpu.memref_squeeze %dma_start3A_113 : memref<1x128xi32, #tpu.memory_space<vmem>> -> memref<128xi32, #tpu.memory_space<vmem>>
    %dma_start3A_115 = arith.constant 0 : i32
    %dma_start3A_116 = tpu.memref_slice %arg3[%dma_start3A_115] : memref<32000000xf32, #tpu.memory_space<hbm>> -> memref<32000000xf32, #tpu.memory_space<hbm>>
    tpu.enqueue_indirect_dma source(%dma_start3A_116 : memref<32000000xf32, #tpu.memory_space<hbm>>) target(%dma_start3A_111 : memref<128xf32, #tpu.memory_space<vmem>>) offsets(%dma_start3A_114 : memref<128xi32, #tpu.memory_space<vmem>>) semaphore(%arg15 : memref<!tpu.dma_semaphore, #tpu.memory_space<semaphore_mem>>)
    %dma_start3A_117 = arith.constant 0 : i32
    %dma_start3A_118 = arith.constant 768 : i32
    %dma_start3A_119 = tpu.memref_slice %arg11[%dma_start3A_118] : memref<16384xf32, #tpu.memory_space<vmem>> -> memref<128xf32, #tpu.memory_space<vmem>>
    %dma_start3A_120 = arith.constant 768 : i32
    %dma_start3A_121 = tpu.memref_slice %arg10[%dma_start3A_117, %dma_start3A_120] : memref<16x1024xi32, #tpu.memory_space<vmem>> -> memref<1x128xi32, #tpu.memory_space<vmem>>
    %dma_start3A_122 = tpu.memref_squeeze %dma_start3A_121 : memref<1x128xi32, #tpu.memory_space<vmem>> -> memref<128xi32, #tpu.memory_space<vmem>>
    %dma_start3A_123 = arith.constant 0 : i32
    %dma_start3A_124 = tpu.memref_slice %arg3[%dma_start3A_123] : memref<32000000xf32, #tpu.memory_space<hbm>> -> memref<32000000xf32, #tpu.memory_space<hbm>>
    tpu.enqueue_indirect_dma source(%dma_start3A_124 : memref<32000000xf32, #tpu.memory_space<hbm>>) target(%dma_start3A_119 : memref<128xf32, #tpu.memory_space<vmem>>) offsets(%dma_start3A_122 : memref<128xi32, #tpu.memory_space<vmem>>) semaphore(%arg15 : memref<!tpu.dma_semaphore, #tpu.memory_space<semaphore_mem>>)
    %dma_start3A_125 = arith.constant 0 : i32
    %dma_start3A_126 = arith.constant 896 : i32
    %dma_start3A_127 = tpu.memref_slice %arg11[%dma_start3A_126] : memref<16384xf32, #tpu.memory_space<vmem>> -> memref<128xf32, #tpu.memory_space<vmem>>
    %dma_start3A_128 = arith.constant 896 : i32
    %dma_start3A_129 = tpu.memref_slice %arg10[%dma_start3A_125, %dma_start3A_128] : memref<16x1024xi32, #tpu.memory_space<vmem>> -> memref<1x128xi32, #tpu.memory_space<vmem>>
    %dma_start3A_130 = tpu.memref_squeeze %dma_start3A_129 : memref<1x128xi32, #tpu.memory_space<vmem>> -> memref<128xi32, #tpu.memory_space<vmem>>
    %dma_start3A_131 = arith.constant 0 : i32
    %dma_start3A_132 = tpu.memref_slice %arg3[%dma_start3A_131] : memref<32000000xf32, #tpu.memory_space<hbm>> -> memref<32000000xf32, #tpu.memory_space<hbm>>
    tpu.enqueue_indirect_dma source(%dma_start3A_132 : memref<32000000xf32, #tpu.memory_space<hbm>>) target(%dma_start3A_127 : memref<128xf32, #tpu.memory_space<vmem>>) offsets(%dma_start3A_130 : memref<128xi32, #tpu.memory_space<vmem>>) semaphore(%arg15 : memref<!tpu.dma_semaphore, #tpu.memory_space<semaphore_mem>>)
    %scan3A_133 = arith.constant 0 : i32
    %scan3A_134 = arith.constant 0 : i32
    %scan3A_135 = arith.constant 64 : i32
    %scan3A_136 = arith.addi %scan3A_134, %scan3A_135 : i32
    %scan3A_137 = arith.constant 1 : i32
    scf.for %scan3A_1197 = %scan3A_134 to %scan3A_136 step %scan3A_137  : i32 {
      %mul3A_1198 = arith.constant 16 : i32
      %mul3A_1199 = arith.muli %scan3A_1197, %mul3A_1198 : i32
      %get3A_1200 = arith.index_cast %mul3A_1199 : i32 to index
      %get3A_1201 = tpu.vector_load %arg9[%get3A_1200] {strides = array<i32>} : memref<1024xi32, #tpu.memory_space<vmem>>, vector<16xi32>,
      %add3A_1202 = arith.constant 128 : i32
      %add3A_1203 = vector.broadcast %add3A_1202 : i32 to vector<16xi32>
      %add3A_1204 = arith.addi %get3A_1201, %add3A_1203 : vector<16xi32>
      %mul3A_1205 = arith.constant 16 : i32
      %mul3A_1206 = arith.muli %scan3A_1197, %mul3A_1205 : i32
      %swap3A = arith.constant 1 : i32
      %swap3A_1207 = arith.index_cast %swap3A : i32 to index
      %swap3A_1208 = arith.index_cast %mul3A_1206 : i32 to index
      %swap3A_1209 = tpu.vector_load %arg10[%swap3A_1207, %swap3A_1208] {strides = array<i32>} : memref<16x1024xi32, #tpu.memory_space<vmem>>, vector<16xi32>,
      tpu.vector_store %arg10[%swap3A_1207, %swap3A_1208], %add3A_1204 {strides = array<i32>} : memref<16x1024xi32, #tpu.memory_space<vmem>>, vector<16xi32>,
    }
    %scan3A_138 = arith.constant 64 : i32
    %dma_start3A_139 = arith.constant 1 : i32
    %dma_start3A_140 = arith.constant 1024 : i32
    %dma_start3A_141 = tpu.memref_slice %arg11[%dma_start3A_140] : memref<16384xf32, #tpu.memory_space<vmem>> -> memref<128xf32, #tpu.memory_space<vmem>>
    %dma_start3A_142 = arith.constant 0 : i32
    %dma_start3A_143 = tpu.memref_slice %arg10[%dma_start3A_139, %dma_start3A_142] : memref<16x1024xi32, #tpu.memory_space<vmem>> -> memref<1x128xi32, #tpu.memory_space<vmem>>
    %dma_start3A_144 = tpu.memref_squeeze %dma_start3A_143 : memref<1x128xi32, #tpu.memory_space<vmem>> -> memref<128xi32, #tpu.memory_space<vmem>>
    %dma_start3A_145 = arith.constant 0 : i32
    %dma_start3A_146 = tpu.memref_slice %arg3[%dma_start3A_145] : memref<32000000xf32, #tpu.memory_space<hbm>> -> memref<32000000xf32, #tpu.memory_space<hbm>>
    tpu.enqueue_indirect_dma source(%dma_start3A_146 : memref<32000000xf32, #tpu.memory_space<hbm>>) target(%dma_start3A_141 : memref<128xf32, #tpu.memory_space<vmem>>) offsets(%dma_start3A_144 : memref<128xi32, #tpu.memory_space<vmem>>) semaphore(%arg15 : memref<!tpu.dma_semaphore, #tpu.memory_space<semaphore_mem>>)
    %dma_start3A_147 = arith.constant 1 : i32
    %dma_start3A_148 = arith.constant 1152 : i32
    %dma_start3A_149 = tpu.memref_slice %arg11[%dma_start3A_148] : memref<16384xf32, #tpu.memory_space<vmem>> -> memref<128xf32, #tpu.memory_space<vmem>>
    %dma_start3A_150 = arith.constant 128 : i32
    %dma_start3A_151 = tpu.memref_slice %arg10[%dma_start3A_147, %dma_start3A_150] : memref<16x1024xi32, #tpu.memory_space<vmem>> -> memref<1x128xi32, #tpu.memory_space<vmem>>
    %dma_start3A_152 = tpu.memref_squeeze %dma_start3A_151 : memref<1x128xi32, #tpu.memory_space<vmem>> -> memref<128xi32, #tpu.memory_space<vmem>>
    %dma_start3A_153 = arith.constant 0 : i32
    %dma_start3A_154 = tpu.memref_slice %arg3[%dma_start3A_153] : memref<32000000xf32, #tpu.memory_space<hbm>> -> memref<32000000xf32, #tpu.memory_space<hbm>>
    tpu.enqueue_indirect_dma source(%dma_start3A_154 : memref<32000000xf32, #tpu.memory_space<hbm>>) target(%dma_start3A_149 : memref<128xf32, #tpu.memory_space<vmem>>) offsets(%dma_start3A_152 : memref<128xi32, #tpu.memory_space<vmem>>) semaphore(%arg15 : memref<!tpu.dma_semaphore, #tpu.memory_space<semaphore_mem>>)
    %dma_start3A_155 = arith.constant 1 : i32
    %dma_start3A_156 = arith.constant 1280 : i32
    %dma_start3A_157 = tpu.memref_slice %arg11[%dma_start3A_156] : memref<16384xf32, #tpu.memory_space<vmem>> -> memref<128xf32, #tpu.memory_space<vmem>>
    %dma_start3A_158 = arith.constant 256 : i32
    %dma_start3A_159 = tpu.memref_slice %arg10[%dma_start3A_155, %dma_start3A_158] : memref<16x1024xi32, #tpu.memory_space<vmem>> -> memref<1x128xi32, #tpu.memory_space<vmem>>
    %dma_start3A_160 = tpu.memref_squeeze %dma_start3A_159 : memref<1x128xi32, #tpu.memory_space<vmem>> -> memref<128xi32, #tpu.memory_space<vmem>>
    %dma_start3A_161 = arith.constant 0 : i32
    %dma_start3A_162 = tpu.memref_slice %arg3[%dma_start3A_161] : memref<32000000xf32, #tpu.memory_space<hbm>> -> memref<32000000xf32, #tpu.memory_space<hbm>>
    tpu.enqueue_indirect_dma source(%dma_start3A_162 : memref<32000000xf32, #tpu.memory_space<hbm>>) target(%dma_start3A_157 : memref<128xf32, #tpu.memory_space<vmem>>) offsets(%dma_start3A_160 : memref<128xi32, #tpu.memory_space<vmem>>) semaphore(%arg15 : memref<!tpu.dma_semaphore, #tpu.memory_space<semaphore_mem>>)
    %dma_start3A_163 = arith.constant 1 : i32
    %dma_start3A_164 = arith.constant 1408 : i32
    %dma_start3A_165 = tpu.memref_slice %arg11[%dma_start3A_164] : memref<16384xf32, #tpu.memory_space<vmem>> -> memref<128xf32, #tpu.memory_space<vmem>>
    %dma_start3A_166 = arith.constant 384 : i32
    %dma_start3A_167 = tpu.memref_slice %arg10[%dma_start3A_163, %dma_start3A_166] : memref<16x1024xi32, #tpu.memory_space<vmem>> -> memref<1x128xi32, #tpu.memory_space<vmem>>
    %dma_start3A_168 = tpu.memref_squeeze %dma_start3A_167 : memref<1x128xi32, #tpu.memory_space<vmem>> -> memref<128xi32, #tpu.memory_space<vmem>>
    %dma_start3A_169 = arith.constant 0 : i32
    %dma_start3A_170 = tpu.memref_slice %arg3[%dma_start3A_169] : memref<32000000xf32, #tpu.memory_space<hbm>> -> memref<32000000xf32, #tpu.memory_space<hbm>>
    tpu.enqueue_indirect_dma source(%dma_start3A_170 : memref<32000000xf32, #tpu.memory_space<hbm>>) target(%dma_start3A_165 : memref<128xf32, #tpu.memory_space<vmem>>) offsets(%dma_start3A_168 : memref<128xi32, #tpu.memory_space<vmem>>) semaphore(%arg15 : memref<!tpu.dma_semaphore, #tpu.memory_space<semaphore_mem>>)
    %dma_start3A_171 = arith.constant 1 : i32
    %dma_start3A_172 = arith.constant 1536 : i32
    %dma_start3A_173 = tpu.memref_slice %arg11[%dma_start3A_172] : memref<16384xf32, #tpu.memory_space<vmem>> -> memref<128xf32, #tpu.memory_space<vmem>>
    %dma_start3A_174 = arith.constant 512 : i32
    %dma_start3A_175 = tpu.memref_slice %arg10[%dma_start3A_171, %dma_start3A_174] : memref<16x1024xi32, #tpu.memory_space<vmem>> -> memref<1x128xi32, #tpu.memory_space<vmem>>
    %dma_start3A_176 = tpu.memref_squeeze %dma_start3A_175 : memref<1x128xi32, #tpu.memory_space<vmem>> -> memref<128xi32, #tpu.memory_space<vmem>>
    %dma_start3A_177 = arith.constant 0 : i32
    %dma_start3A_178 = tpu.memref_slice %arg3[%dma_start3A_177] : memref<32000000xf32, #tpu.memory_space<hbm>> -> memref<32000000xf32, #tpu.memory_space<hbm>>
    tpu.enqueue_indirect_dma source(%dma_start3A_178 : memref<32000000xf32, #tpu.memory_space<hbm>>) target(%dma_start3A_173 : memref<128xf32, #tpu.memory_space<vmem>>) offsets(%dma_start3A_176 : memref<128xi32, #tpu.memory_space<vmem>>) semaphore(%arg15 : memref<!tpu.dma_semaphore, #tpu.memory_space<semaphore_mem>>)
    %dma_start3A_179 = arith.constant 1 : i32
    %dma_start3A_180 = arith.constant 1664 : i32
    %dma_start3A_181 = tpu.memref_slice %arg11[%dma_start3A_180] : memref<16384xf32, #tpu.memory_space<vmem>> -> memref<128xf32, #tpu.memory_space<vmem>>
    %dma_start3A_182 = arith.constant 640 : i32
    %dma_start3A_183 = tpu.memref_slice %arg10[%dma_start3A_179, %dma_start3A_182] : memref<16x1024xi32, #tpu.memory_space<vmem>> -> memref<1x128xi32, #tpu.memory_space<vmem>>
    %dma_start3A_184 = tpu.memref_squeeze %dma_start3A_183 : memref<1x128xi32, #tpu.memory_space<vmem>> -> memref<128xi32, #tpu.memory_space<vmem>>
    %dma_start3A_185 = arith.constant 0 : i32
    %dma_start3A_186 = tpu.memref_slice %arg3[%dma_start3A_185] : memref<32000000xf32, #tpu.memory_space<hbm>> -> memref<32000000xf32, #tpu.memory_space<hbm>>
    tpu.enqueue_indirect_dma source(%dma_start3A_186 : memref<32000000xf32, #tpu.memory_space<hbm>>) target(%dma_start3A_181 : memref<128xf32, #tpu.memory_space<vmem>>) offsets(%dma_start3A_184 : memref<128xi32, #tpu.memory_space<vmem>>) semaphore(%arg15 : memref<!tpu.dma_semaphore, #tpu.memory_space<semaphore_mem>>)
    %dma_start3A_187 = arith.constant 1 : i32
    %dma_start3A_188 = arith.constant 1792 : i32
    %dma_start3A_189 = tpu.memref_slice %arg11[%dma_start3A_188] : memref<16384xf32, #tpu.memory_space<vmem>> -> memref<128xf32, #tpu.memory_space<vmem>>
    %dma_start3A_190 = arith.constant 768 : i32
    %dma_start3A_191 = tpu.memref_slice %arg10[%dma_start3A_187, %dma_start3A_190] : memref<16x1024xi32, #tpu.memory_space<vmem>> -> memref<1x128xi32, #tpu.memory_space<vmem>>
    %dma_start3A_192 = tpu.memref_squeeze %dma_start3A_191 : memref<1x128xi32, #tpu.memory_space<vmem>> -> memref<128xi32, #tpu.memory_space<vmem>>
    %dma_start3A_193 = arith.constant 0 : i32
    %dma_start3A_194 = tpu.memref_slice %arg3[%dma_start3A_193] : memref<32000000xf32, #tpu.memory_space<hbm>> -> memref<32000000xf32, #tpu.memory_space<hbm>>
    tpu.enqueue_indirect_dma source(%dma_start3A_194 : memref<32000000xf32, #tpu.memory_space<hbm>>) target(%dma_start3A_189 : memref<128xf32, #tpu.memory_space<vmem>>) offsets(%dma_start3A_192 : memref<128xi32, #tpu.memory_space<vmem>>) semaphore(%arg15 : memref<!tpu.dma_semaphore, #tpu.memory_space<semaphore_mem>>)
    %dma_start3A_195 = arith.constant 1 : i32
    %dma_start3A_196 = arith.constant 1920 : i32
    %dma_start3A_197 = tpu.memref_slice %arg11[%dma_start3A_196] : memref<16384xf32, #tpu.memory_space<vmem>> -> memref<128xf32, #tpu.memory_space<vmem>>
    %dma_start3A_198 = arith.constant 896 : i32
    %dma_start3A_199 = tpu.memref_slice %arg10[%dma_start3A_195, %dma_start3A_198] : memref<16x1024xi32, #tpu.memory_space<vmem>> -> memref<1x128xi32, #tpu.memory_space<vmem>>
    %dma_start3A_200 = tpu.memref_squeeze %dma_start3A_199 : memref<1x128xi32, #tpu.memory_space<vmem>> -> memref<128xi32, #tpu.memory_space<vmem>>
    %dma_start3A_201 = arith.constant 0 : i32
    %dma_start3A_202 = tpu.memref_slice %arg3[%dma_start3A_201] : memref<32000000xf32, #tpu.memory_space<hbm>> -> memref<32000000xf32, #tpu.memory_space<hbm>>
    tpu.enqueue_indirect_dma source(%dma_start3A_202 : memref<32000000xf32, #tpu.memory_space<hbm>>) target(%dma_start3A_197 : memref<128xf32, #tpu.memory_space<vmem>>) offsets(%dma_start3A_200 : memref<128xi32, #tpu.memory_space<vmem>>) semaphore(%arg15 : memref<!tpu.dma_semaphore, #tpu.memory_space<semaphore_mem>>)
    %scan3A_203 = arith.constant 0 : i32
    %scan3A_204 = arith.constant 0 : i32
    %scan3A_205 = arith.constant 64 : i32
    %scan3A_206 = arith.addi %scan3A_204, %scan3A_205 : i32
    %scan3A_207 = arith.constant 1 : i32
    scf.for %scan3A_1197 = %scan3A_204 to %scan3A_206 step %scan3A_207  : i32 {
      %mul3A_1198 = arith.constant 16 : i32
      %mul3A_1199 = arith.muli %scan3A_1197, %mul3A_1198 : i32
      %get3A_1200 = arith.index_cast %mul3A_1199 : i32 to index
      %get3A_1201 = tpu.vector_load %arg9[%get3A_1200] {strides = array<i32>} : memref<1024xi32, #tpu.memory_space<vmem>>, vector<16xi32>,
      %add3A_1202 = arith.constant 256 : i32
      %add3A_1203 = vector.broadcast %add3A_1202 : i32 to vector<16xi32>
      %add3A_1204 = arith.addi %get3A_1201, %add3A_1203 : vector<16xi32>
      %mul3A_1205 = arith.constant 16 : i32
      %mul3A_1206 = arith.muli %scan3A_1197, %mul3A_1205 : i32
      %swap3A = arith.constant 2 : i32
      %swap3A_1207 = arith.index_cast %swap3A : i32 to index
      %swap3A_1208 = arith.index_cast %mul3A_1206 : i32 to index
      %swap3A_1209 = tpu.vector_load %arg10[%swap3A_1207, %swap3A_1208] {strides = array<i32>} : memref<16x1024xi32, #tpu.memory_space<vmem>>, vector<16xi32>,
      tpu.vector_store %arg10[%swap3A_1207, %swap3A_1208], %add3A_1204 {strides = array<i32>} : memref<16x1024xi32, #tpu.memory_space<vmem>>, vector<16xi32>,
    }
    %scan3A_208 = arith.constant 64 : i32
    %dma_start3A_209 = arith.constant 2 : i32
    %dma_start3A_210 = arith.constant 2048 : i32
    %dma_start3A_211 = tpu.memref_slice %arg11[%dma_start3A_210] : memref<16384xf32, #tpu.memory_space<vmem>> -> memref<128xf32, #tpu.memory_space<vmem>>
    %dma_start3A_212 = arith.constant 0 : i32
    %dma_start3A_213 = tpu.memref_slice %arg10[%dma_start3A_209, %dma_start3A_212] : memref<16x1024xi32, #tpu.memory_space<vmem>> -> memref<1x128xi32, #tpu.memory_space<vmem>>
    %dma_start3A_214 = tpu.memref_squeeze %dma_start3A_213 : memref<1x128xi32, #tpu.memory_space<vmem>> -> memref<128xi32, #tpu.memory_space<vmem>>
    %dma_start3A_215 = arith.constant 0 : i32
    %dma_start3A_216 = tpu.memref_slice %arg3[%dma_start3A_215] : memref<32000000xf32, #tpu.memory_space<hbm>> -> memref<32000000xf32, #tpu.memory_space<hbm>>
    tpu.enqueue_indirect_dma source(%dma_start3A_216 : memref<32000000xf32, #tpu.memory_space<hbm>>) target(%dma_start3A_211 : memref<128xf32, #tpu.memory_space<vmem>>) offsets(%dma_start3A_214 : memref<128xi32, #tpu.memory_space<vmem>>) semaphore(%arg15 : memref<!tpu.dma_semaphore, #tpu.memory_space<semaphore_mem>>)
    %dma_start3A_217 = arith.constant 2 : i32
    %dma_start3A_218 = arith.constant 2176 : i32
    %dma_start3A_219 = tpu.memref_slice %arg11[%dma_start3A_218] : memref<16384xf32, #tpu.memory_space<vmem>> -> memref<128xf32, #tpu.memory_space<vmem>>
    %dma_start3A_220 = arith.constant 128 : i32
    %dma_start3A_221 = tpu.memref_slice %arg10[%dma_start3A_217, %dma_start3A_220] : memref<16x1024xi32, #tpu.memory_space<vmem>> -> memref<1x128xi32, #tpu.memory_space<vmem>>
    %dma_start3A_222 = tpu.memref_squeeze %dma_start3A_221 : memref<1x128xi32, #tpu.memory_space<vmem>> -> memref<128xi32, #tpu.memory_space<vmem>>
    %dma_start3A_223 = arith.constant 0 : i32
    %dma_start3A_224 = tpu.memref_slice %arg3[%dma_start3A_223] : memref<32000000xf32, #tpu.memory_space<hbm>> -> memref<32000000xf32, #tpu.memory_space<hbm>>
    tpu.enqueue_indirect_dma source(%dma_start3A_224 : memref<32000000xf32, #tpu.memory_space<hbm>>) target(%dma_start3A_219 : memref<128xf32, #tpu.memory_space<vmem>>) offsets(%dma_start3A_222 : memref<128xi32, #tpu.memory_space<vmem>>) semaphore(%arg15 : memref<!tpu.dma_semaphore, #tpu.memory_space<semaphore_mem>>)
    %dma_start3A_225 = arith.constant 2 : i32
    %dma_start3A_226 = arith.constant 2304 : i32
    %dma_start3A_227 = tpu.memref_slice %arg11[%dma_start3A_226] : memref<16384xf32, #tpu.memory_space<vmem>> -> memref<128xf32, #tpu.memory_space<vmem>>
    %dma_start3A_228 = arith.constant 256 : i32
    %dma_start3A_229 = tpu.memref_slice %arg10[%dma_start3A_225, %dma_start3A_228] : memref<16x1024xi32, #tpu.memory_space<vmem>> -> memref<1x128xi32, #tpu.memory_space<vmem>>
    %dma_start3A_230 = tpu.memref_squeeze %dma_start3A_229 : memref<1x128xi32, #tpu.memory_space<vmem>> -> memref<128xi32, #tpu.memory_space<vmem>>
    %dma_start3A_231 = arith.constant 0 : i32
    %dma_start3A_232 = tpu.memref_slice %arg3[%dma_start3A_231] : memref<32000000xf32, #tpu.memory_space<hbm>> -> memref<32000000xf32, #tpu.memory_space<hbm>>
    tpu.enqueue_indirect_dma source(%dma_start3A_232 : memref<32000000xf32, #tpu.memory_space<hbm>>) target(%dma_start3A_227 : memref<128xf32, #tpu.memory_space<vmem>>) offsets(%dma_start3A_230 : memref<128xi32, #tpu.memory_space<vmem>>) semaphore(%arg15 : memref<!tpu.dma_semaphore, #tpu.memory_space<semaphore_mem>>)
    %dma_start3A_233 = arith.constant 2 : i32
    %dma_start3A_234 = arith.constant 2432 : i32
    %dma_start3A_235 = tpu.memref_slice %arg11[%dma_start3A_234] : memref<16384xf32, #tpu.memory_space<vmem>> -> memref<128xf32, #tpu.memory_space<vmem>>
    %dma_start3A_236 = arith.constant 384 : i32
    %dma_start3A_237 = tpu.memref_slice %arg10[%dma_start3A_233, %dma_start3A_236] : memref<16x1024xi32, #tpu.memory_space<vmem>> -> memref<1x128xi32, #tpu.memory_space<vmem>>
    %dma_start3A_238 = tpu.memref_squeeze %dma_start3A_237 : memref<1x128xi32, #tpu.memory_space<vmem>> -> memref<128xi32, #tpu.memory_space<vmem>>
    %dma_start3A_239 = arith.constant 0 : i32
    %dma_start3A_240 = tpu.memref_slice %arg3[%dma_start3A_239] : memref<32000000xf32, #tpu.memory_space<hbm>> -> memref<32000000xf32, #tpu.memory_space<hbm>>
    tpu.enqueue_indirect_dma source(%dma_start3A_240 : memref<32000000xf32, #tpu.memory_space<hbm>>) target(%dma_start3A_235 : memref<128xf32, #tpu.memory_space<vmem>>) offsets(%dma_start3A_238 : memref<128xi32, #tpu.memory_space<vmem>>) semaphore(%arg15 : memref<!tpu.dma_semaphore, #tpu.memory_space<semaphore_mem>>)
    %dma_start3A_241 = arith.constant 2 : i32
    %dma_start3A_242 = arith.constant 2560 : i32
    %dma_start3A_243 = tpu.memref_slice %arg11[%dma_start3A_242] : memref<16384xf32, #tpu.memory_space<vmem>> -> memref<128xf32, #tpu.memory_space<vmem>>
    %dma_start3A_244 = arith.constant 512 : i32
    %dma_start3A_245 = tpu.memref_slice %arg10[%dma_start3A_241, %dma_start3A_244] : memref<16x1024xi32, #tpu.memory_space<vmem>> -> memref<1x128xi32, #tpu.memory_space<vmem>>
    %dma_start3A_246 = tpu.memref_squeeze %dma_start3A_245 : memref<1x128xi32, #tpu.memory_space<vmem>> -> memref<128xi32, #tpu.memory_space<vmem>>
    %dma_start3A_247 = arith.constant 0 : i32
    %dma_start3A_248 = tpu.memref_slice %arg3[%dma_start3A_247] : memref<32000000xf32, #tpu.memory_space<hbm>> -> memref<32000000xf32, #tpu.memory_space<hbm>>
    tpu.enqueue_indirect_dma source(%dma_start3A_248 : memref<32000000xf32, #tpu.memory_space<hbm>>) target(%dma_start3A_243 : memref<128xf32, #tpu.memory_space<vmem>>) offsets(%dma_start3A_246 : memref<128xi32, #tpu.memory_space<vmem>>) semaphore(%arg15 : memref<!tpu.dma_semaphore, #tpu.memory_space<semaphore_mem>>)
    %dma_start3A_249 = arith.constant 2 : i32
    %dma_start3A_250 = arith.constant 2688 : i32
    %dma_start3A_251 = tpu.memref_slice %arg11[%dma_start3A_250] : memref<16384xf32, #tpu.memory_space<vmem>> -> memref<128xf32, #tpu.memory_space<vmem>>
    %dma_start3A_252 = arith.constant 640 : i32
    %dma_start3A_253 = tpu.memref_slice %arg10[%dma_start3A_249, %dma_start3A_252] : memref<16x1024xi32, #tpu.memory_space<vmem>> -> memref<1x128xi32, #tpu.memory_space<vmem>>
    %dma_start3A_254 = tpu.memref_squeeze %dma_start3A_253 : memref<1x128xi32, #tpu.memory_space<vmem>> -> memref<128xi32, #tpu.memory_space<vmem>>
    %dma_start3A_255 = arith.constant 0 : i32
    %dma_start3A_256 = tpu.memref_slice %arg3[%dma_start3A_255] : memref<32000000xf32, #tpu.memory_space<hbm>> -> memref<32000000xf32, #tpu.memory_space<hbm>>
    tpu.enqueue_indirect_dma source(%dma_start3A_256 : memref<32000000xf32, #tpu.memory_space<hbm>>) target(%dma_start3A_251 : memref<128xf32, #tpu.memory_space<vmem>>) offsets(%dma_start3A_254 : memref<128xi32, #tpu.memory_space<vmem>>) semaphore(%arg15 : memref<!tpu.dma_semaphore, #tpu.memory_space<semaphore_mem>>)
    %dma_start3A_257 = arith.constant 2 : i32
    %dma_start3A_258 = arith.constant 2816 : i32
    %dma_start3A_259 = tpu.memref_slice %arg11[%dma_start3A_258] : memref<16384xf32, #tpu.memory_space<vmem>> -> memref<128xf32, #tpu.memory_space<vmem>>
    %dma_start3A_260 = arith.constant 768 : i32
    %dma_start3A_261 = tpu.memref_slice %arg10[%dma_start3A_257, %dma_start3A_260] : memref<16x1024xi32, #tpu.memory_space<vmem>> -> memref<1x128xi32, #tpu.memory_space<vmem>>
    %dma_start3A_262 = tpu.memref_squeeze %dma_start3A_261 : memref<1x128xi32, #tpu.memory_space<vmem>> -> memref<128xi32, #tpu.memory_space<vmem>>
    %dma_start3A_263 = arith.constant 0 : i32
    %dma_start3A_264 = tpu.memref_slice %arg3[%dma_start3A_263] : memref<32000000xf32, #tpu.memory_space<hbm>> -> memref<32000000xf32, #tpu.memory_space<hbm>>
    tpu.enqueue_indirect_dma source(%dma_start3A_264 : memref<32000000xf32, #tpu.memory_space<hbm>>) target(%dma_start3A_259 : memref<128xf32, #tpu.memory_space<vmem>>) offsets(%dma_start3A_262 : memref<128xi32, #tpu.memory_space<vmem>>) semaphore(%arg15 : memref<!tpu.dma_semaphore, #tpu.memory_space<semaphore_mem>>)
    %dma_start3A_265 = arith.constant 2 : i32
    %dma_start3A_266 = arith.constant 2944 : i32
    %dma_start3A_267 = tpu.memref_slice %arg11[%dma_start3A_266] : memref<16384xf32, #tpu.memory_space<vmem>> -> memref<128xf32, #tpu.memory_space<vmem>>
    %dma_start3A_268 = arith.constant 896 : i32
    %dma_start3A_269 = tpu.memref_slice %arg10[%dma_start3A_265, %dma_start3A_268] : memref<16x1024xi32, #tpu.memory_space<vmem>> -> memref<1x128xi32, #tpu.memory_space<vmem>>
    %dma_start3A_270 = tpu.memref_squeeze %dma_start3A_269 : memref<1x128xi32, #tpu.memory_space<vmem>> -> memref<128xi32, #tpu.memory_space<vmem>>
    %dma_start3A_271 = arith.constant 0 : i32
    %dma_start3A_272 = tpu.memref_slice %arg3[%dma_start3A_271] : memref<32000000xf32, #tpu.memory_space<hbm>> -> memref<32000000xf32, #tpu.memory_space<hbm>>
    tpu.enqueue_indirect_dma source(%dma_start3A_272 : memref<32000000xf32, #tpu.memory_space<hbm>>) target(%dma_start3A_267 : memref<128xf32, #tpu.memory_space<vmem>>) offsets(%dma_start3A_270 : memref<128xi32, #tpu.memory_space<vmem>>) semaphore(%arg15 : memref<!tpu.dma_semaphore, #tpu.memory_space<semaphore_mem>>)
    %scan3A_273 = arith.constant 0 : i32
    %scan3A_274 = arith.constant 0 : i32
    %scan3A_275 = arith.constant 64 : i32
    %scan3A_276 = arith.addi %scan3A_274, %scan3A_275 : i32
    %scan3A_277 = arith.constant 1 : i32
    scf.for %scan3A_1197 = %scan3A_274 to %scan3A_276 step %scan3A_277  : i32 {
      %mul3A_1198 = arith.constant 16 : i32
      %mul3A_1199 = arith.muli %scan3A_1197, %mul3A_1198 : i32
      %get3A_1200 = arith.index_cast %mul3A_1199 : i32 to index
      %get3A_1201 = tpu.vector_load %arg9[%get3A_1200] {strides = array<i32>} : memref<1024xi32, #tpu.memory_space<vmem>>, vector<16xi32>,
      %add3A_1202 = arith.constant 384 : i32
      %add3A_1203 = vector.broadcast %add3A_1202 : i32 to vector<16xi32>
      %add3A_1204 = arith.addi %get3A_1201, %add3A_1203 : vector<16xi32>
      %mul3A_1205 = arith.constant 16 : i32
      %mul3A_1206 = arith.muli %scan3A_1197, %mul3A_1205 : i32
      %swap3A = arith.constant 3 : i32
      %swap3A_1207 = arith.index_cast %swap3A : i32 to index
      %swap3A_1208 = arith.index_cast %mul3A_1206 : i32 to index
      %swap3A_1209 = tpu.vector_load %arg10[%swap3A_1207, %swap3A_1208] {strides = array<i32>} : memref<16x1024xi32, #tpu.memory_space<vmem>>, vector<16xi32>,
      tpu.vector_store %arg10[%swap3A_1207, %swap3A_1208], %add3A_1204 {strides = array<i32>} : memref<16x1024xi32, #tpu.memory_space<vmem>>, vector<16xi32>,
    }
    %scan3A_278 = arith.constant 64 : i32
    %dma_start3A_279 = arith.constant 3 : i32
    %dma_start3A_280 = arith.constant 3072 : i32
    %dma_start3A_281 = tpu.memref_slice %arg11[%dma_start3A_280] : memref<16384xf32, #tpu.memory_space<vmem>> -> memref<128xf32, #tpu.memory_space<vmem>>
    %dma_start3A_282 = arith.constant 0 : i32
    %dma_start3A_283 = tpu.memref_slice %arg10[%dma_start3A_279, %dma_start3A_282] : memref<16x1024xi32, #tpu.memory_space<vmem>> -> memref<1x128xi32, #tpu.memory_space<vmem>>
    %dma_start3A_284 = tpu.memref_squeeze %dma_start3A_283 : memref<1x128xi32, #tpu.memory_space<vmem>> -> memref<128xi32, #tpu.memory_space<vmem>>
    %dma_start3A_285 = arith.constant 0 : i32
    %dma_start3A_286 = tpu.memref_slice %arg3[%dma_start3A_285] : memref<32000000xf32, #tpu.memory_space<hbm>> -> memref<32000000xf32, #tpu.memory_space<hbm>>
    tpu.enqueue_indirect_dma source(%dma_start3A_286 : memref<32000000xf32, #tpu.memory_space<hbm>>) target(%dma_start3A_281 : memref<128xf32, #tpu.memory_space<vmem>>) offsets(%dma_start3A_284 : memref<128xi32, #tpu.memory_space<vmem>>) semaphore(%arg15 : memref<!tpu.dma_semaphore, #tpu.memory_space<semaphore_mem>>)
    %dma_start3A_287 = arith.constant 3 : i32
    %dma_start3A_288 = arith.constant 3200 : i32
    %dma_start3A_289 = tpu.memref_slice %arg11[%dma_start3A_288] : memref<16384xf32, #tpu.memory_space<vmem>> -> memref<128xf32, #tpu.memory_space<vmem>>
    %dma_start3A_290 = arith.constant 128 : i32
    %dma_start3A_291 = tpu.memref_slice %arg10[%dma_start3A_287, %dma_start3A_290] : memref<16x1024xi32, #tpu.memory_space<vmem>> -> memref<1x128xi32, #tpu.memory_space<vmem>>
    %dma_start3A_292 = tpu.memref_squeeze %dma_start3A_291 : memref<1x128xi32, #tpu.memory_space<vmem>> -> memref<128xi32, #tpu.memory_space<vmem>>
    %dma_start3A_293 = arith.constant 0 : i32
    %dma_start3A_294 = tpu.memref_slice %arg3[%dma_start3A_293] : memref<32000000xf32, #tpu.memory_space<hbm>> -> memref<32000000xf32, #tpu.memory_space<hbm>>
    tpu.enqueue_indirect_dma source(%dma_start3A_294 : memref<32000000xf32, #tpu.memory_space<hbm>>) target(%dma_start3A_289 : memref<128xf32, #tpu.memory_space<vmem>>) offsets(%dma_start3A_292 : memref<128xi32, #tpu.memory_space<vmem>>) semaphore(%arg15 : memref<!tpu.dma_semaphore, #tpu.memory_space<semaphore_mem>>)
    %dma_start3A_295 = arith.constant 3 : i32
    %dma_start3A_296 = arith.constant 3328 : i32
    %dma_start3A_297 = tpu.memref_slice %arg11[%dma_start3A_296] : memref<16384xf32, #tpu.memory_space<vmem>> -> memref<128xf32, #tpu.memory_space<vmem>>
    %dma_start3A_298 = arith.constant 256 : i32
    %dma_start3A_299 = tpu.memref_slice %arg10[%dma_start3A_295, %dma_start3A_298] : memref<16x1024xi32, #tpu.memory_space<vmem>> -> memref<1x128xi32, #tpu.memory_space<vmem>>
    %dma_start3A_300 = tpu.memref_squeeze %dma_start3A_299 : memref<1x128xi32, #tpu.memory_space<vmem>> -> memref<128xi32, #tpu.memory_space<vmem>>
    %dma_start3A_301 = arith.constant 0 : i32
    %dma_start3A_302 = tpu.memref_slice %arg3[%dma_start3A_301] : memref<32000000xf32, #tpu.memory_space<hbm>> -> memref<32000000xf32, #tpu.memory_space<hbm>>
    tpu.enqueue_indirect_dma source(%dma_start3A_302 : memref<32000000xf32, #tpu.memory_space<hbm>>) target(%dma_start3A_297 : memref<128xf32, #tpu.memory_space<vmem>>) offsets(%dma_start3A_300 : memref<128xi32, #tpu.memory_space<vmem>>) semaphore(%arg15 : memref<!tpu.dma_semaphore, #tpu.memory_space<semaphore_mem>>)
    %dma_start3A_303 = arith.constant 3 : i32
    %dma_start3A_304 = arith.constant 3456 : i32
    %dma_start3A_305 = tpu.memref_slice %arg11[%dma_start3A_304] : memref<16384xf32, #tpu.memory_space<vmem>> -> memref<128xf32, #tpu.memory_space<vmem>>
    %dma_start3A_306 = arith.constant 384 : i32
    %dma_start3A_307 = tpu.memref_slice %arg10[%dma_start3A_303, %dma_start3A_306] : memref<16x1024xi32, #tpu.memory_space<vmem>> -> memref<1x128xi32, #tpu.memory_space<vmem>>
    %dma_start3A_308 = tpu.memref_squeeze %dma_start3A_307 : memref<1x128xi32, #tpu.memory_space<vmem>> -> memref<128xi32, #tpu.memory_space<vmem>>
    %dma_start3A_309 = arith.constant 0 : i32
    %dma_start3A_310 = tpu.memref_slice %arg3[%dma_start3A_309] : memref<32000000xf32, #tpu.memory_space<hbm>> -> memref<32000000xf32, #tpu.memory_space<hbm>>
    tpu.enqueue_indirect_dma source(%dma_start3A_310 : memref<32000000xf32, #tpu.memory_space<hbm>>) target(%dma_start3A_305 : memref<128xf32, #tpu.memory_space<vmem>>) offsets(%dma_start3A_308 : memref<128xi32, #tpu.memory_space<vmem>>) semaphore(%arg15 : memref<!tpu.dma_semaphore, #tpu.memory_space<semaphore_mem>>)
    %dma_start3A_311 = arith.constant 3 : i32
    %dma_start3A_312 = arith.constant 3584 : i32
    %dma_start3A_313 = tpu.memref_slice %arg11[%dma_start3A_312] : memref<16384xf32, #tpu.memory_space<vmem>> -> memref<128xf32, #tpu.memory_space<vmem>>
    %dma_start3A_314 = arith.constant 512 : i32
    %dma_start3A_315 = tpu.memref_slice %arg10[%dma_start3A_311, %dma_start3A_314] : memref<16x1024xi32, #tpu.memory_space<vmem>> -> memref<1x128xi32, #tpu.memory_space<vmem>>
    %dma_start3A_316 = tpu.memref_squeeze %dma_start3A_315 : memref<1x128xi32, #tpu.memory_space<vmem>> -> memref<128xi32, #tpu.memory_space<vmem>>
    %dma_start3A_317 = arith.constant 0 : i32
    %dma_start3A_318 = tpu.memref_slice %arg3[%dma_start3A_317] : memref<32000000xf32, #tpu.memory_space<hbm>> -> memref<32000000xf32, #tpu.memory_space<hbm>>
    tpu.enqueue_indirect_dma source(%dma_start3A_318 : memref<32000000xf32, #tpu.memory_space<hbm>>) target(%dma_start3A_313 : memref<128xf32, #tpu.memory_space<vmem>>) offsets(%dma_start3A_316 : memref<128xi32, #tpu.memory_space<vmem>>) semaphore(%arg15 : memref<!tpu.dma_semaphore, #tpu.memory_space<semaphore_mem>>)
    %dma_start3A_319 = arith.constant 3 : i32
    %dma_start3A_320 = arith.constant 3712 : i32
    %dma_start3A_321 = tpu.memref_slice %arg11[%dma_start3A_320] : memref<16384xf32, #tpu.memory_space<vmem>> -> memref<128xf32, #tpu.memory_space<vmem>>
    %dma_start3A_322 = arith.constant 640 : i32
    %dma_start3A_323 = tpu.memref_slice %arg10[%dma_start3A_319, %dma_start3A_322] : memref<16x1024xi32, #tpu.memory_space<vmem>> -> memref<1x128xi32, #tpu.memory_space<vmem>>
    %dma_start3A_324 = tpu.memref_squeeze %dma_start3A_323 : memref<1x128xi32, #tpu.memory_space<vmem>> -> memref<128xi32, #tpu.memory_space<vmem>>
    %dma_start3A_325 = arith.constant 0 : i32
    %dma_start3A_326 = tpu.memref_slice %arg3[%dma_start3A_325] : memref<32000000xf32, #tpu.memory_space<hbm>> -> memref<32000000xf32, #tpu.memory_space<hbm>>
    tpu.enqueue_indirect_dma source(%dma_start3A_326 : memref<32000000xf32, #tpu.memory_space<hbm>>) target(%dma_start3A_321 : memref<128xf32, #tpu.memory_space<vmem>>) offsets(%dma_start3A_324 : memref<128xi32, #tpu.memory_space<vmem>>) semaphore(%arg15 : memref<!tpu.dma_semaphore, #tpu.memory_space<semaphore_mem>>)
    %dma_start3A_327 = arith.constant 3 : i32
    %dma_start3A_328 = arith.constant 3840 : i32
    %dma_start3A_329 = tpu.memref_slice %arg11[%dma_start3A_328] : memref<16384xf32, #tpu.memory_space<vmem>> -> memref<128xf32, #tpu.memory_space<vmem>>
    %dma_start3A_330 = arith.constant 768 : i32
    %dma_start3A_331 = tpu.memref_slice %arg10[%dma_start3A_327, %dma_start3A_330] : memref<16x1024xi32, #tpu.memory_space<vmem>> -> memref<1x128xi32, #tpu.memory_space<vmem>>
    %dma_start3A_332 = tpu.memref_squeeze %dma_start3A_331 : memref<1x128xi32, #tpu.memory_space<vmem>> -> memref<128xi32, #tpu.memory_space<vmem>>
    %dma_start3A_333 = arith.constant 0 : i32
    %dma_start3A_334 = tpu.memref_slice %arg3[%dma_start3A_333] : memref<32000000xf32, #tpu.memory_space<hbm>> -> memref<32000000xf32, #tpu.memory_space<hbm>>
    tpu.enqueue_indirect_dma source(%dma_start3A_334 : memref<32000000xf32, #tpu.memory_space<hbm>>) target(%dma_start3A_329 : memref<128xf32, #tpu.memory_space<vmem>>) offsets(%dma_start3A_332 : memref<128xi32, #tpu.memory_space<vmem>>) semaphore(%arg15 : memref<!tpu.dma_semaphore, #tpu.memory_space<semaphore_mem>>)
    %dma_start3A_335 = arith.constant 3 : i32
    %dma_start3A_336 = arith.constant 3968 : i32
    %dma_start3A_337 = tpu.memref_slice %arg11[%dma_start3A_336] : memref<16384xf32, #tpu.memory_space<vmem>> -> memref<128xf32, #tpu.memory_space<vmem>>
    %dma_start3A_338 = arith.constant 896 : i32
    %dma_start3A_339 = tpu.memref_slice %arg10[%dma_start3A_335, %dma_start3A_338] : memref<16x1024xi32, #tpu.memory_space<vmem>> -> memref<1x128xi32, #tpu.memory_space<vmem>>
    %dma_start3A_340 = tpu.memref_squeeze %dma_start3A_339 : memref<1x128xi32, #tpu.memory_space<vmem>> -> memref<128xi32, #tpu.memory_space<vmem>>
    %dma_start3A_341 = arith.constant 0 : i32
    %dma_start3A_342 = tpu.memref_slice %arg3[%dma_start3A_341] : memref<32000000xf32, #tpu.memory_space<hbm>> -> memref<32000000xf32, #tpu.memory_space<hbm>>
    tpu.enqueue_indirect_dma source(%dma_start3A_342 : memref<32000000xf32, #tpu.memory_space<hbm>>) target(%dma_start3A_337 : memref<128xf32, #tpu.memory_space<vmem>>) offsets(%dma_start3A_340 : memref<128xi32, #tpu.memory_space<vmem>>) semaphore(%arg15 : memref<!tpu.dma_semaphore, #tpu.memory_space<semaphore_mem>>)
    %scan3A_343 = arith.constant 0 : i32
    %scan3A_344 = arith.constant 0 : i32
    %scan3A_345 = arith.constant 64 : i32
    %scan3A_346 = arith.addi %scan3A_344, %scan3A_345 : i32
    %scan3A_347 = arith.constant 1 : i32
    scf.for %scan3A_1197 = %scan3A_344 to %scan3A_346 step %scan3A_347  : i32 {
      %mul3A_1198 = arith.constant 16 : i32
      %mul3A_1199 = arith.muli %scan3A_1197, %mul3A_1198 : i32
      %get3A_1200 = arith.index_cast %mul3A_1199 : i32 to index
      %get3A_1201 = tpu.vector_load %arg9[%get3A_1200] {strides = array<i32>} : memref<1024xi32, #tpu.memory_space<vmem>>, vector<16xi32>,
      %add3A_1202 = arith.constant 512 : i32
      %add3A_1203 = vector.broadcast %add3A_1202 : i32 to vector<16xi32>
      %add3A_1204 = arith.addi %get3A_1201, %add3A_1203 : vector<16xi32>
      %mul3A_1205 = arith.constant 16 : i32
      %mul3A_1206 = arith.muli %scan3A_1197, %mul3A_1205 : i32
      %swap3A = arith.constant 4 : i32
      %swap3A_1207 = arith.index_cast %swap3A : i32 to index
      %swap3A_1208 = arith.index_cast %mul3A_1206 : i32 to index
      %swap3A_1209 = tpu.vector_load %arg10[%swap3A_1207, %swap3A_1208] {strides = array<i32>} : memref<16x1024xi32, #tpu.memory_space<vmem>>, vector<16xi32>,
      tpu.vector_store %arg10[%swap3A_1207, %swap3A_1208], %add3A_1204 {strides = array<i32>} : memref<16x1024xi32, #tpu.memory_space<vmem>>, vector<16xi32>,
    }
    %scan3A_348 = arith.constant 64 : i32
    %dma_start3A_349 = arith.constant 4 : i32
    %dma_start3A_350 = arith.constant 4096 : i32
    %dma_start3A_351 = tpu.memref_slice %arg11[%dma_start3A_350] : memref<16384xf32, #tpu.memory_space<vmem>> -> memref<128xf32, #tpu.memory_space<vmem>>
    %dma_start3A_352 = arith.constant 0 : i32
    %dma_start3A_353 = tpu.memref_slice %arg10[%dma_start3A_349, %dma_start3A_352] : memref<16x1024xi32, #tpu.memory_space<vmem>> -> memref<1x128xi32, #tpu.memory_space<vmem>>
    %dma_start3A_354 = tpu.memref_squeeze %dma_start3A_353 : memref<1x128xi32, #tpu.memory_space<vmem>> -> memref<128xi32, #tpu.memory_space<vmem>>
    %dma_start3A_355 = arith.constant 0 : i32
    %dma_start3A_356 = tpu.memref_slice %arg3[%dma_start3A_355] : memref<32000000xf32, #tpu.memory_space<hbm>> -> memref<32000000xf32, #tpu.memory_space<hbm>>
    tpu.enqueue_indirect_dma source(%dma_start3A_356 : memref<32000000xf32, #tpu.memory_space<hbm>>) target(%dma_start3A_351 : memref<128xf32, #tpu.memory_space<vmem>>) offsets(%dma_start3A_354 : memref<128xi32, #tpu.memory_space<vmem>>) semaphore(%arg15 : memref<!tpu.dma_semaphore, #tpu.memory_space<semaphore_mem>>)
    %dma_start3A_357 = arith.constant 4 : i32
    %dma_start3A_358 = arith.constant 4224 : i32
    %dma_start3A_359 = tpu.memref_slice %arg11[%dma_start3A_358] : memref<16384xf32, #tpu.memory_space<vmem>> -> memref<128xf32, #tpu.memory_space<vmem>>
    %dma_start3A_360 = arith.constant 128 : i32
    %dma_start3A_361 = tpu.memref_slice %arg10[%dma_start3A_357, %dma_start3A_360] : memref<16x1024xi32, #tpu.memory_space<vmem>> -> memref<1x128xi32, #tpu.memory_space<vmem>>
    %dma_start3A_362 = tpu.memref_squeeze %dma_start3A_361 : memref<1x128xi32, #tpu.memory_space<vmem>> -> memref<128xi32, #tpu.memory_space<vmem>>
    %dma_start3A_363 = arith.constant 0 : i32
    %dma_start3A_364 = tpu.memref_slice %arg3[%dma_start3A_363] : memref<32000000xf32, #tpu.memory_space<hbm>> -> memref<32000000xf32, #tpu.memory_space<hbm>>
    tpu.enqueue_indirect_dma source(%dma_start3A_364 : memref<32000000xf32, #tpu.memory_space<hbm>>) target(%dma_start3A_359 : memref<128xf32, #tpu.memory_space<vmem>>) offsets(%dma_start3A_362 : memref<128xi32, #tpu.memory_space<vmem>>) semaphore(%arg15 : memref<!tpu.dma_semaphore, #tpu.memory_space<semaphore_mem>>)
    %dma_start3A_365 = arith.constant 4 : i32
    %dma_start3A_366 = arith.constant 4352 : i32
    %dma_start3A_367 = tpu.memref_slice %arg11[%dma_start3A_366] : memref<16384xf32, #tpu.memory_space<vmem>> -> memref<128xf32, #tpu.memory_space<vmem>>
    %dma_start3A_368 = arith.constant 256 : i32
    %dma_start3A_369 = tpu.memref_slice %arg10[%dma_start3A_365, %dma_start3A_368] : memref<16x1024xi32, #tpu.memory_space<vmem>> -> memref<1x128xi32, #tpu.memory_space<vmem>>
    %dma_start3A_370 = tpu.memref_squeeze %dma_start3A_369 : memref<1x128xi32, #tpu.memory_space<vmem>> -> memref<128xi32, #tpu.memory_space<vmem>>
    %dma_start3A_371 = arith.constant 0 : i32
    %dma_start3A_372 = tpu.memref_slice %arg3[%dma_start3A_371] : memref<32000000xf32, #tpu.memory_space<hbm>> -> memref<32000000xf32, #tpu.memory_space<hbm>>
    tpu.enqueue_indirect_dma source(%dma_start3A_372 : memref<32000000xf32, #tpu.memory_space<hbm>>) target(%dma_start3A_367 : memref<128xf32, #tpu.memory_space<vmem>>) offsets(%dma_start3A_370 : memref<128xi32, #tpu.memory_space<vmem>>) semaphore(%arg15 : memref<!tpu.dma_semaphore, #tpu.memory_space<semaphore_mem>>)
    %dma_start3A_373 = arith.constant 4 : i32
    %dma_start3A_374 = arith.constant 4480 : i32
    %dma_start3A_375 = tpu.memref_slice %arg11[%dma_start3A_374] : memref<16384xf32, #tpu.memory_space<vmem>> -> memref<128xf32, #tpu.memory_space<vmem>>
    %dma_start3A_376 = arith.constant 384 : i32
    %dma_start3A_377 = tpu.memref_slice %arg10[%dma_start3A_373, %dma_start3A_376] : memref<16x1024xi32, #tpu.memory_space<vmem>> -> memref<1x128xi32, #tpu.memory_space<vmem>>
    %dma_start3A_378 = tpu.memref_squeeze %dma_start3A_377 : memref<1x128xi32, #tpu.memory_space<vmem>> -> memref<128xi32, #tpu.memory_space<vmem>>
    %dma_start3A_379 = arith.constant 0 : i32
    %dma_start3A_380 = tpu.memref_slice %arg3[%dma_start3A_379] : memref<32000000xf32, #tpu.memory_space<hbm>> -> memref<32000000xf32, #tpu.memory_space<hbm>>
    tpu.enqueue_indirect_dma source(%dma_start3A_380 : memref<32000000xf32, #tpu.memory_space<hbm>>) target(%dma_start3A_375 : memref<128xf32, #tpu.memory_space<vmem>>) offsets(%dma_start3A_378 : memref<128xi32, #tpu.memory_space<vmem>>) semaphore(%arg15 : memref<!tpu.dma_semaphore, #tpu.memory_space<semaphore_mem>>)
    %dma_start3A_381 = arith.constant 4 : i32
    %dma_start3A_382 = arith.constant 4608 : i32
    %dma_start3A_383 = tpu.memref_slice %arg11[%dma_start3A_382] : memref<16384xf32, #tpu.memory_space<vmem>> -> memref<128xf32, #tpu.memory_space<vmem>>
    %dma_start3A_384 = arith.constant 512 : i32
    %dma_start3A_385 = tpu.memref_slice %arg10[%dma_start3A_381, %dma_start3A_384] : memref<16x1024xi32, #tpu.memory_space<vmem>> -> memref<1x128xi32, #tpu.memory_space<vmem>>
    %dma_start3A_386 = tpu.memref_squeeze %dma_start3A_385 : memref<1x128xi32, #tpu.memory_space<vmem>> -> memref<128xi32, #tpu.memory_space<vmem>>
    %dma_start3A_387 = arith.constant 0 : i32
    %dma_start3A_388 = tpu.memref_slice %arg3[%dma_start3A_387] : memref<32000000xf32, #tpu.memory_space<hbm>> -> memref<32000000xf32, #tpu.memory_space<hbm>>
    tpu.enqueue_indirect_dma source(%dma_start3A_388 : memref<32000000xf32, #tpu.memory_space<hbm>>) target(%dma_start3A_383 : memref<128xf32, #tpu.memory_space<vmem>>) offsets(%dma_start3A_386 : memref<128xi32, #tpu.memory_space<vmem>>) semaphore(%arg15 : memref<!tpu.dma_semaphore, #tpu.memory_space<semaphore_mem>>)
    %dma_start3A_389 = arith.constant 4 : i32
    %dma_start3A_390 = arith.constant 4736 : i32
    %dma_start3A_391 = tpu.memref_slice %arg11[%dma_start3A_390] : memref<16384xf32, #tpu.memory_space<vmem>> -> memref<128xf32, #tpu.memory_space<vmem>>
    %dma_start3A_392 = arith.constant 640 : i32
    %dma_start3A_393 = tpu.memref_slice %arg10[%dma_start3A_389, %dma_start3A_392] : memref<16x1024xi32, #tpu.memory_space<vmem>> -> memref<1x128xi32, #tpu.memory_space<vmem>>
    %dma_start3A_394 = tpu.memref_squeeze %dma_start3A_393 : memref<1x128xi32, #tpu.memory_space<vmem>> -> memref<128xi32, #tpu.memory_space<vmem>>
    %dma_start3A_395 = arith.constant 0 : i32
    %dma_start3A_396 = tpu.memref_slice %arg3[%dma_start3A_395] : memref<32000000xf32, #tpu.memory_space<hbm>> -> memref<32000000xf32, #tpu.memory_space<hbm>>
    tpu.enqueue_indirect_dma source(%dma_start3A_396 : memref<32000000xf32, #tpu.memory_space<hbm>>) target(%dma_start3A_391 : memref<128xf32, #tpu.memory_space<vmem>>) offsets(%dma_start3A_394 : memref<128xi32, #tpu.memory_space<vmem>>) semaphore(%arg15 : memref<!tpu.dma_semaphore, #tpu.memory_space<semaphore_mem>>)
    %dma_start3A_397 = arith.constant 4 : i32
    %dma_start3A_398 = arith.constant 4864 : i32
    %dma_start3A_399 = tpu.memref_slice %arg11[%dma_start3A_398] : memref<16384xf32, #tpu.memory_space<vmem>> -> memref<128xf32, #tpu.memory_space<vmem>>
    %dma_start3A_400 = arith.constant 768 : i32
    %dma_start3A_401 = tpu.memref_slice %arg10[%dma_start3A_397, %dma_start3A_400] : memref<16x1024xi32, #tpu.memory_space<vmem>> -> memref<1x128xi32, #tpu.memory_space<vmem>>
    %dma_start3A_402 = tpu.memref_squeeze %dma_start3A_401 : memref<1x128xi32, #tpu.memory_space<vmem>> -> memref<128xi32, #tpu.memory_space<vmem>>
    %dma_start3A_403 = arith.constant 0 : i32
    %dma_start3A_404 = tpu.memref_slice %arg3[%dma_start3A_403] : memref<32000000xf32, #tpu.memory_space<hbm>> -> memref<32000000xf32, #tpu.memory_space<hbm>>
    tpu.enqueue_indirect_dma source(%dma_start3A_404 : memref<32000000xf32, #tpu.memory_space<hbm>>) target(%dma_start3A_399 : memref<128xf32, #tpu.memory_space<vmem>>) offsets(%dma_start3A_402 : memref<128xi32, #tpu.memory_space<vmem>>) semaphore(%arg15 : memref<!tpu.dma_semaphore, #tpu.memory_space<semaphore_mem>>)
    %dma_start3A_405 = arith.constant 4 : i32
    %dma_start3A_406 = arith.constant 4992 : i32
    %dma_start3A_407 = tpu.memref_slice %arg11[%dma_start3A_406] : memref<16384xf32, #tpu.memory_space<vmem>> -> memref<128xf32, #tpu.memory_space<vmem>>
    %dma_start3A_408 = arith.constant 896 : i32
    %dma_start3A_409 = tpu.memref_slice %arg10[%dma_start3A_405, %dma_start3A_408] : memref<16x1024xi32, #tpu.memory_space<vmem>> -> memref<1x128xi32, #tpu.memory_space<vmem>>
    %dma_start3A_410 = tpu.memref_squeeze %dma_start3A_409 : memref<1x128xi32, #tpu.memory_space<vmem>> -> memref<128xi32, #tpu.memory_space<vmem>>
    %dma_start3A_411 = arith.constant 0 : i32
    %dma_start3A_412 = tpu.memref_slice %arg3[%dma_start3A_411] : memref<32000000xf32, #tpu.memory_space<hbm>> -> memref<32000000xf32, #tpu.memory_space<hbm>>
    tpu.enqueue_indirect_dma source(%dma_start3A_412 : memref<32000000xf32, #tpu.memory_space<hbm>>) target(%dma_start3A_407 : memref<128xf32, #tpu.memory_space<vmem>>) offsets(%dma_start3A_410 : memref<128xi32, #tpu.memory_space<vmem>>) semaphore(%arg15 : memref<!tpu.dma_semaphore, #tpu.memory_space<semaphore_mem>>)
    %scan3A_413 = arith.constant 0 : i32
    %scan3A_414 = arith.constant 0 : i32
    %scan3A_415 = arith.constant 64 : i32
    %scan3A_416 = arith.addi %scan3A_414, %scan3A_415 : i32
    %scan3A_417 = arith.constant 1 : i32
    scf.for %scan3A_1197 = %scan3A_414 to %scan3A_416 step %scan3A_417  : i32 {
      %mul3A_1198 = arith.constant 16 : i32
      %mul3A_1199 = arith.muli %scan3A_1197, %mul3A_1198 : i32
      %get3A_1200 = arith.index_cast %mul3A_1199 : i32 to index
      %get3A_1201 = tpu.vector_load %arg9[%get3A_1200] {strides = array<i32>} : memref<1024xi32, #tpu.memory_space<vmem>>, vector<16xi32>,
      %add3A_1202 = arith.constant 640 : i32
      %add3A_1203 = vector.broadcast %add3A_1202 : i32 to vector<16xi32>
      %add3A_1204 = arith.addi %get3A_1201, %add3A_1203 : vector<16xi32>
      %mul3A_1205 = arith.constant 16 : i32
      %mul3A_1206 = arith.muli %scan3A_1197, %mul3A_1205 : i32
      %swap3A = arith.constant 5 : i32
      %swap3A_1207 = arith.index_cast %swap3A : i32 to index
      %swap3A_1208 = arith.index_cast %mul3A_1206 : i32 to index
      %swap3A_1209 = tpu.vector_load %arg10[%swap3A_1207, %swap3A_1208] {strides = array<i32>} : memref<16x1024xi32, #tpu.memory_space<vmem>>, vector<16xi32>,
      tpu.vector_store %arg10[%swap3A_1207, %swap3A_1208], %add3A_1204 {strides = array<i32>} : memref<16x1024xi32, #tpu.memory_space<vmem>>, vector<16xi32>,
    }
    %scan3A_418 = arith.constant 64 : i32
    %dma_start3A_419 = arith.constant 5 : i32
    %dma_start3A_420 = arith.constant 5120 : i32
    %dma_start3A_421 = tpu.memref_slice %arg11[%dma_start3A_420] : memref<16384xf32, #tpu.memory_space<vmem>> -> memref<128xf32, #tpu.memory_space<vmem>>
    %dma_start3A_422 = arith.constant 0 : i32
    %dma_start3A_423 = tpu.memref_slice %arg10[%dma_start3A_419, %dma_start3A_422] : memref<16x1024xi32, #tpu.memory_space<vmem>> -> memref<1x128xi32, #tpu.memory_space<vmem>>
    %dma_start3A_424 = tpu.memref_squeeze %dma_start3A_423 : memref<1x128xi32, #tpu.memory_space<vmem>> -> memref<128xi32, #tpu.memory_space<vmem>>
    %dma_start3A_425 = arith.constant 0 : i32
    %dma_start3A_426 = tpu.memref_slice %arg3[%dma_start3A_425] : memref<32000000xf32, #tpu.memory_space<hbm>> -> memref<32000000xf32, #tpu.memory_space<hbm>>
    tpu.enqueue_indirect_dma source(%dma_start3A_426 : memref<32000000xf32, #tpu.memory_space<hbm>>) target(%dma_start3A_421 : memref<128xf32, #tpu.memory_space<vmem>>) offsets(%dma_start3A_424 : memref<128xi32, #tpu.memory_space<vmem>>) semaphore(%arg15 : memref<!tpu.dma_semaphore, #tpu.memory_space<semaphore_mem>>)
    %dma_start3A_427 = arith.constant 5 : i32
    %dma_start3A_428 = arith.constant 5248 : i32
    %dma_start3A_429 = tpu.memref_slice %arg11[%dma_start3A_428] : memref<16384xf32, #tpu.memory_space<vmem>> -> memref<128xf32, #tpu.memory_space<vmem>>
    %dma_start3A_430 = arith.constant 128 : i32
    %dma_start3A_431 = tpu.memref_slice %arg10[%dma_start3A_427, %dma_start3A_430] : memref<16x1024xi32, #tpu.memory_space<vmem>> -> memref<1x128xi32, #tpu.memory_space<vmem>>
    %dma_start3A_432 = tpu.memref_squeeze %dma_start3A_431 : memref<1x128xi32, #tpu.memory_space<vmem>> -> memref<128xi32, #tpu.memory_space<vmem>>
    %dma_start3A_433 = arith.constant 0 : i32
    %dma_start3A_434 = tpu.memref_slice %arg3[%dma_start3A_433] : memref<32000000xf32, #tpu.memory_space<hbm>> -> memref<32000000xf32, #tpu.memory_space<hbm>>
    tpu.enqueue_indirect_dma source(%dma_start3A_434 : memref<32000000xf32, #tpu.memory_space<hbm>>) target(%dma_start3A_429 : memref<128xf32, #tpu.memory_space<vmem>>) offsets(%dma_start3A_432 : memref<128xi32, #tpu.memory_space<vmem>>) semaphore(%arg15 : memref<!tpu.dma_semaphore, #tpu.memory_space<semaphore_mem>>)
    %dma_start3A_435 = arith.constant 5 : i32
    %dma_start3A_436 = arith.constant 5376 : i32
    %dma_start3A_437 = tpu.memref_slice %arg11[%dma_start3A_436] : memref<16384xf32, #tpu.memory_space<vmem>> -> memref<128xf32, #tpu.memory_space<vmem>>
    %dma_start3A_438 = arith.constant 256 : i32
    %dma_start3A_439 = tpu.memref_slice %arg10[%dma_start3A_435, %dma_start3A_438] : memref<16x1024xi32, #tpu.memory_space<vmem>> -> memref<1x128xi32, #tpu.memory_space<vmem>>
    %dma_start3A_440 = tpu.memref_squeeze %dma_start3A_439 : memref<1x128xi32, #tpu.memory_space<vmem>> -> memref<128xi32, #tpu.memory_space<vmem>>
    %dma_start3A_441 = arith.constant 0 : i32
    %dma_start3A_442 = tpu.memref_slice %arg3[%dma_start3A_441] : memref<32000000xf32, #tpu.memory_space<hbm>> -> memref<32000000xf32, #tpu.memory_space<hbm>>
    tpu.enqueue_indirect_dma source(%dma_start3A_442 : memref<32000000xf32, #tpu.memory_space<hbm>>) target(%dma_start3A_437 : memref<128xf32, #tpu.memory_space<vmem>>) offsets(%dma_start3A_440 : memref<128xi32, #tpu.memory_space<vmem>>) semaphore(%arg15 : memref<!tpu.dma_semaphore, #tpu.memory_space<semaphore_mem>>)
    %dma_start3A_443 = arith.constant 5 : i32
    %dma_start3A_444 = arith.constant 5504 : i32
    %dma_start3A_445 = tpu.memref_slice %arg11[%dma_start3A_444] : memref<16384xf32, #tpu.memory_space<vmem>> -> memref<128xf32, #tpu.memory_space<vmem>>
    %dma_start3A_446 = arith.constant 384 : i32
    %dma_start3A_447 = tpu.memref_slice %arg10[%dma_start3A_443, %dma_start3A_446] : memref<16x1024xi32, #tpu.memory_space<vmem>> -> memref<1x128xi32, #tpu.memory_space<vmem>>
    %dma_start3A_448 = tpu.memref_squeeze %dma_start3A_447 : memref<1x128xi32, #tpu.memory_space<vmem>> -> memref<128xi32, #tpu.memory_space<vmem>>
    %dma_start3A_449 = arith.constant 0 : i32
    %dma_start3A_450 = tpu.memref_slice %arg3[%dma_start3A_449] : memref<32000000xf32, #tpu.memory_space<hbm>> -> memref<32000000xf32, #tpu.memory_space<hbm>>
    tpu.enqueue_indirect_dma source(%dma_start3A_450 : memref<32000000xf32, #tpu.memory_space<hbm>>) target(%dma_start3A_445 : memref<128xf32, #tpu.memory_space<vmem>>) offsets(%dma_start3A_448 : memref<128xi32, #tpu.memory_space<vmem>>) semaphore(%arg15 : memref<!tpu.dma_semaphore, #tpu.memory_space<semaphore_mem>>)
    %dma_start3A_451 = arith.constant 5 : i32
    %dma_start3A_452 = arith.constant 5632 : i32
    %dma_start3A_453 = tpu.memref_slice %arg11[%dma_start3A_452] : memref<16384xf32, #tpu.memory_space<vmem>> -> memref<128xf32, #tpu.memory_space<vmem>>
    %dma_start3A_454 = arith.constant 512 : i32
    %dma_start3A_455 = tpu.memref_slice %arg10[%dma_start3A_451, %dma_start3A_454] : memref<16x1024xi32, #tpu.memory_space<vmem>> -> memref<1x128xi32, #tpu.memory_space<vmem>>
    %dma_start3A_456 = tpu.memref_squeeze %dma_start3A_455 : memref<1x128xi32, #tpu.memory_space<vmem>> -> memref<128xi32, #tpu.memory_space<vmem>>
    %dma_start3A_457 = arith.constant 0 : i32
    %dma_start3A_458 = tpu.memref_slice %arg3[%dma_start3A_457] : memref<32000000xf32, #tpu.memory_space<hbm>> -> memref<32000000xf32, #tpu.memory_space<hbm>>
    tpu.enqueue_indirect_dma source(%dma_start3A_458 : memref<32000000xf32, #tpu.memory_space<hbm>>) target(%dma_start3A_453 : memref<128xf32, #tpu.memory_space<vmem>>) offsets(%dma_start3A_456 : memref<128xi32, #tpu.memory_space<vmem>>) semaphore(%arg15 : memref<!tpu.dma_semaphore, #tpu.memory_space<semaphore_mem>>)
    %dma_start3A_459 = arith.constant 5 : i32
    %dma_start3A_460 = arith.constant 5760 : i32
    %dma_start3A_461 = tpu.memref_slice %arg11[%dma_start3A_460] : memref<16384xf32, #tpu.memory_space<vmem>> -> memref<128xf32, #tpu.memory_space<vmem>>
    %dma_start3A_462 = arith.constant 640 : i32
    %dma_start3A_463 = tpu.memref_slice %arg10[%dma_start3A_459, %dma_start3A_462] : memref<16x1024xi32, #tpu.memory_space<vmem>> -> memref<1x128xi32, #tpu.memory_space<vmem>>
    %dma_start3A_464 = tpu.memref_squeeze %dma_start3A_463 : memref<1x128xi32, #tpu.memory_space<vmem>> -> memref<128xi32, #tpu.memory_space<vmem>>
    %dma_start3A_465 = arith.constant 0 : i32
    %dma_start3A_466 = tpu.memref_slice %arg3[%dma_start3A_465] : memref<32000000xf32, #tpu.memory_space<hbm>> -> memref<32000000xf32, #tpu.memory_space<hbm>>
    tpu.enqueue_indirect_dma source(%dma_start3A_466 : memref<32000000xf32, #tpu.memory_space<hbm>>) target(%dma_start3A_461 : memref<128xf32, #tpu.memory_space<vmem>>) offsets(%dma_start3A_464 : memref<128xi32, #tpu.memory_space<vmem>>) semaphore(%arg15 : memref<!tpu.dma_semaphore, #tpu.memory_space<semaphore_mem>>)
    %dma_start3A_467 = arith.constant 5 : i32
    %dma_start3A_468 = arith.constant 5888 : i32
    %dma_start3A_469 = tpu.memref_slice %arg11[%dma_start3A_468] : memref<16384xf32, #tpu.memory_space<vmem>> -> memref<128xf32, #tpu.memory_space<vmem>>
    %dma_start3A_470 = arith.constant 768 : i32
    %dma_start3A_471 = tpu.memref_slice %arg10[%dma_start3A_467, %dma_start3A_470] : memref<16x1024xi32, #tpu.memory_space<vmem>> -> memref<1x128xi32, #tpu.memory_space<vmem>>
    %dma_start3A_472 = tpu.memref_squeeze %dma_start3A_471 : memref<1x128xi32, #tpu.memory_space<vmem>> -> memref<128xi32, #tpu.memory_space<vmem>>
    %dma_start3A_473 = arith.constant 0 : i32
    %dma_start3A_474 = tpu.memref_slice %arg3[%dma_start3A_473] : memref<32000000xf32, #tpu.memory_space<hbm>> -> memref<32000000xf32, #tpu.memory_space<hbm>>
    tpu.enqueue_indirect_dma source(%dma_start3A_474 : memref<32000000xf32, #tpu.memory_space<hbm>>) target(%dma_start3A_469 : memref<128xf32, #tpu.memory_space<vmem>>) offsets(%dma_start3A_472 : memref<128xi32, #tpu.memory_space<vmem>>) semaphore(%arg15 : memref<!tpu.dma_semaphore, #tpu.memory_space<semaphore_mem>>)
    %dma_start3A_475 = arith.constant 5 : i32
    %dma_start3A_476 = arith.constant 6016 : i32
    %dma_start3A_477 = tpu.memref_slice %arg11[%dma_start3A_476] : memref<16384xf32, #tpu.memory_space<vmem>> -> memref<128xf32, #tpu.memory_space<vmem>>
    %dma_start3A_478 = arith.constant 896 : i32
    %dma_start3A_479 = tpu.memref_slice %arg10[%dma_start3A_475, %dma_start3A_478] : memref<16x1024xi32, #tpu.memory_space<vmem>> -> memref<1x128xi32, #tpu.memory_space<vmem>>
    %dma_start3A_480 = tpu.memref_squeeze %dma_start3A_479 : memref<1x128xi32, #tpu.memory_space<vmem>> -> memref<128xi32, #tpu.memory_space<vmem>>
    %dma_start3A_481 = arith.constant 0 : i32
    %dma_start3A_482 = tpu.memref_slice %arg3[%dma_start3A_481] : memref<32000000xf32, #tpu.memory_space<hbm>> -> memref<32000000xf32, #tpu.memory_space<hbm>>
    tpu.enqueue_indirect_dma source(%dma_start3A_482 : memref<32000000xf32, #tpu.memory_space<hbm>>) target(%dma_start3A_477 : memref<128xf32, #tpu.memory_space<vmem>>) offsets(%dma_start3A_480 : memref<128xi32, #tpu.memory_space<vmem>>) semaphore(%arg15 : memref<!tpu.dma_semaphore, #tpu.memory_space<semaphore_mem>>)
    %scan3A_483 = arith.constant 0 : i32
    %scan3A_484 = arith.constant 0 : i32
    %scan3A_485 = arith.constant 64 : i32
    %scan3A_486 = arith.addi %scan3A_484, %scan3A_485 : i32
    %scan3A_487 = arith.constant 1 : i32
    scf.for %scan3A_1197 = %scan3A_484 to %scan3A_486 step %scan3A_487  : i32 {
      %mul3A_1198 = arith.constant 16 : i32
      %mul3A_1199 = arith.muli %scan3A_1197, %mul3A_1198 : i32
      %get3A_1200 = arith.index_cast %mul3A_1199 : i32 to index
      %get3A_1201 = tpu.vector_load %arg9[%get3A_1200] {strides = array<i32>} : memref<1024xi32, #tpu.memory_space<vmem>>, vector<16xi32>,
      %add3A_1202 = arith.constant 768 : i32
      %add3A_1203 = vector.broadcast %add3A_1202 : i32 to vector<16xi32>
      %add3A_1204 = arith.addi %get3A_1201, %add3A_1203 : vector<16xi32>
      %mul3A_1205 = arith.constant 16 : i32
      %mul3A_1206 = arith.muli %scan3A_1197, %mul3A_1205 : i32
      %swap3A = arith.constant 6 : i32
      %swap3A_1207 = arith.index_cast %swap3A : i32 to index
      %swap3A_1208 = arith.index_cast %mul3A_1206 : i32 to index
      %swap3A_1209 = tpu.vector_load %arg10[%swap3A_1207, %swap3A_1208] {strides = array<i32>} : memref<16x1024xi32, #tpu.memory_space<vmem>>, vector<16xi32>,
      tpu.vector_store %arg10[%swap3A_1207, %swap3A_1208], %add3A_1204 {strides = array<i32>} : memref<16x1024xi32, #tpu.memory_space<vmem>>, vector<16xi32>,
    }
    %scan3A_488 = arith.constant 64 : i32
    %dma_start3A_489 = arith.constant 6 : i32
    %dma_start3A_490 = arith.constant 6144 : i32
    %dma_start3A_491 = tpu.memref_slice %arg11[%dma_start3A_490] : memref<16384xf32, #tpu.memory_space<vmem>> -> memref<128xf32, #tpu.memory_space<vmem>>
    %dma_start3A_492 = arith.constant 0 : i32
    %dma_start3A_493 = tpu.memref_slice %arg10[%dma_start3A_489, %dma_start3A_492] : memref<16x1024xi32, #tpu.memory_space<vmem>> -> memref<1x128xi32, #tpu.memory_space<vmem>>
    %dma_start3A_494 = tpu.memref_squeeze %dma_start3A_493 : memref<1x128xi32, #tpu.memory_space<vmem>> -> memref<128xi32, #tpu.memory_space<vmem>>
    %dma_start3A_495 = arith.constant 0 : i32
    %dma_start3A_496 = tpu.memref_slice %arg3[%dma_start3A_495] : memref<32000000xf32, #tpu.memory_space<hbm>> -> memref<32000000xf32, #tpu.memory_space<hbm>>
    tpu.enqueue_indirect_dma source(%dma_start3A_496 : memref<32000000xf32, #tpu.memory_space<hbm>>) target(%dma_start3A_491 : memref<128xf32, #tpu.memory_space<vmem>>) offsets(%dma_start3A_494 : memref<128xi32, #tpu.memory_space<vmem>>) semaphore(%arg15 : memref<!tpu.dma_semaphore, #tpu.memory_space<semaphore_mem>>)
    %dma_start3A_497 = arith.constant 6 : i32
    %dma_start3A_498 = arith.constant 6272 : i32
    %dma_start3A_499 = tpu.memref_slice %arg11[%dma_start3A_498] : memref<16384xf32, #tpu.memory_space<vmem>> -> memref<128xf32, #tpu.memory_space<vmem>>
    %dma_start3A_500 = arith.constant 128 : i32
    %dma_start3A_501 = tpu.memref_slice %arg10[%dma_start3A_497, %dma_start3A_500] : memref<16x1024xi32, #tpu.memory_space<vmem>> -> memref<1x128xi32, #tpu.memory_space<vmem>>
    %dma_start3A_502 = tpu.memref_squeeze %dma_start3A_501 : memref<1x128xi32, #tpu.memory_space<vmem>> -> memref<128xi32, #tpu.memory_space<vmem>>
    %dma_start3A_503 = arith.constant 0 : i32
    %dma_start3A_504 = tpu.memref_slice %arg3[%dma_start3A_503] : memref<32000000xf32, #tpu.memory_space<hbm>> -> memref<32000000xf32, #tpu.memory_space<hbm>>
    tpu.enqueue_indirect_dma source(%dma_start3A_504 : memref<32000000xf32, #tpu.memory_space<hbm>>) target(%dma_start3A_499 : memref<128xf32, #tpu.memory_space<vmem>>) offsets(%dma_start3A_502 : memref<128xi32, #tpu.memory_space<vmem>>) semaphore(%arg15 : memref<!tpu.dma_semaphore, #tpu.memory_space<semaphore_mem>>)
    %dma_start3A_505 = arith.constant 6 : i32
    %dma_start3A_506 = arith.constant 6400 : i32
    %dma_start3A_507 = tpu.memref_slice %arg11[%dma_start3A_506] : memref<16384xf32, #tpu.memory_space<vmem>> -> memref<128xf32, #tpu.memory_space<vmem>>
    %dma_start3A_508 = arith.constant 256 : i32
    %dma_start3A_509 = tpu.memref_slice %arg10[%dma_start3A_505, %dma_start3A_508] : memref<16x1024xi32, #tpu.memory_space<vmem>> -> memref<1x128xi32, #tpu.memory_space<vmem>>
    %dma_start3A_510 = tpu.memref_squeeze %dma_start3A_509 : memref<1x128xi32, #tpu.memory_space<vmem>> -> memref<128xi32, #tpu.memory_space<vmem>>
    %dma_start3A_511 = arith.constant 0 : i32
    %dma_start3A_512 = tpu.memref_slice %arg3[%dma_start3A_511] : memref<32000000xf32, #tpu.memory_space<hbm>> -> memref<32000000xf32, #tpu.memory_space<hbm>>
    tpu.enqueue_indirect_dma source(%dma_start3A_512 : memref<32000000xf32, #tpu.memory_space<hbm>>) target(%dma_start3A_507 : memref<128xf32, #tpu.memory_space<vmem>>) offsets(%dma_start3A_510 : memref<128xi32, #tpu.memory_space<vmem>>) semaphore(%arg15 : memref<!tpu.dma_semaphore, #tpu.memory_space<semaphore_mem>>)
    %dma_start3A_513 = arith.constant 6 : i32
    %dma_start3A_514 = arith.constant 6528 : i32
    %dma_start3A_515 = tpu.memref_slice %arg11[%dma_start3A_514] : memref<16384xf32, #tpu.memory_space<vmem>> -> memref<128xf32, #tpu.memory_space<vmem>>
    %dma_start3A_516 = arith.constant 384 : i32
    %dma_start3A_517 = tpu.memref_slice %arg10[%dma_start3A_513, %dma_start3A_516] : memref<16x1024xi32, #tpu.memory_space<vmem>> -> memref<1x128xi32, #tpu.memory_space<vmem>>
    %dma_start3A_518 = tpu.memref_squeeze %dma_start3A_517 : memref<1x128xi32, #tpu.memory_space<vmem>> -> memref<128xi32, #tpu.memory_space<vmem>>
    %dma_start3A_519 = arith.constant 0 : i32
    %dma_start3A_520 = tpu.memref_slice %arg3[%dma_start3A_519] : memref<32000000xf32, #tpu.memory_space<hbm>> -> memref<32000000xf32, #tpu.memory_space<hbm>>
    tpu.enqueue_indirect_dma source(%dma_start3A_520 : memref<32000000xf32, #tpu.memory_space<hbm>>) target(%dma_start3A_515 : memref<128xf32, #tpu.memory_space<vmem>>) offsets(%dma_start3A_518 : memref<128xi32, #tpu.memory_space<vmem>>) semaphore(%arg15 : memref<!tpu.dma_semaphore, #tpu.memory_space<semaphore_mem>>)
    %dma_start3A_521 = arith.constant 6 : i32
    %dma_start3A_522 = arith.constant 6656 : i32
    %dma_start3A_523 = tpu.memref_slice %arg11[%dma_start3A_522] : memref<16384xf32, #tpu.memory_space<vmem>> -> memref<128xf32, #tpu.memory_space<vmem>>
    %dma_start3A_524 = arith.constant 512 : i32
    %dma_start3A_525 = tpu.memref_slice %arg10[%dma_start3A_521, %dma_start3A_524] : memref<16x1024xi32, #tpu.memory_space<vmem>> -> memref<1x128xi32, #tpu.memory_space<vmem>>
    %dma_start3A_526 = tpu.memref_squeeze %dma_start3A_525 : memref<1x128xi32, #tpu.memory_space<vmem>> -> memref<128xi32, #tpu.memory_space<vmem>>
    %dma_start3A_527 = arith.constant 0 : i32
    %dma_start3A_528 = tpu.memref_slice %arg3[%dma_start3A_527] : memref<32000000xf32, #tpu.memory_space<hbm>> -> memref<32000000xf32, #tpu.memory_space<hbm>>
    tpu.enqueue_indirect_dma source(%dma_start3A_528 : memref<32000000xf32, #tpu.memory_space<hbm>>) target(%dma_start3A_523 : memref<128xf32, #tpu.memory_space<vmem>>) offsets(%dma_start3A_526 : memref<128xi32, #tpu.memory_space<vmem>>) semaphore(%arg15 : memref<!tpu.dma_semaphore, #tpu.memory_space<semaphore_mem>>)
    %dma_start3A_529 = arith.constant 6 : i32
    %dma_start3A_530 = arith.constant 6784 : i32
    %dma_start3A_531 = tpu.memref_slice %arg11[%dma_start3A_530] : memref<16384xf32, #tpu.memory_space<vmem>> -> memref<128xf32, #tpu.memory_space<vmem>>
    %dma_start3A_532 = arith.constant 640 : i32
    %dma_start3A_533 = tpu.memref_slice %arg10[%dma_start3A_529, %dma_start3A_532] : memref<16x1024xi32, #tpu.memory_space<vmem>> -> memref<1x128xi32, #tpu.memory_space<vmem>>
    %dma_start3A_534 = tpu.memref_squeeze %dma_start3A_533 : memref<1x128xi32, #tpu.memory_space<vmem>> -> memref<128xi32, #tpu.memory_space<vmem>>
    %dma_start3A_535 = arith.constant 0 : i32
    %dma_start3A_536 = tpu.memref_slice %arg3[%dma_start3A_535] : memref<32000000xf32, #tpu.memory_space<hbm>> -> memref<32000000xf32, #tpu.memory_space<hbm>>
    tpu.enqueue_indirect_dma source(%dma_start3A_536 : memref<32000000xf32, #tpu.memory_space<hbm>>) target(%dma_start3A_531 : memref<128xf32, #tpu.memory_space<vmem>>) offsets(%dma_start3A_534 : memref<128xi32, #tpu.memory_space<vmem>>) semaphore(%arg15 : memref<!tpu.dma_semaphore, #tpu.memory_space<semaphore_mem>>)
    %dma_start3A_537 = arith.constant 6 : i32
    %dma_start3A_538 = arith.constant 6912 : i32
    %dma_start3A_539 = tpu.memref_slice %arg11[%dma_start3A_538] : memref<16384xf32, #tpu.memory_space<vmem>> -> memref<128xf32, #tpu.memory_space<vmem>>
    %dma_start3A_540 = arith.constant 768 : i32
    %dma_start3A_541 = tpu.memref_slice %arg10[%dma_start3A_537, %dma_start3A_540] : memref<16x1024xi32, #tpu.memory_space<vmem>> -> memref<1x128xi32, #tpu.memory_space<vmem>>
    %dma_start3A_542 = tpu.memref_squeeze %dma_start3A_541 : memref<1x128xi32, #tpu.memory_space<vmem>> -> memref<128xi32, #tpu.memory_space<vmem>>
    %dma_start3A_543 = arith.constant 0 : i32
    %dma_start3A_544 = tpu.memref_slice %arg3[%dma_start3A_543] : memref<32000000xf32, #tpu.memory_space<hbm>> -> memref<32000000xf32, #tpu.memory_space<hbm>>
    tpu.enqueue_indirect_dma source(%dma_start3A_544 : memref<32000000xf32, #tpu.memory_space<hbm>>) target(%dma_start3A_539 : memref<128xf32, #tpu.memory_space<vmem>>) offsets(%dma_start3A_542 : memref<128xi32, #tpu.memory_space<vmem>>) semaphore(%arg15 : memref<!tpu.dma_semaphore, #tpu.memory_space<semaphore_mem>>)
    %dma_start3A_545 = arith.constant 6 : i32
    %dma_start3A_546 = arith.constant 7040 : i32
    %dma_start3A_547 = tpu.memref_slice %arg11[%dma_start3A_546] : memref<16384xf32, #tpu.memory_space<vmem>> -> memref<128xf32, #tpu.memory_space<vmem>>
    %dma_start3A_548 = arith.constant 896 : i32
    %dma_start3A_549 = tpu.memref_slice %arg10[%dma_start3A_545, %dma_start3A_548] : memref<16x1024xi32, #tpu.memory_space<vmem>> -> memref<1x128xi32, #tpu.memory_space<vmem>>
    %dma_start3A_550 = tpu.memref_squeeze %dma_start3A_549 : memref<1x128xi32, #tpu.memory_space<vmem>> -> memref<128xi32, #tpu.memory_space<vmem>>
    %dma_start3A_551 = arith.constant 0 : i32
    %dma_start3A_552 = tpu.memref_slice %arg3[%dma_start3A_551] : memref<32000000xf32, #tpu.memory_space<hbm>> -> memref<32000000xf32, #tpu.memory_space<hbm>>
    tpu.enqueue_indirect_dma source(%dma_start3A_552 : memref<32000000xf32, #tpu.memory_space<hbm>>) target(%dma_start3A_547 : memref<128xf32, #tpu.memory_space<vmem>>) offsets(%dma_start3A_550 : memref<128xi32, #tpu.memory_space<vmem>>) semaphore(%arg15 : memref<!tpu.dma_semaphore, #tpu.memory_space<semaphore_mem>>)
    %scan3A_553 = arith.constant 0 : i32
    %scan3A_554 = arith.constant 0 : i32
    %scan3A_555 = arith.constant 64 : i32
    %scan3A_556 = arith.addi %scan3A_554, %scan3A_555 : i32
    %scan3A_557 = arith.constant 1 : i32
    scf.for %scan3A_1197 = %scan3A_554 to %scan3A_556 step %scan3A_557  : i32 {
      %mul3A_1198 = arith.constant 16 : i32
      %mul3A_1199 = arith.muli %scan3A_1197, %mul3A_1198 : i32
      %get3A_1200 = arith.index_cast %mul3A_1199 : i32 to index
      %get3A_1201 = tpu.vector_load %arg9[%get3A_1200] {strides = array<i32>} : memref<1024xi32, #tpu.memory_space<vmem>>, vector<16xi32>,
      %add3A_1202 = arith.constant 896 : i32
      %add3A_1203 = vector.broadcast %add3A_1202 : i32 to vector<16xi32>
      %add3A_1204 = arith.addi %get3A_1201, %add3A_1203 : vector<16xi32>
      %mul3A_1205 = arith.constant 16 : i32
      %mul3A_1206 = arith.muli %scan3A_1197, %mul3A_1205 : i32
      %swap3A = arith.constant 7 : i32
      %swap3A_1207 = arith.index_cast %swap3A : i32 to index
      %swap3A_1208 = arith.index_cast %mul3A_1206 : i32 to index
      %swap3A_1209 = tpu.vector_load %arg10[%swap3A_1207, %swap3A_1208] {strides = array<i32>} : memref<16x1024xi32, #tpu.memory_space<vmem>>, vector<16xi32>,
      tpu.vector_store %arg10[%swap3A_1207, %swap3A_1208], %add3A_1204 {strides = array<i32>} : memref<16x1024xi32, #tpu.memory_space<vmem>>, vector<16xi32>,
    }
    %scan3A_558 = arith.constant 64 : i32
    %dma_start3A_559 = arith.constant 7 : i32
    %dma_start3A_560 = arith.constant 7168 : i32
    %dma_start3A_561 = tpu.memref_slice %arg11[%dma_start3A_560] : memref<16384xf32, #tpu.memory_space<vmem>> -> memref<128xf32, #tpu.memory_space<vmem>>
    %dma_start3A_562 = arith.constant 0 : i32
    %dma_start3A_563 = tpu.memref_slice %arg10[%dma_start3A_559, %dma_start3A_562] : memref<16x1024xi32, #tpu.memory_space<vmem>> -> memref<1x128xi32, #tpu.memory_space<vmem>>
    %dma_start3A_564 = tpu.memref_squeeze %dma_start3A_563 : memref<1x128xi32, #tpu.memory_space<vmem>> -> memref<128xi32, #tpu.memory_space<vmem>>
    %dma_start3A_565 = arith.constant 0 : i32
    %dma_start3A_566 = tpu.memref_slice %arg3[%dma_start3A_565] : memref<32000000xf32, #tpu.memory_space<hbm>> -> memref<32000000xf32, #tpu.memory_space<hbm>>
    tpu.enqueue_indirect_dma source(%dma_start3A_566 : memref<32000000xf32, #tpu.memory_space<hbm>>) target(%dma_start3A_561 : memref<128xf32, #tpu.memory_space<vmem>>) offsets(%dma_start3A_564 : memref<128xi32, #tpu.memory_space<vmem>>) semaphore(%arg15 : memref<!tpu.dma_semaphore, #tpu.memory_space<semaphore_mem>>)
    %dma_start3A_567 = arith.constant 7 : i32
    %dma_start3A_568 = arith.constant 7296 : i32
    %dma_start3A_569 = tpu.memref_slice %arg11[%dma_start3A_568] : memref<16384xf32, #tpu.memory_space<vmem>> -> memref<128xf32, #tpu.memory_space<vmem>>
    %dma_start3A_570 = arith.constant 128 : i32
    %dma_start3A_571 = tpu.memref_slice %arg10[%dma_start3A_567, %dma_start3A_570] : memref<16x1024xi32, #tpu.memory_space<vmem>> -> memref<1x128xi32, #tpu.memory_space<vmem>>
    %dma_start3A_572 = tpu.memref_squeeze %dma_start3A_571 : memref<1x128xi32, #tpu.memory_space<vmem>> -> memref<128xi32, #tpu.memory_space<vmem>>
    %dma_start3A_573 = arith.constant 0 : i32
    %dma_start3A_574 = tpu.memref_slice %arg3[%dma_start3A_573] : memref<32000000xf32, #tpu.memory_space<hbm>> -> memref<32000000xf32, #tpu.memory_space<hbm>>
    tpu.enqueue_indirect_dma source(%dma_start3A_574 : memref<32000000xf32, #tpu.memory_space<hbm>>) target(%dma_start3A_569 : memref<128xf32, #tpu.memory_space<vmem>>) offsets(%dma_start3A_572 : memref<128xi32, #tpu.memory_space<vmem>>) semaphore(%arg15 : memref<!tpu.dma_semaphore, #tpu.memory_space<semaphore_mem>>)
    %dma_start3A_575 = arith.constant 7 : i32
    %dma_start3A_576 = arith.constant 7424 : i32
    %dma_start3A_577 = tpu.memref_slice %arg11[%dma_start3A_576] : memref<16384xf32, #tpu.memory_space<vmem>> -> memref<128xf32, #tpu.memory_space<vmem>>
    %dma_start3A_578 = arith.constant 256 : i32
    %dma_start3A_579 = tpu.memref_slice %arg10[%dma_start3A_575, %dma_start3A_578] : memref<16x1024xi32, #tpu.memory_space<vmem>> -> memref<1x128xi32, #tpu.memory_space<vmem>>
    %dma_start3A_580 = tpu.memref_squeeze %dma_start3A_579 : memref<1x128xi32, #tpu.memory_space<vmem>> -> memref<128xi32, #tpu.memory_space<vmem>>
    %dma_start3A_581 = arith.constant 0 : i32
    %dma_start3A_582 = tpu.memref_slice %arg3[%dma_start3A_581] : memref<32000000xf32, #tpu.memory_space<hbm>> -> memref<32000000xf32, #tpu.memory_space<hbm>>
    tpu.enqueue_indirect_dma source(%dma_start3A_582 : memref<32000000xf32, #tpu.memory_space<hbm>>) target(%dma_start3A_577 : memref<128xf32, #tpu.memory_space<vmem>>) offsets(%dma_start3A_580 : memref<128xi32, #tpu.memory_space<vmem>>) semaphore(%arg15 : memref<!tpu.dma_semaphore, #tpu.memory_space<semaphore_mem>>)
    %dma_start3A_583 = arith.constant 7 : i32
    %dma_start3A_584 = arith.constant 7552 : i32
    %dma_start3A_585 = tpu.memref_slice %arg11[%dma_start3A_584] : memref<16384xf32, #tpu.memory_space<vmem>> -> memref<128xf32, #tpu.memory_space<vmem>>
    %dma_start3A_586 = arith.constant 384 : i32
    %dma_start3A_587 = tpu.memref_slice %arg10[%dma_start3A_583, %dma_start3A_586] : memref<16x1024xi32, #tpu.memory_space<vmem>> -> memref<1x128xi32, #tpu.memory_space<vmem>>
    %dma_start3A_588 = tpu.memref_squeeze %dma_start3A_587 : memref<1x128xi32, #tpu.memory_space<vmem>> -> memref<128xi32, #tpu.memory_space<vmem>>
    %dma_start3A_589 = arith.constant 0 : i32
    %dma_start3A_590 = tpu.memref_slice %arg3[%dma_start3A_589] : memref<32000000xf32, #tpu.memory_space<hbm>> -> memref<32000000xf32, #tpu.memory_space<hbm>>
    tpu.enqueue_indirect_dma source(%dma_start3A_590 : memref<32000000xf32, #tpu.memory_space<hbm>>) target(%dma_start3A_585 : memref<128xf32, #tpu.memory_space<vmem>>) offsets(%dma_start3A_588 : memref<128xi32, #tpu.memory_space<vmem>>) semaphore(%arg15 : memref<!tpu.dma_semaphore, #tpu.memory_space<semaphore_mem>>)
    %dma_start3A_591 = arith.constant 7 : i32
    %dma_start3A_592 = arith.constant 7680 : i32
    %dma_start3A_593 = tpu.memref_slice %arg11[%dma_start3A_592] : memref<16384xf32, #tpu.memory_space<vmem>> -> memref<128xf32, #tpu.memory_space<vmem>>
    %dma_start3A_594 = arith.constant 512 : i32
    %dma_start3A_595 = tpu.memref_slice %arg10[%dma_start3A_591, %dma_start3A_594] : memref<16x1024xi32, #tpu.memory_space<vmem>> -> memref<1x128xi32, #tpu.memory_space<vmem>>
    %dma_start3A_596 = tpu.memref_squeeze %dma_start3A_595 : memref<1x128xi32, #tpu.memory_space<vmem>> -> memref<128xi32, #tpu.memory_space<vmem>>
    %dma_start3A_597 = arith.constant 0 : i32
    %dma_start3A_598 = tpu.memref_slice %arg3[%dma_start3A_597] : memref<32000000xf32, #tpu.memory_space<hbm>> -> memref<32000000xf32, #tpu.memory_space<hbm>>
    tpu.enqueue_indirect_dma source(%dma_start3A_598 : memref<32000000xf32, #tpu.memory_space<hbm>>) target(%dma_start3A_593 : memref<128xf32, #tpu.memory_space<vmem>>) offsets(%dma_start3A_596 : memref<128xi32, #tpu.memory_space<vmem>>) semaphore(%arg15 : memref<!tpu.dma_semaphore, #tpu.memory_space<semaphore_mem>>)
    %dma_start3A_599 = arith.constant 7 : i32
    %dma_start3A_600 = arith.constant 7808 : i32
    %dma_start3A_601 = tpu.memref_slice %arg11[%dma_start3A_600] : memref<16384xf32, #tpu.memory_space<vmem>> -> memref<128xf32, #tpu.memory_space<vmem>>
    %dma_start3A_602 = arith.constant 640 : i32
    %dma_start3A_603 = tpu.memref_slice %arg10[%dma_start3A_599, %dma_start3A_602] : memref<16x1024xi32, #tpu.memory_space<vmem>> -> memref<1x128xi32, #tpu.memory_space<vmem>>
    %dma_start3A_604 = tpu.memref_squeeze %dma_start3A_603 : memref<1x128xi32, #tpu.memory_space<vmem>> -> memref<128xi32, #tpu.memory_space<vmem>>
    %dma_start3A_605 = arith.constant 0 : i32
    %dma_start3A_606 = tpu.memref_slice %arg3[%dma_start3A_605] : memref<32000000xf32, #tpu.memory_space<hbm>> -> memref<32000000xf32, #tpu.memory_space<hbm>>
    tpu.enqueue_indirect_dma source(%dma_start3A_606 : memref<32000000xf32, #tpu.memory_space<hbm>>) target(%dma_start3A_601 : memref<128xf32, #tpu.memory_space<vmem>>) offsets(%dma_start3A_604 : memref<128xi32, #tpu.memory_space<vmem>>) semaphore(%arg15 : memref<!tpu.dma_semaphore, #tpu.memory_space<semaphore_mem>>)
    %dma_start3A_607 = arith.constant 7 : i32
    %dma_start3A_608 = arith.constant 7936 : i32
    %dma_start3A_609 = tpu.memref_slice %arg11[%dma_start3A_608] : memref<16384xf32, #tpu.memory_space<vmem>> -> memref<128xf32, #tpu.memory_space<vmem>>
    %dma_start3A_610 = arith.constant 768 : i32
    %dma_start3A_611 = tpu.memref_slice %arg10[%dma_start3A_607, %dma_start3A_610] : memref<16x1024xi32, #tpu.memory_space<vmem>> -> memref<1x128xi32, #tpu.memory_space<vmem>>
    %dma_start3A_612 = tpu.memref_squeeze %dma_start3A_611 : memref<1x128xi32, #tpu.memory_space<vmem>> -> memref<128xi32, #tpu.memory_space<vmem>>
    %dma_start3A_613 = arith.constant 0 : i32
    %dma_start3A_614 = tpu.memref_slice %arg3[%dma_start3A_613] : memref<32000000xf32, #tpu.memory_space<hbm>> -> memref<32000000xf32, #tpu.memory_space<hbm>>
    tpu.enqueue_indirect_dma source(%dma_start3A_614 : memref<32000000xf32, #tpu.memory_space<hbm>>) target(%dma_start3A_609 : memref<128xf32, #tpu.memory_space<vmem>>) offsets(%dma_start3A_612 : memref<128xi32, #tpu.memory_space<vmem>>) semaphore(%arg15 : memref<!tpu.dma_semaphore, #tpu.memory_space<semaphore_mem>>)
    %dma_start3A_615 = arith.constant 7 : i32
    %dma_start3A_616 = arith.constant 8064 : i32
    %dma_start3A_617 = tpu.memref_slice %arg11[%dma_start3A_616] : memref<16384xf32, #tpu.memory_space<vmem>> -> memref<128xf32, #tpu.memory_space<vmem>>
    %dma_start3A_618 = arith.constant 896 : i32
    %dma_start3A_619 = tpu.memref_slice %arg10[%dma_start3A_615, %dma_start3A_618] : memref<16x1024xi32, #tpu.memory_space<vmem>> -> memref<1x128xi32, #tpu.memory_space<vmem>>
    %dma_start3A_620 = tpu.memref_squeeze %dma_start3A_619 : memref<1x128xi32, #tpu.memory_space<vmem>> -> memref<128xi32, #tpu.memory_space<vmem>>
    %dma_start3A_621 = arith.constant 0 : i32
    %dma_start3A_622 = tpu.memref_slice %arg3[%dma_start3A_621] : memref<32000000xf32, #tpu.memory_space<hbm>> -> memref<32000000xf32, #tpu.memory_space<hbm>>
    tpu.enqueue_indirect_dma source(%dma_start3A_622 : memref<32000000xf32, #tpu.memory_space<hbm>>) target(%dma_start3A_617 : memref<128xf32, #tpu.memory_space<vmem>>) offsets(%dma_start3A_620 : memref<128xi32, #tpu.memory_space<vmem>>) semaphore(%arg15 : memref<!tpu.dma_semaphore, #tpu.memory_space<semaphore_mem>>)
    %scan3A_623 = arith.constant 0 : i32
    %scan3A_624 = arith.constant 0 : i32
    %scan3A_625 = arith.constant 64 : i32
    %scan3A_626 = arith.addi %scan3A_624, %scan3A_625 : i32
    %scan3A_627 = arith.constant 1 : i32
    scf.for %scan3A_1197 = %scan3A_624 to %scan3A_626 step %scan3A_627  : i32 {
      %mul3A_1198 = arith.constant 16 : i32
      %mul3A_1199 = arith.muli %scan3A_1197, %mul3A_1198 : i32
      %get3A_1200 = arith.index_cast %mul3A_1199 : i32 to index
      %get3A_1201 = tpu.vector_load %arg9[%get3A_1200] {strides = array<i32>} : memref<1024xi32, #tpu.memory_space<vmem>>, vector<16xi32>,
      %add3A_1202 = arith.constant 16000000 : i32
      %add3A_1203 = vector.broadcast %add3A_1202 : i32 to vector<16xi32>
      %add3A_1204 = arith.addi %get3A_1201, %add3A_1203 : vector<16xi32>
      %mul3A_1205 = arith.constant 16 : i32
      %mul3A_1206 = arith.muli %scan3A_1197, %mul3A_1205 : i32
      %swap3A = arith.constant 8 : i32
      %swap3A_1207 = arith.index_cast %swap3A : i32 to index
      %swap3A_1208 = arith.index_cast %mul3A_1206 : i32 to index
      %swap3A_1209 = tpu.vector_load %arg10[%swap3A_1207, %swap3A_1208] {strides = array<i32>} : memref<16x1024xi32, #tpu.memory_space<vmem>>, vector<16xi32>,
      tpu.vector_store %arg10[%swap3A_1207, %swap3A_1208], %add3A_1204 {strides = array<i32>} : memref<16x1024xi32, #tpu.memory_space<vmem>>, vector<16xi32>,
    }
    %scan3A_628 = arith.constant 64 : i32
    %dma_start3A_629 = arith.constant 8 : i32
    %dma_start3A_630 = arith.constant 8192 : i32
    %dma_start3A_631 = tpu.memref_slice %arg11[%dma_start3A_630] : memref<16384xf32, #tpu.memory_space<vmem>> -> memref<128xf32, #tpu.memory_space<vmem>>
    %dma_start3A_632 = arith.constant 0 : i32
    %dma_start3A_633 = tpu.memref_slice %arg10[%dma_start3A_629, %dma_start3A_632] : memref<16x1024xi32, #tpu.memory_space<vmem>> -> memref<1x128xi32, #tpu.memory_space<vmem>>
    %dma_start3A_634 = tpu.memref_squeeze %dma_start3A_633 : memref<1x128xi32, #tpu.memory_space<vmem>> -> memref<128xi32, #tpu.memory_space<vmem>>
    %dma_start3A_635 = arith.constant 0 : i32
    %dma_start3A_636 = tpu.memref_slice %arg3[%dma_start3A_635] : memref<32000000xf32, #tpu.memory_space<hbm>> -> memref<32000000xf32, #tpu.memory_space<hbm>>
    tpu.enqueue_indirect_dma source(%dma_start3A_636 : memref<32000000xf32, #tpu.memory_space<hbm>>) target(%dma_start3A_631 : memref<128xf32, #tpu.memory_space<vmem>>) offsets(%dma_start3A_634 : memref<128xi32, #tpu.memory_space<vmem>>) semaphore(%arg15 : memref<!tpu.dma_semaphore, #tpu.memory_space<semaphore_mem>>)
    %dma_start3A_637 = arith.constant 8 : i32
    %dma_start3A_638 = arith.constant 8320 : i32
    %dma_start3A_639 = tpu.memref_slice %arg11[%dma_start3A_638] : memref<16384xf32, #tpu.memory_space<vmem>> -> memref<128xf32, #tpu.memory_space<vmem>>
    %dma_start3A_640 = arith.constant 128 : i32
    %dma_start3A_641 = tpu.memref_slice %arg10[%dma_start3A_637, %dma_start3A_640] : memref<16x1024xi32, #tpu.memory_space<vmem>> -> memref<1x128xi32, #tpu.memory_space<vmem>>
    %dma_start3A_642 = tpu.memref_squeeze %dma_start3A_641 : memref<1x128xi32, #tpu.memory_space<vmem>> -> memref<128xi32, #tpu.memory_space<vmem>>
    %dma_start3A_643 = arith.constant 0 : i32
    %dma_start3A_644 = tpu.memref_slice %arg3[%dma_start3A_643] : memref<32000000xf32, #tpu.memory_space<hbm>> -> memref<32000000xf32, #tpu.memory_space<hbm>>
    tpu.enqueue_indirect_dma source(%dma_start3A_644 : memref<32000000xf32, #tpu.memory_space<hbm>>) target(%dma_start3A_639 : memref<128xf32, #tpu.memory_space<vmem>>) offsets(%dma_start3A_642 : memref<128xi32, #tpu.memory_space<vmem>>) semaphore(%arg15 : memref<!tpu.dma_semaphore, #tpu.memory_space<semaphore_mem>>)
    %dma_start3A_645 = arith.constant 8 : i32
    %dma_start3A_646 = arith.constant 8448 : i32
    %dma_start3A_647 = tpu.memref_slice %arg11[%dma_start3A_646] : memref<16384xf32, #tpu.memory_space<vmem>> -> memref<128xf32, #tpu.memory_space<vmem>>
    %dma_start3A_648 = arith.constant 256 : i32
    %dma_start3A_649 = tpu.memref_slice %arg10[%dma_start3A_645, %dma_start3A_648] : memref<16x1024xi32, #tpu.memory_space<vmem>> -> memref<1x128xi32, #tpu.memory_space<vmem>>
    %dma_start3A_650 = tpu.memref_squeeze %dma_start3A_649 : memref<1x128xi32, #tpu.memory_space<vmem>> -> memref<128xi32, #tpu.memory_space<vmem>>
    %dma_start3A_651 = arith.constant 0 : i32
    %dma_start3A_652 = tpu.memref_slice %arg3[%dma_start3A_651] : memref<32000000xf32, #tpu.memory_space<hbm>> -> memref<32000000xf32, #tpu.memory_space<hbm>>
    tpu.enqueue_indirect_dma source(%dma_start3A_652 : memref<32000000xf32, #tpu.memory_space<hbm>>) target(%dma_start3A_647 : memref<128xf32, #tpu.memory_space<vmem>>) offsets(%dma_start3A_650 : memref<128xi32, #tpu.memory_space<vmem>>) semaphore(%arg15 : memref<!tpu.dma_semaphore, #tpu.memory_space<semaphore_mem>>)
    %dma_start3A_653 = arith.constant 8 : i32
    %dma_start3A_654 = arith.constant 8576 : i32
    %dma_start3A_655 = tpu.memref_slice %arg11[%dma_start3A_654] : memref<16384xf32, #tpu.memory_space<vmem>> -> memref<128xf32, #tpu.memory_space<vmem>>
    %dma_start3A_656 = arith.constant 384 : i32
    %dma_start3A_657 = tpu.memref_slice %arg10[%dma_start3A_653, %dma_start3A_656] : memref<16x1024xi32, #tpu.memory_space<vmem>> -> memref<1x128xi32, #tpu.memory_space<vmem>>
    %dma_start3A_658 = tpu.memref_squeeze %dma_start3A_657 : memref<1x128xi32, #tpu.memory_space<vmem>> -> memref<128xi32, #tpu.memory_space<vmem>>
    %dma_start3A_659 = arith.constant 0 : i32
    %dma_start3A_660 = tpu.memref_slice %arg3[%dma_start3A_659] : memref<32000000xf32, #tpu.memory_space<hbm>> -> memref<32000000xf32, #tpu.memory_space<hbm>>
    tpu.enqueue_indirect_dma source(%dma_start3A_660 : memref<32000000xf32, #tpu.memory_space<hbm>>) target(%dma_start3A_655 : memref<128xf32, #tpu.memory_space<vmem>>) offsets(%dma_start3A_658 : memref<128xi32, #tpu.memory_space<vmem>>) semaphore(%arg15 : memref<!tpu.dma_semaphore, #tpu.memory_space<semaphore_mem>>)
    %dma_start3A_661 = arith.constant 8 : i32
    %dma_start3A_662 = arith.constant 8704 : i32
    %dma_start3A_663 = tpu.memref_slice %arg11[%dma_start3A_662] : memref<16384xf32, #tpu.memory_space<vmem>> -> memref<128xf32, #tpu.memory_space<vmem>>
    %dma_start3A_664 = arith.constant 512 : i32
    %dma_start3A_665 = tpu.memref_slice %arg10[%dma_start3A_661, %dma_start3A_664] : memref<16x1024xi32, #tpu.memory_space<vmem>> -> memref<1x128xi32, #tpu.memory_space<vmem>>
    %dma_start3A_666 = tpu.memref_squeeze %dma_start3A_665 : memref<1x128xi32, #tpu.memory_space<vmem>> -> memref<128xi32, #tpu.memory_space<vmem>>
    %dma_start3A_667 = arith.constant 0 : i32
    %dma_start3A_668 = tpu.memref_slice %arg3[%dma_start3A_667] : memref<32000000xf32, #tpu.memory_space<hbm>> -> memref<32000000xf32, #tpu.memory_space<hbm>>
    tpu.enqueue_indirect_dma source(%dma_start3A_668 : memref<32000000xf32, #tpu.memory_space<hbm>>) target(%dma_start3A_663 : memref<128xf32, #tpu.memory_space<vmem>>) offsets(%dma_start3A_666 : memref<128xi32, #tpu.memory_space<vmem>>) semaphore(%arg15 : memref<!tpu.dma_semaphore, #tpu.memory_space<semaphore_mem>>)
    %dma_start3A_669 = arith.constant 8 : i32
    %dma_start3A_670 = arith.constant 8832 : i32
    %dma_start3A_671 = tpu.memref_slice %arg11[%dma_start3A_670] : memref<16384xf32, #tpu.memory_space<vmem>> -> memref<128xf32, #tpu.memory_space<vmem>>
    %dma_start3A_672 = arith.constant 640 : i32
    %dma_start3A_673 = tpu.memref_slice %arg10[%dma_start3A_669, %dma_start3A_672] : memref<16x1024xi32, #tpu.memory_space<vmem>> -> memref<1x128xi32, #tpu.memory_space<vmem>>
    %dma_start3A_674 = tpu.memref_squeeze %dma_start3A_673 : memref<1x128xi32, #tpu.memory_space<vmem>> -> memref<128xi32, #tpu.memory_space<vmem>>
    %dma_start3A_675 = arith.constant 0 : i32
    %dma_start3A_676 = tpu.memref_slice %arg3[%dma_start3A_675] : memref<32000000xf32, #tpu.memory_space<hbm>> -> memref<32000000xf32, #tpu.memory_space<hbm>>
    tpu.enqueue_indirect_dma source(%dma_start3A_676 : memref<32000000xf32, #tpu.memory_space<hbm>>) target(%dma_start3A_671 : memref<128xf32, #tpu.memory_space<vmem>>) offsets(%dma_start3A_674 : memref<128xi32, #tpu.memory_space<vmem>>) semaphore(%arg15 : memref<!tpu.dma_semaphore, #tpu.memory_space<semaphore_mem>>)
    %dma_start3A_677 = arith.constant 8 : i32
    %dma_start3A_678 = arith.constant 8960 : i32
    %dma_start3A_679 = tpu.memref_slice %arg11[%dma_start3A_678] : memref<16384xf32, #tpu.memory_space<vmem>> -> memref<128xf32, #tpu.memory_space<vmem>>
    %dma_start3A_680 = arith.constant 768 : i32
    %dma_start3A_681 = tpu.memref_slice %arg10[%dma_start3A_677, %dma_start3A_680] : memref<16x1024xi32, #tpu.memory_space<vmem>> -> memref<1x128xi32, #tpu.memory_space<vmem>>
    %dma_start3A_682 = tpu.memref_squeeze %dma_start3A_681 : memref<1x128xi32, #tpu.memory_space<vmem>> -> memref<128xi32, #tpu.memory_space<vmem>>
    %dma_start3A_683 = arith.constant 0 : i32
    %dma_start3A_684 = tpu.memref_slice %arg3[%dma_start3A_683] : memref<32000000xf32, #tpu.memory_space<hbm>> -> memref<32000000xf32, #tpu.memory_space<hbm>>
    tpu.enqueue_indirect_dma source(%dma_start3A_684 : memref<32000000xf32, #tpu.memory_space<hbm>>) target(%dma_start3A_679 : memref<128xf32, #tpu.memory_space<vmem>>) offsets(%dma_start3A_682 : memref<128xi32, #tpu.memory_space<vmem>>) semaphore(%arg15 : memref<!tpu.dma_semaphore, #tpu.memory_space<semaphore_mem>>)
    %dma_start3A_685 = arith.constant 8 : i32
    %dma_start3A_686 = arith.constant 9088 : i32
    %dma_start3A_687 = tpu.memref_slice %arg11[%dma_start3A_686] : memref<16384xf32, #tpu.memory_space<vmem>> -> memref<128xf32, #tpu.memory_space<vmem>>
    %dma_start3A_688 = arith.constant 896 : i32
    %dma_start3A_689 = tpu.memref_slice %arg10[%dma_start3A_685, %dma_start3A_688] : memref<16x1024xi32, #tpu.memory_space<vmem>> -> memref<1x128xi32, #tpu.memory_space<vmem>>
    %dma_start3A_690 = tpu.memref_squeeze %dma_start3A_689 : memref<1x128xi32, #tpu.memory_space<vmem>> -> memref<128xi32, #tpu.memory_space<vmem>>
    %dma_start3A_691 = arith.constant 0 : i32
    %dma_start3A_692 = tpu.memref_slice %arg3[%dma_start3A_691] : memref<32000000xf32, #tpu.memory_space<hbm>> -> memref<32000000xf32, #tpu.memory_space<hbm>>
    tpu.enqueue_indirect_dma source(%dma_start3A_692 : memref<32000000xf32, #tpu.memory_space<hbm>>) target(%dma_start3A_687 : memref<128xf32, #tpu.memory_space<vmem>>) offsets(%dma_start3A_690 : memref<128xi32, #tpu.memory_space<vmem>>) semaphore(%arg15 : memref<!tpu.dma_semaphore, #tpu.memory_space<semaphore_mem>>)
    %scan3A_693 = arith.constant 0 : i32
    %scan3A_694 = arith.constant 0 : i32
    %scan3A_695 = arith.constant 64 : i32
    %scan3A_696 = arith.addi %scan3A_694, %scan3A_695 : i32
    %scan3A_697 = arith.constant 1 : i32
    scf.for %scan3A_1197 = %scan3A_694 to %scan3A_696 step %scan3A_697  : i32 {
      %mul3A_1198 = arith.constant 16 : i32
      %mul3A_1199 = arith.muli %scan3A_1197, %mul3A_1198 : i32
      %get3A_1200 = arith.index_cast %mul3A_1199 : i32 to index
      %get3A_1201 = tpu.vector_load %arg9[%get3A_1200] {strides = array<i32>} : memref<1024xi32, #tpu.memory_space<vmem>>, vector<16xi32>,
      %add3A_1202 = arith.constant 16000128 : i32
      %add3A_1203 = vector.broadcast %add3A_1202 : i32 to vector<16xi32>
      %add3A_1204 = arith.addi %get3A_1201, %add3A_1203 : vector<16xi32>
      %mul3A_1205 = arith.constant 16 : i32
      %mul3A_1206 = arith.muli %scan3A_1197, %mul3A_1205 : i32
      %swap3A = arith.constant 9 : i32
      %swap3A_1207 = arith.index_cast %swap3A : i32 to index
      %swap3A_1208 = arith.index_cast %mul3A_1206 : i32 to index
      %swap3A_1209 = tpu.vector_load %arg10[%swap3A_1207, %swap3A_1208] {strides = array<i32>} : memref<16x1024xi32, #tpu.memory_space<vmem>>, vector<16xi32>,
      tpu.vector_store %arg10[%swap3A_1207, %swap3A_1208], %add3A_1204 {strides = array<i32>} : memref<16x1024xi32, #tpu.memory_space<vmem>>, vector<16xi32>,
    }
    %scan3A_698 = arith.constant 64 : i32
    %dma_start3A_699 = arith.constant 9 : i32
    %dma_start3A_700 = arith.constant 9216 : i32
    %dma_start3A_701 = tpu.memref_slice %arg11[%dma_start3A_700] : memref<16384xf32, #tpu.memory_space<vmem>> -> memref<128xf32, #tpu.memory_space<vmem>>
    %dma_start3A_702 = arith.constant 0 : i32
    %dma_start3A_703 = tpu.memref_slice %arg10[%dma_start3A_699, %dma_start3A_702] : memref<16x1024xi32, #tpu.memory_space<vmem>> -> memref<1x128xi32, #tpu.memory_space<vmem>>
    %dma_start3A_704 = tpu.memref_squeeze %dma_start3A_703 : memref<1x128xi32, #tpu.memory_space<vmem>> -> memref<128xi32, #tpu.memory_space<vmem>>
    %dma_start3A_705 = arith.constant 0 : i32
    %dma_start3A_706 = tpu.memref_slice %arg3[%dma_start3A_705] : memref<32000000xf32, #tpu.memory_space<hbm>> -> memref<32000000xf32, #tpu.memory_space<hbm>>
    tpu.enqueue_indirect_dma source(%dma_start3A_706 : memref<32000000xf32, #tpu.memory_space<hbm>>) target(%dma_start3A_701 : memref<128xf32, #tpu.memory_space<vmem>>) offsets(%dma_start3A_704 : memref<128xi32, #tpu.memory_space<vmem>>) semaphore(%arg15 : memref<!tpu.dma_semaphore, #tpu.memory_space<semaphore_mem>>)
    %dma_start3A_707 = arith.constant 9 : i32
    %dma_start3A_708 = arith.constant 9344 : i32
    %dma_start3A_709 = tpu.memref_slice %arg11[%dma_start3A_708] : memref<16384xf32, #tpu.memory_space<vmem>> -> memref<128xf32, #tpu.memory_space<vmem>>
    %dma_start3A_710 = arith.constant 128 : i32
    %dma_start3A_711 = tpu.memref_slice %arg10[%dma_start3A_707, %dma_start3A_710] : memref<16x1024xi32, #tpu.memory_space<vmem>> -> memref<1x128xi32, #tpu.memory_space<vmem>>
    %dma_start3A_712 = tpu.memref_squeeze %dma_start3A_711 : memref<1x128xi32, #tpu.memory_space<vmem>> -> memref<128xi32, #tpu.memory_space<vmem>>
    %dma_start3A_713 = arith.constant 0 : i32
    %dma_start3A_714 = tpu.memref_slice %arg3[%dma_start3A_713] : memref<32000000xf32, #tpu.memory_space<hbm>> -> memref<32000000xf32, #tpu.memory_space<hbm>>
    tpu.enqueue_indirect_dma source(%dma_start3A_714 : memref<32000000xf32, #tpu.memory_space<hbm>>) target(%dma_start3A_709 : memref<128xf32, #tpu.memory_space<vmem>>) offsets(%dma_start3A_712 : memref<128xi32, #tpu.memory_space<vmem>>) semaphore(%arg15 : memref<!tpu.dma_semaphore, #tpu.memory_space<semaphore_mem>>)
    %dma_start3A_715 = arith.constant 9 : i32
    %dma_start3A_716 = arith.constant 9472 : i32
    %dma_start3A_717 = tpu.memref_slice %arg11[%dma_start3A_716] : memref<16384xf32, #tpu.memory_space<vmem>> -> memref<128xf32, #tpu.memory_space<vmem>>
    %dma_start3A_718 = arith.constant 256 : i32
    %dma_start3A_719 = tpu.memref_slice %arg10[%dma_start3A_715, %dma_start3A_718] : memref<16x1024xi32, #tpu.memory_space<vmem>> -> memref<1x128xi32, #tpu.memory_space<vmem>>
    %dma_start3A_720 = tpu.memref_squeeze %dma_start3A_719 : memref<1x128xi32, #tpu.memory_space<vmem>> -> memref<128xi32, #tpu.memory_space<vmem>>
    %dma_start3A_721 = arith.constant 0 : i32
    %dma_start3A_722 = tpu.memref_slice %arg3[%dma_start3A_721] : memref<32000000xf32, #tpu.memory_space<hbm>> -> memref<32000000xf32, #tpu.memory_space<hbm>>
    tpu.enqueue_indirect_dma source(%dma_start3A_722 : memref<32000000xf32, #tpu.memory_space<hbm>>) target(%dma_start3A_717 : memref<128xf32, #tpu.memory_space<vmem>>) offsets(%dma_start3A_720 : memref<128xi32, #tpu.memory_space<vmem>>) semaphore(%arg15 : memref<!tpu.dma_semaphore, #tpu.memory_space<semaphore_mem>>)
    %dma_start3A_723 = arith.constant 9 : i32
    %dma_start3A_724 = arith.constant 9600 : i32
    %dma_start3A_725 = tpu.memref_slice %arg11[%dma_start3A_724] : memref<16384xf32, #tpu.memory_space<vmem>> -> memref<128xf32, #tpu.memory_space<vmem>>
    %dma_start3A_726 = arith.constant 384 : i32
    %dma_start3A_727 = tpu.memref_slice %arg10[%dma_start3A_723, %dma_start3A_726] : memref<16x1024xi32, #tpu.memory_space<vmem>> -> memref<1x128xi32, #tpu.memory_space<vmem>>
    %dma_start3A_728 = tpu.memref_squeeze %dma_start3A_727 : memref<1x128xi32, #tpu.memory_space<vmem>> -> memref<128xi32, #tpu.memory_space<vmem>>
    %dma_start3A_729 = arith.constant 0 : i32
    %dma_start3A_730 = tpu.memref_slice %arg3[%dma_start3A_729] : memref<32000000xf32, #tpu.memory_space<hbm>> -> memref<32000000xf32, #tpu.memory_space<hbm>>
    tpu.enqueue_indirect_dma source(%dma_start3A_730 : memref<32000000xf32, #tpu.memory_space<hbm>>) target(%dma_start3A_725 : memref<128xf32, #tpu.memory_space<vmem>>) offsets(%dma_start3A_728 : memref<128xi32, #tpu.memory_space<vmem>>) semaphore(%arg15 : memref<!tpu.dma_semaphore, #tpu.memory_space<semaphore_mem>>)
    %dma_start3A_731 = arith.constant 9 : i32
    %dma_start3A_732 = arith.constant 9728 : i32
    %dma_start3A_733 = tpu.memref_slice %arg11[%dma_start3A_732] : memref<16384xf32, #tpu.memory_space<vmem>> -> memref<128xf32, #tpu.memory_space<vmem>>
    %dma_start3A_734 = arith.constant 512 : i32
    %dma_start3A_735 = tpu.memref_slice %arg10[%dma_start3A_731, %dma_start3A_734] : memref<16x1024xi32, #tpu.memory_space<vmem>> -> memref<1x128xi32, #tpu.memory_space<vmem>>
    %dma_start3A_736 = tpu.memref_squeeze %dma_start3A_735 : memref<1x128xi32, #tpu.memory_space<vmem>> -> memref<128xi32, #tpu.memory_space<vmem>>
    %dma_start3A_737 = arith.constant 0 : i32
    %dma_start3A_738 = tpu.memref_slice %arg3[%dma_start3A_737] : memref<32000000xf32, #tpu.memory_space<hbm>> -> memref<32000000xf32, #tpu.memory_space<hbm>>
    tpu.enqueue_indirect_dma source(%dma_start3A_738 : memref<32000000xf32, #tpu.memory_space<hbm>>) target(%dma_start3A_733 : memref<128xf32, #tpu.memory_space<vmem>>) offsets(%dma_start3A_736 : memref<128xi32, #tpu.memory_space<vmem>>) semaphore(%arg15 : memref<!tpu.dma_semaphore, #tpu.memory_space<semaphore_mem>>)
    %dma_start3A_739 = arith.constant 9 : i32
    %dma_start3A_740 = arith.constant 9856 : i32
    %dma_start3A_741 = tpu.memref_slice %arg11[%dma_start3A_740] : memref<16384xf32, #tpu.memory_space<vmem>> -> memref<128xf32, #tpu.memory_space<vmem>>
    %dma_start3A_742 = arith.constant 640 : i32
    %dma_start3A_743 = tpu.memref_slice %arg10[%dma_start3A_739, %dma_start3A_742] : memref<16x1024xi32, #tpu.memory_space<vmem>> -> memref<1x128xi32, #tpu.memory_space<vmem>>
    %dma_start3A_744 = tpu.memref_squeeze %dma_start3A_743 : memref<1x128xi32, #tpu.memory_space<vmem>> -> memref<128xi32, #tpu.memory_space<vmem>>
    %dma_start3A_745 = arith.constant 0 : i32
    %dma_start3A_746 = tpu.memref_slice %arg3[%dma_start3A_745] : memref<32000000xf32, #tpu.memory_space<hbm>> -> memref<32000000xf32, #tpu.memory_space<hbm>>
    tpu.enqueue_indirect_dma source(%dma_start3A_746 : memref<32000000xf32, #tpu.memory_space<hbm>>) target(%dma_start3A_741 : memref<128xf32, #tpu.memory_space<vmem>>) offsets(%dma_start3A_744 : memref<128xi32, #tpu.memory_space<vmem>>) semaphore(%arg15 : memref<!tpu.dma_semaphore, #tpu.memory_space<semaphore_mem>>)
    %dma_start3A_747 = arith.constant 9 : i32
    %dma_start3A_748 = arith.constant 9984 : i32
    %dma_start3A_749 = tpu.memref_slice %arg11[%dma_start3A_748] : memref<16384xf32, #tpu.memory_space<vmem>> -> memref<128xf32, #tpu.memory_space<vmem>>
    %dma_start3A_750 = arith.constant 768 : i32
    %dma_start3A_751 = tpu.memref_slice %arg10[%dma_start3A_747, %dma_start3A_750] : memref<16x1024xi32, #tpu.memory_space<vmem>> -> memref<1x128xi32, #tpu.memory_space<vmem>>
    %dma_start3A_752 = tpu.memref_squeeze %dma_start3A_751 : memref<1x128xi32, #tpu.memory_space<vmem>> -> memref<128xi32, #tpu.memory_space<vmem>>
    %dma_start3A_753 = arith.constant 0 : i32
    %dma_start3A_754 = tpu.memref_slice %arg3[%dma_start3A_753] : memref<32000000xf32, #tpu.memory_space<hbm>> -> memref<32000000xf32, #tpu.memory_space<hbm>>
    tpu.enqueue_indirect_dma source(%dma_start3A_754 : memref<32000000xf32, #tpu.memory_space<hbm>>) target(%dma_start3A_749 : memref<128xf32, #tpu.memory_space<vmem>>) offsets(%dma_start3A_752 : memref<128xi32, #tpu.memory_space<vmem>>) semaphore(%arg15 : memref<!tpu.dma_semaphore, #tpu.memory_space<semaphore_mem>>)
    %dma_start3A_755 = arith.constant 9 : i32
    %dma_start3A_756 = arith.constant 10112 : i32
    %dma_start3A_757 = tpu.memref_slice %arg11[%dma_start3A_756] : memref<16384xf32, #tpu.memory_space<vmem>> -> memref<128xf32, #tpu.memory_space<vmem>>
    %dma_start3A_758 = arith.constant 896 : i32
    %dma_start3A_759 = tpu.memref_slice %arg10[%dma_start3A_755, %dma_start3A_758] : memref<16x1024xi32, #tpu.memory_space<vmem>> -> memref<1x128xi32, #tpu.memory_space<vmem>>
    %dma_start3A_760 = tpu.memref_squeeze %dma_start3A_759 : memref<1x128xi32, #tpu.memory_space<vmem>> -> memref<128xi32, #tpu.memory_space<vmem>>
    %dma_start3A_761 = arith.constant 0 : i32
    %dma_start3A_762 = tpu.memref_slice %arg3[%dma_start3A_761] : memref<32000000xf32, #tpu.memory_space<hbm>> -> memref<32000000xf32, #tpu.memory_space<hbm>>
    tpu.enqueue_indirect_dma source(%dma_start3A_762 : memref<32000000xf32, #tpu.memory_space<hbm>>) target(%dma_start3A_757 : memref<128xf32, #tpu.memory_space<vmem>>) offsets(%dma_start3A_760 : memref<128xi32, #tpu.memory_space<vmem>>) semaphore(%arg15 : memref<!tpu.dma_semaphore, #tpu.memory_space<semaphore_mem>>)
    %scan3A_763 = arith.constant 0 : i32
    %scan3A_764 = arith.constant 0 : i32
    %scan3A_765 = arith.constant 64 : i32
    %scan3A_766 = arith.addi %scan3A_764, %scan3A_765 : i32
    %scan3A_767 = arith.constant 1 : i32
    scf.for %scan3A_1197 = %scan3A_764 to %scan3A_766 step %scan3A_767  : i32 {
      %mul3A_1198 = arith.constant 16 : i32
      %mul3A_1199 = arith.muli %scan3A_1197, %mul3A_1198 : i32
      %get3A_1200 = arith.index_cast %mul3A_1199 : i32 to index
      %get3A_1201 = tpu.vector_load %arg9[%get3A_1200] {strides = array<i32>} : memref<1024xi32, #tpu.memory_space<vmem>>, vector<16xi32>,
      %add3A_1202 = arith.constant 16000256 : i32
      %add3A_1203 = vector.broadcast %add3A_1202 : i32 to vector<16xi32>
      %add3A_1204 = arith.addi %get3A_1201, %add3A_1203 : vector<16xi32>
      %mul3A_1205 = arith.constant 16 : i32
      %mul3A_1206 = arith.muli %scan3A_1197, %mul3A_1205 : i32
      %swap3A = arith.constant 10 : i32
      %swap3A_1207 = arith.index_cast %swap3A : i32 to index
      %swap3A_1208 = arith.index_cast %mul3A_1206 : i32 to index
      %swap3A_1209 = tpu.vector_load %arg10[%swap3A_1207, %swap3A_1208] {strides = array<i32>} : memref<16x1024xi32, #tpu.memory_space<vmem>>, vector<16xi32>,
      tpu.vector_store %arg10[%swap3A_1207, %swap3A_1208], %add3A_1204 {strides = array<i32>} : memref<16x1024xi32, #tpu.memory_space<vmem>>, vector<16xi32>,
    }
    %scan3A_768 = arith.constant 64 : i32
    %dma_start3A_769 = arith.constant 10 : i32
    %dma_start3A_770 = arith.constant 10240 : i32
    %dma_start3A_771 = tpu.memref_slice %arg11[%dma_start3A_770] : memref<16384xf32, #tpu.memory_space<vmem>> -> memref<128xf32, #tpu.memory_space<vmem>>
    %dma_start3A_772 = arith.constant 0 : i32
    %dma_start3A_773 = tpu.memref_slice %arg10[%dma_start3A_769, %dma_start3A_772] : memref<16x1024xi32, #tpu.memory_space<vmem>> -> memref<1x128xi32, #tpu.memory_space<vmem>>
    %dma_start3A_774 = tpu.memref_squeeze %dma_start3A_773 : memref<1x128xi32, #tpu.memory_space<vmem>> -> memref<128xi32, #tpu.memory_space<vmem>>
    %dma_start3A_775 = arith.constant 0 : i32
    %dma_start3A_776 = tpu.memref_slice %arg3[%dma_start3A_775] : memref<32000000xf32, #tpu.memory_space<hbm>> -> memref<32000000xf32, #tpu.memory_space<hbm>>
    tpu.enqueue_indirect_dma source(%dma_start3A_776 : memref<32000000xf32, #tpu.memory_space<hbm>>) target(%dma_start3A_771 : memref<128xf32, #tpu.memory_space<vmem>>) offsets(%dma_start3A_774 : memref<128xi32, #tpu.memory_space<vmem>>) semaphore(%arg15 : memref<!tpu.dma_semaphore, #tpu.memory_space<semaphore_mem>>)
    %dma_start3A_777 = arith.constant 10 : i32
    %dma_start3A_778 = arith.constant 10368 : i32
    %dma_start3A_779 = tpu.memref_slice %arg11[%dma_start3A_778] : memref<16384xf32, #tpu.memory_space<vmem>> -> memref<128xf32, #tpu.memory_space<vmem>>
    %dma_start3A_780 = arith.constant 128 : i32
    %dma_start3A_781 = tpu.memref_slice %arg10[%dma_start3A_777, %dma_start3A_780] : memref<16x1024xi32, #tpu.memory_space<vmem>> -> memref<1x128xi32, #tpu.memory_space<vmem>>
    %dma_start3A_782 = tpu.memref_squeeze %dma_start3A_781 : memref<1x128xi32, #tpu.memory_space<vmem>> -> memref<128xi32, #tpu.memory_space<vmem>>
    %dma_start3A_783 = arith.constant 0 : i32
    %dma_start3A_784 = tpu.memref_slice %arg3[%dma_start3A_783] : memref<32000000xf32, #tpu.memory_space<hbm>> -> memref<32000000xf32, #tpu.memory_space<hbm>>
    tpu.enqueue_indirect_dma source(%dma_start3A_784 : memref<32000000xf32, #tpu.memory_space<hbm>>) target(%dma_start3A_779 : memref<128xf32, #tpu.memory_space<vmem>>) offsets(%dma_start3A_782 : memref<128xi32, #tpu.memory_space<vmem>>) semaphore(%arg15 : memref<!tpu.dma_semaphore, #tpu.memory_space<semaphore_mem>>)
    %dma_start3A_785 = arith.constant 10 : i32
    %dma_start3A_786 = arith.constant 10496 : i32
    %dma_start3A_787 = tpu.memref_slice %arg11[%dma_start3A_786] : memref<16384xf32, #tpu.memory_space<vmem>> -> memref<128xf32, #tpu.memory_space<vmem>>
    %dma_start3A_788 = arith.constant 256 : i32
    %dma_start3A_789 = tpu.memref_slice %arg10[%dma_start3A_785, %dma_start3A_788] : memref<16x1024xi32, #tpu.memory_space<vmem>> -> memref<1x128xi32, #tpu.memory_space<vmem>>
    %dma_start3A_790 = tpu.memref_squeeze %dma_start3A_789 : memref<1x128xi32, #tpu.memory_space<vmem>> -> memref<128xi32, #tpu.memory_space<vmem>>
    %dma_start3A_791 = arith.constant 0 : i32
    %dma_start3A_792 = tpu.memref_slice %arg3[%dma_start3A_791] : memref<32000000xf32, #tpu.memory_space<hbm>> -> memref<32000000xf32, #tpu.memory_space<hbm>>
    tpu.enqueue_indirect_dma source(%dma_start3A_792 : memref<32000000xf32, #tpu.memory_space<hbm>>) target(%dma_start3A_787 : memref<128xf32, #tpu.memory_space<vmem>>) offsets(%dma_start3A_790 : memref<128xi32, #tpu.memory_space<vmem>>) semaphore(%arg15 : memref<!tpu.dma_semaphore, #tpu.memory_space<semaphore_mem>>)
    %dma_start3A_793 = arith.constant 10 : i32
    %dma_start3A_794 = arith.constant 10624 : i32
    %dma_start3A_795 = tpu.memref_slice %arg11[%dma_start3A_794] : memref<16384xf32, #tpu.memory_space<vmem>> -> memref<128xf32, #tpu.memory_space<vmem>>
    %dma_start3A_796 = arith.constant 384 : i32
    %dma_start3A_797 = tpu.memref_slice %arg10[%dma_start3A_793, %dma_start3A_796] : memref<16x1024xi32, #tpu.memory_space<vmem>> -> memref<1x128xi32, #tpu.memory_space<vmem>>
    %dma_start3A_798 = tpu.memref_squeeze %dma_start3A_797 : memref<1x128xi32, #tpu.memory_space<vmem>> -> memref<128xi32, #tpu.memory_space<vmem>>
    %dma_start3A_799 = arith.constant 0 : i32
    %dma_start3A_800 = tpu.memref_slice %arg3[%dma_start3A_799] : memref<32000000xf32, #tpu.memory_space<hbm>> -> memref<32000000xf32, #tpu.memory_space<hbm>>
    tpu.enqueue_indirect_dma source(%dma_start3A_800 : memref<32000000xf32, #tpu.memory_space<hbm>>) target(%dma_start3A_795 : memref<128xf32, #tpu.memory_space<vmem>>) offsets(%dma_start3A_798 : memref<128xi32, #tpu.memory_space<vmem>>) semaphore(%arg15 : memref<!tpu.dma_semaphore, #tpu.memory_space<semaphore_mem>>)
    %dma_start3A_801 = arith.constant 10 : i32
    %dma_start3A_802 = arith.constant 10752 : i32
    %dma_start3A_803 = tpu.memref_slice %arg11[%dma_start3A_802] : memref<16384xf32, #tpu.memory_space<vmem>> -> memref<128xf32, #tpu.memory_space<vmem>>
    %dma_start3A_804 = arith.constant 512 : i32
    %dma_start3A_805 = tpu.memref_slice %arg10[%dma_start3A_801, %dma_start3A_804] : memref<16x1024xi32, #tpu.memory_space<vmem>> -> memref<1x128xi32, #tpu.memory_space<vmem>>
    %dma_start3A_806 = tpu.memref_squeeze %dma_start3A_805 : memref<1x128xi32, #tpu.memory_space<vmem>> -> memref<128xi32, #tpu.memory_space<vmem>>
    %dma_start3A_807 = arith.constant 0 : i32
    %dma_start3A_808 = tpu.memref_slice %arg3[%dma_start3A_807] : memref<32000000xf32, #tpu.memory_space<hbm>> -> memref<32000000xf32, #tpu.memory_space<hbm>>
    tpu.enqueue_indirect_dma source(%dma_start3A_808 : memref<32000000xf32, #tpu.memory_space<hbm>>) target(%dma_start3A_803 : memref<128xf32, #tpu.memory_space<vmem>>) offsets(%dma_start3A_806 : memref<128xi32, #tpu.memory_space<vmem>>) semaphore(%arg15 : memref<!tpu.dma_semaphore, #tpu.memory_space<semaphore_mem>>)
    %dma_start3A_809 = arith.constant 10 : i32
    %dma_start3A_810 = arith.constant 10880 : i32
    %dma_start3A_811 = tpu.memref_slice %arg11[%dma_start3A_810] : memref<16384xf32, #tpu.memory_space<vmem>> -> memref<128xf32, #tpu.memory_space<vmem>>
    %dma_start3A_812 = arith.constant 640 : i32
    %dma_start3A_813 = tpu.memref_slice %arg10[%dma_start3A_809, %dma_start3A_812] : memref<16x1024xi32, #tpu.memory_space<vmem>> -> memref<1x128xi32, #tpu.memory_space<vmem>>
    %dma_start3A_814 = tpu.memref_squeeze %dma_start3A_813 : memref<1x128xi32, #tpu.memory_space<vmem>> -> memref<128xi32, #tpu.memory_space<vmem>>
    %dma_start3A_815 = arith.constant 0 : i32
    %dma_start3A_816 = tpu.memref_slice %arg3[%dma_start3A_815] : memref<32000000xf32, #tpu.memory_space<hbm>> -> memref<32000000xf32, #tpu.memory_space<hbm>>
    tpu.enqueue_indirect_dma source(%dma_start3A_816 : memref<32000000xf32, #tpu.memory_space<hbm>>) target(%dma_start3A_811 : memref<128xf32, #tpu.memory_space<vmem>>) offsets(%dma_start3A_814 : memref<128xi32, #tpu.memory_space<vmem>>) semaphore(%arg15 : memref<!tpu.dma_semaphore, #tpu.memory_space<semaphore_mem>>)
    %dma_start3A_817 = arith.constant 10 : i32
    %dma_start3A_818 = arith.constant 11008 : i32
    %dma_start3A_819 = tpu.memref_slice %arg11[%dma_start3A_818] : memref<16384xf32, #tpu.memory_space<vmem>> -> memref<128xf32, #tpu.memory_space<vmem>>
    %dma_start3A_820 = arith.constant 768 : i32
    %dma_start3A_821 = tpu.memref_slice %arg10[%dma_start3A_817, %dma_start3A_820] : memref<16x1024xi32, #tpu.memory_space<vmem>> -> memref<1x128xi32, #tpu.memory_space<vmem>>
    %dma_start3A_822 = tpu.memref_squeeze %dma_start3A_821 : memref<1x128xi32, #tpu.memory_space<vmem>> -> memref<128xi32, #tpu.memory_space<vmem>>
    %dma_start3A_823 = arith.constant 0 : i32
    %dma_start3A_824 = tpu.memref_slice %arg3[%dma_start3A_823] : memref<32000000xf32, #tpu.memory_space<hbm>> -> memref<32000000xf32, #tpu.memory_space<hbm>>
    tpu.enqueue_indirect_dma source(%dma_start3A_824 : memref<32000000xf32, #tpu.memory_space<hbm>>) target(%dma_start3A_819 : memref<128xf32, #tpu.memory_space<vmem>>) offsets(%dma_start3A_822 : memref<128xi32, #tpu.memory_space<vmem>>) semaphore(%arg15 : memref<!tpu.dma_semaphore, #tpu.memory_space<semaphore_mem>>)
    %dma_start3A_825 = arith.constant 10 : i32
    %dma_start3A_826 = arith.constant 11136 : i32
    %dma_start3A_827 = tpu.memref_slice %arg11[%dma_start3A_826] : memref<16384xf32, #tpu.memory_space<vmem>> -> memref<128xf32, #tpu.memory_space<vmem>>
    %dma_start3A_828 = arith.constant 896 : i32
    %dma_start3A_829 = tpu.memref_slice %arg10[%dma_start3A_825, %dma_start3A_828] : memref<16x1024xi32, #tpu.memory_space<vmem>> -> memref<1x128xi32, #tpu.memory_space<vmem>>
    %dma_start3A_830 = tpu.memref_squeeze %dma_start3A_829 : memref<1x128xi32, #tpu.memory_space<vmem>> -> memref<128xi32, #tpu.memory_space<vmem>>
    %dma_start3A_831 = arith.constant 0 : i32
    %dma_start3A_832 = tpu.memref_slice %arg3[%dma_start3A_831] : memref<32000000xf32, #tpu.memory_space<hbm>> -> memref<32000000xf32, #tpu.memory_space<hbm>>
    tpu.enqueue_indirect_dma source(%dma_start3A_832 : memref<32000000xf32, #tpu.memory_space<hbm>>) target(%dma_start3A_827 : memref<128xf32, #tpu.memory_space<vmem>>) offsets(%dma_start3A_830 : memref<128xi32, #tpu.memory_space<vmem>>) semaphore(%arg15 : memref<!tpu.dma_semaphore, #tpu.memory_space<semaphore_mem>>)
    %scan3A_833 = arith.constant 0 : i32
    %scan3A_834 = arith.constant 0 : i32
    %scan3A_835 = arith.constant 64 : i32
    %scan3A_836 = arith.addi %scan3A_834, %scan3A_835 : i32
    %scan3A_837 = arith.constant 1 : i32
    scf.for %scan3A_1197 = %scan3A_834 to %scan3A_836 step %scan3A_837  : i32 {
      %mul3A_1198 = arith.constant 16 : i32
      %mul3A_1199 = arith.muli %scan3A_1197, %mul3A_1198 : i32
      %get3A_1200 = arith.index_cast %mul3A_1199 : i32 to index
      %get3A_1201 = tpu.vector_load %arg9[%get3A_1200] {strides = array<i32>} : memref<1024xi32, #tpu.memory_space<vmem>>, vector<16xi32>,
      %add3A_1202 = arith.constant 16000384 : i32
      %add3A_1203 = vector.broadcast %add3A_1202 : i32 to vector<16xi32>
      %add3A_1204 = arith.addi %get3A_1201, %add3A_1203 : vector<16xi32>
      %mul3A_1205 = arith.constant 16 : i32
      %mul3A_1206 = arith.muli %scan3A_1197, %mul3A_1205 : i32
      %swap3A = arith.constant 11 : i32
      %swap3A_1207 = arith.index_cast %swap3A : i32 to index
      %swap3A_1208 = arith.index_cast %mul3A_1206 : i32 to index
      %swap3A_1209 = tpu.vector_load %arg10[%swap3A_1207, %swap3A_1208] {strides = array<i32>} : memref<16x1024xi32, #tpu.memory_space<vmem>>, vector<16xi32>,
      tpu.vector_store %arg10[%swap3A_1207, %swap3A_1208], %add3A_1204 {strides = array<i32>} : memref<16x1024xi32, #tpu.memory_space<vmem>>, vector<16xi32>,
    }
    %scan3A_838 = arith.constant 64 : i32
    %dma_start3A_839 = arith.constant 11 : i32
    %dma_start3A_840 = arith.constant 11264 : i32
    %dma_start3A_841 = tpu.memref_slice %arg11[%dma_start3A_840] : memref<16384xf32, #tpu.memory_space<vmem>> -> memref<128xf32, #tpu.memory_space<vmem>>
    %dma_start3A_842 = arith.constant 0 : i32
    %dma_start3A_843 = tpu.memref_slice %arg10[%dma_start3A_839, %dma_start3A_842] : memref<16x1024xi32, #tpu.memory_space<vmem>> -> memref<1x128xi32, #tpu.memory_space<vmem>>
    %dma_start3A_844 = tpu.memref_squeeze %dma_start3A_843 : memref<1x128xi32, #tpu.memory_space<vmem>> -> memref<128xi32, #tpu.memory_space<vmem>>
    %dma_start3A_845 = arith.constant 0 : i32
    %dma_start3A_846 = tpu.memref_slice %arg3[%dma_start3A_845] : memref<32000000xf32, #tpu.memory_space<hbm>> -> memref<32000000xf32, #tpu.memory_space<hbm>>
    tpu.enqueue_indirect_dma source(%dma_start3A_846 : memref<32000000xf32, #tpu.memory_space<hbm>>) target(%dma_start3A_841 : memref<128xf32, #tpu.memory_space<vmem>>) offsets(%dma_start3A_844 : memref<128xi32, #tpu.memory_space<vmem>>) semaphore(%arg15 : memref<!tpu.dma_semaphore, #tpu.memory_space<semaphore_mem>>)
    %dma_start3A_847 = arith.constant 11 : i32
    %dma_start3A_848 = arith.constant 11392 : i32
    %dma_start3A_849 = tpu.memref_slice %arg11[%dma_start3A_848] : memref<16384xf32, #tpu.memory_space<vmem>> -> memref<128xf32, #tpu.memory_space<vmem>>
    %dma_start3A_850 = arith.constant 128 : i32
    %dma_start3A_851 = tpu.memref_slice %arg10[%dma_start3A_847, %dma_start3A_850] : memref<16x1024xi32, #tpu.memory_space<vmem>> -> memref<1x128xi32, #tpu.memory_space<vmem>>
    %dma_start3A_852 = tpu.memref_squeeze %dma_start3A_851 : memref<1x128xi32, #tpu.memory_space<vmem>> -> memref<128xi32, #tpu.memory_space<vmem>>
    %dma_start3A_853 = arith.constant 0 : i32
    %dma_start3A_854 = tpu.memref_slice %arg3[%dma_start3A_853] : memref<32000000xf32, #tpu.memory_space<hbm>> -> memref<32000000xf32, #tpu.memory_space<hbm>>
    tpu.enqueue_indirect_dma source(%dma_start3A_854 : memref<32000000xf32, #tpu.memory_space<hbm>>) target(%dma_start3A_849 : memref<128xf32, #tpu.memory_space<vmem>>) offsets(%dma_start3A_852 : memref<128xi32, #tpu.memory_space<vmem>>) semaphore(%arg15 : memref<!tpu.dma_semaphore, #tpu.memory_space<semaphore_mem>>)
    %dma_start3A_855 = arith.constant 11 : i32
    %dma_start3A_856 = arith.constant 11520 : i32
    %dma_start3A_857 = tpu.memref_slice %arg11[%dma_start3A_856] : memref<16384xf32, #tpu.memory_space<vmem>> -> memref<128xf32, #tpu.memory_space<vmem>>
    %dma_start3A_858 = arith.constant 256 : i32
    %dma_start3A_859 = tpu.memref_slice %arg10[%dma_start3A_855, %dma_start3A_858] : memref<16x1024xi32, #tpu.memory_space<vmem>> -> memref<1x128xi32, #tpu.memory_space<vmem>>
    %dma_start3A_860 = tpu.memref_squeeze %dma_start3A_859 : memref<1x128xi32, #tpu.memory_space<vmem>> -> memref<128xi32, #tpu.memory_space<vmem>>
    %dma_start3A_861 = arith.constant 0 : i32
    %dma_start3A_862 = tpu.memref_slice %arg3[%dma_start3A_861] : memref<32000000xf32, #tpu.memory_space<hbm>> -> memref<32000000xf32, #tpu.memory_space<hbm>>
    tpu.enqueue_indirect_dma source(%dma_start3A_862 : memref<32000000xf32, #tpu.memory_space<hbm>>) target(%dma_start3A_857 : memref<128xf32, #tpu.memory_space<vmem>>) offsets(%dma_start3A_860 : memref<128xi32, #tpu.memory_space<vmem>>) semaphore(%arg15 : memref<!tpu.dma_semaphore, #tpu.memory_space<semaphore_mem>>)
    %dma_start3A_863 = arith.constant 11 : i32
    %dma_start3A_864 = arith.constant 11648 : i32
    %dma_start3A_865 = tpu.memref_slice %arg11[%dma_start3A_864] : memref<16384xf32, #tpu.memory_space<vmem>> -> memref<128xf32, #tpu.memory_space<vmem>>
    %dma_start3A_866 = arith.constant 384 : i32
    %dma_start3A_867 = tpu.memref_slice %arg10[%dma_start3A_863, %dma_start3A_866] : memref<16x1024xi32, #tpu.memory_space<vmem>> -> memref<1x128xi32, #tpu.memory_space<vmem>>
    %dma_start3A_868 = tpu.memref_squeeze %dma_start3A_867 : memref<1x128xi32, #tpu.memory_space<vmem>> -> memref<128xi32, #tpu.memory_space<vmem>>
    %dma_start3A_869 = arith.constant 0 : i32
    %dma_start3A_870 = tpu.memref_slice %arg3[%dma_start3A_869] : memref<32000000xf32, #tpu.memory_space<hbm>> -> memref<32000000xf32, #tpu.memory_space<hbm>>
    tpu.enqueue_indirect_dma source(%dma_start3A_870 : memref<32000000xf32, #tpu.memory_space<hbm>>) target(%dma_start3A_865 : memref<128xf32, #tpu.memory_space<vmem>>) offsets(%dma_start3A_868 : memref<128xi32, #tpu.memory_space<vmem>>) semaphore(%arg15 : memref<!tpu.dma_semaphore, #tpu.memory_space<semaphore_mem>>)
    %dma_start3A_871 = arith.constant 11 : i32
    %dma_start3A_872 = arith.constant 11776 : i32
    %dma_start3A_873 = tpu.memref_slice %arg11[%dma_start3A_872] : memref<16384xf32, #tpu.memory_space<vmem>> -> memref<128xf32, #tpu.memory_space<vmem>>
    %dma_start3A_874 = arith.constant 512 : i32
    %dma_start3A_875 = tpu.memref_slice %arg10[%dma_start3A_871, %dma_start3A_874] : memref<16x1024xi32, #tpu.memory_space<vmem>> -> memref<1x128xi32, #tpu.memory_space<vmem>>
    %dma_start3A_876 = tpu.memref_squeeze %dma_start3A_875 : memref<1x128xi32, #tpu.memory_space<vmem>> -> memref<128xi32, #tpu.memory_space<vmem>>
    %dma_start3A_877 = arith.constant 0 : i32
    %dma_start3A_878 = tpu.memref_slice %arg3[%dma_start3A_877] : memref<32000000xf32, #tpu.memory_space<hbm>> -> memref<32000000xf32, #tpu.memory_space<hbm>>
    tpu.enqueue_indirect_dma source(%dma_start3A_878 : memref<32000000xf32, #tpu.memory_space<hbm>>) target(%dma_start3A_873 : memref<128xf32, #tpu.memory_space<vmem>>) offsets(%dma_start3A_876 : memref<128xi32, #tpu.memory_space<vmem>>) semaphore(%arg15 : memref<!tpu.dma_semaphore, #tpu.memory_space<semaphore_mem>>)
    %dma_start3A_879 = arith.constant 11 : i32
    %dma_start3A_880 = arith.constant 11904 : i32
    %dma_start3A_881 = tpu.memref_slice %arg11[%dma_start3A_880] : memref<16384xf32, #tpu.memory_space<vmem>> -> memref<128xf32, #tpu.memory_space<vmem>>
    %dma_start3A_882 = arith.constant 640 : i32
    %dma_start3A_883 = tpu.memref_slice %arg10[%dma_start3A_879, %dma_start3A_882] : memref<16x1024xi32, #tpu.memory_space<vmem>> -> memref<1x128xi32, #tpu.memory_space<vmem>>
    %dma_start3A_884 = tpu.memref_squeeze %dma_start3A_883 : memref<1x128xi32, #tpu.memory_space<vmem>> -> memref<128xi32, #tpu.memory_space<vmem>>
    %dma_start3A_885 = arith.constant 0 : i32
    %dma_start3A_886 = tpu.memref_slice %arg3[%dma_start3A_885] : memref<32000000xf32, #tpu.memory_space<hbm>> -> memref<32000000xf32, #tpu.memory_space<hbm>>
    tpu.enqueue_indirect_dma source(%dma_start3A_886 : memref<32000000xf32, #tpu.memory_space<hbm>>) target(%dma_start3A_881 : memref<128xf32, #tpu.memory_space<vmem>>) offsets(%dma_start3A_884 : memref<128xi32, #tpu.memory_space<vmem>>) semaphore(%arg15 : memref<!tpu.dma_semaphore, #tpu.memory_space<semaphore_mem>>)
    %dma_start3A_887 = arith.constant 11 : i32
    %dma_start3A_888 = arith.constant 12032 : i32
    %dma_start3A_889 = tpu.memref_slice %arg11[%dma_start3A_888] : memref<16384xf32, #tpu.memory_space<vmem>> -> memref<128xf32, #tpu.memory_space<vmem>>
    %dma_start3A_890 = arith.constant 768 : i32
    %dma_start3A_891 = tpu.memref_slice %arg10[%dma_start3A_887, %dma_start3A_890] : memref<16x1024xi32, #tpu.memory_space<vmem>> -> memref<1x128xi32, #tpu.memory_space<vmem>>
    %dma_start3A_892 = tpu.memref_squeeze %dma_start3A_891 : memref<1x128xi32, #tpu.memory_space<vmem>> -> memref<128xi32, #tpu.memory_space<vmem>>
    %dma_start3A_893 = arith.constant 0 : i32
    %dma_start3A_894 = tpu.memref_slice %arg3[%dma_start3A_893] : memref<32000000xf32, #tpu.memory_space<hbm>> -> memref<32000000xf32, #tpu.memory_space<hbm>>
    tpu.enqueue_indirect_dma source(%dma_start3A_894 : memref<32000000xf32, #tpu.memory_space<hbm>>) target(%dma_start3A_889 : memref<128xf32, #tpu.memory_space<vmem>>) offsets(%dma_start3A_892 : memref<128xi32, #tpu.memory_space<vmem>>) semaphore(%arg15 : memref<!tpu.dma_semaphore, #tpu.memory_space<semaphore_mem>>)
    %dma_start3A_895 = arith.constant 11 : i32
    %dma_start3A_896 = arith.constant 12160 : i32
    %dma_start3A_897 = tpu.memref_slice %arg11[%dma_start3A_896] : memref<16384xf32, #tpu.memory_space<vmem>> -> memref<128xf32, #tpu.memory_space<vmem>>
    %dma_start3A_898 = arith.constant 896 : i32
    %dma_start3A_899 = tpu.memref_slice %arg10[%dma_start3A_895, %dma_start3A_898] : memref<16x1024xi32, #tpu.memory_space<vmem>> -> memref<1x128xi32, #tpu.memory_space<vmem>>
    %dma_start3A_900 = tpu.memref_squeeze %dma_start3A_899 : memref<1x128xi32, #tpu.memory_space<vmem>> -> memref<128xi32, #tpu.memory_space<vmem>>
    %dma_start3A_901 = arith.constant 0 : i32
    %dma_start3A_902 = tpu.memref_slice %arg3[%dma_start3A_901] : memref<32000000xf32, #tpu.memory_space<hbm>> -> memref<32000000xf32, #tpu.memory_space<hbm>>
    tpu.enqueue_indirect_dma source(%dma_start3A_902 : memref<32000000xf32, #tpu.memory_space<hbm>>) target(%dma_start3A_897 : memref<128xf32, #tpu.memory_space<vmem>>) offsets(%dma_start3A_900 : memref<128xi32, #tpu.memory_space<vmem>>) semaphore(%arg15 : memref<!tpu.dma_semaphore, #tpu.memory_space<semaphore_mem>>)
    %scan3A_903 = arith.constant 0 : i32
    %scan3A_904 = arith.constant 0 : i32
    %scan3A_905 = arith.constant 64 : i32
    %scan3A_906 = arith.addi %scan3A_904, %scan3A_905 : i32
    %scan3A_907 = arith.constant 1 : i32
    scf.for %scan3A_1197 = %scan3A_904 to %scan3A_906 step %scan3A_907  : i32 {
      %mul3A_1198 = arith.constant 16 : i32
      %mul3A_1199 = arith.muli %scan3A_1197, %mul3A_1198 : i32
      %get3A_1200 = arith.index_cast %mul3A_1199 : i32 to index
      %get3A_1201 = tpu.vector_load %arg9[%get3A_1200] {strides = array<i32>} : memref<1024xi32, #tpu.memory_space<vmem>>, vector<16xi32>,
      %add3A_1202 = arith.constant 16000512 : i32
      %add3A_1203 = vector.broadcast %add3A_1202 : i32 to vector<16xi32>
      %add3A_1204 = arith.addi %get3A_1201, %add3A_1203 : vector<16xi32>
      %mul3A_1205 = arith.constant 16 : i32
      %mul3A_1206 = arith.muli %scan3A_1197, %mul3A_1205 : i32
      %swap3A = arith.constant 12 : i32
      %swap3A_1207 = arith.index_cast %swap3A : i32 to index
      %swap3A_1208 = arith.index_cast %mul3A_1206 : i32 to index
      %swap3A_1209 = tpu.vector_load %arg10[%swap3A_1207, %swap3A_1208] {strides = array<i32>} : memref<16x1024xi32, #tpu.memory_space<vmem>>, vector<16xi32>,
      tpu.vector_store %arg10[%swap3A_1207, %swap3A_1208], %add3A_1204 {strides = array<i32>} : memref<16x1024xi32, #tpu.memory_space<vmem>>, vector<16xi32>,
    }
    %scan3A_908 = arith.constant 64 : i32
    %dma_start3A_909 = arith.constant 12 : i32
    %dma_start3A_910 = arith.constant 12288 : i32
    %dma_start3A_911 = tpu.memref_slice %arg11[%dma_start3A_910] : memref<16384xf32, #tpu.memory_space<vmem>> -> memref<128xf32, #tpu.memory_space<vmem>>
    %dma_start3A_912 = arith.constant 0 : i32
    %dma_start3A_913 = tpu.memref_slice %arg10[%dma_start3A_909, %dma_start3A_912] : memref<16x1024xi32, #tpu.memory_space<vmem>> -> memref<1x128xi32, #tpu.memory_space<vmem>>
    %dma_start3A_914 = tpu.memref_squeeze %dma_start3A_913 : memref<1x128xi32, #tpu.memory_space<vmem>> -> memref<128xi32, #tpu.memory_space<vmem>>
    %dma_start3A_915 = arith.constant 0 : i32
    %dma_start3A_916 = tpu.memref_slice %arg3[%dma_start3A_915] : memref<32000000xf32, #tpu.memory_space<hbm>> -> memref<32000000xf32, #tpu.memory_space<hbm>>
    tpu.enqueue_indirect_dma source(%dma_start3A_916 : memref<32000000xf32, #tpu.memory_space<hbm>>) target(%dma_start3A_911 : memref<128xf32, #tpu.memory_space<vmem>>) offsets(%dma_start3A_914 : memref<128xi32, #tpu.memory_space<vmem>>) semaphore(%arg15 : memref<!tpu.dma_semaphore, #tpu.memory_space<semaphore_mem>>)
    %dma_start3A_917 = arith.constant 12 : i32
    %dma_start3A_918 = arith.constant 12416 : i32
    %dma_start3A_919 = tpu.memref_slice %arg11[%dma_start3A_918] : memref<16384xf32, #tpu.memory_space<vmem>> -> memref<128xf32, #tpu.memory_space<vmem>>
    %dma_start3A_920 = arith.constant 128 : i32
    %dma_start3A_921 = tpu.memref_slice %arg10[%dma_start3A_917, %dma_start3A_920] : memref<16x1024xi32, #tpu.memory_space<vmem>> -> memref<1x128xi32, #tpu.memory_space<vmem>>
    %dma_start3A_922 = tpu.memref_squeeze %dma_start3A_921 : memref<1x128xi32, #tpu.memory_space<vmem>> -> memref<128xi32, #tpu.memory_space<vmem>>
    %dma_start3A_923 = arith.constant 0 : i32
    %dma_start3A_924 = tpu.memref_slice %arg3[%dma_start3A_923] : memref<32000000xf32, #tpu.memory_space<hbm>> -> memref<32000000xf32, #tpu.memory_space<hbm>>
    tpu.enqueue_indirect_dma source(%dma_start3A_924 : memref<32000000xf32, #tpu.memory_space<hbm>>) target(%dma_start3A_919 : memref<128xf32, #tpu.memory_space<vmem>>) offsets(%dma_start3A_922 : memref<128xi32, #tpu.memory_space<vmem>>) semaphore(%arg15 : memref<!tpu.dma_semaphore, #tpu.memory_space<semaphore_mem>>)
    %dma_start3A_925 = arith.constant 12 : i32
    %dma_start3A_926 = arith.constant 12544 : i32
    %dma_start3A_927 = tpu.memref_slice %arg11[%dma_start3A_926] : memref<16384xf32, #tpu.memory_space<vmem>> -> memref<128xf32, #tpu.memory_space<vmem>>
    %dma_start3A_928 = arith.constant 256 : i32
    %dma_start3A_929 = tpu.memref_slice %arg10[%dma_start3A_925, %dma_start3A_928] : memref<16x1024xi32, #tpu.memory_space<vmem>> -> memref<1x128xi32, #tpu.memory_space<vmem>>
    %dma_start3A_930 = tpu.memref_squeeze %dma_start3A_929 : memref<1x128xi32, #tpu.memory_space<vmem>> -> memref<128xi32, #tpu.memory_space<vmem>>
    %dma_start3A_931 = arith.constant 0 : i32
    %dma_start3A_932 = tpu.memref_slice %arg3[%dma_start3A_931] : memref<32000000xf32, #tpu.memory_space<hbm>> -> memref<32000000xf32, #tpu.memory_space<hbm>>
    tpu.enqueue_indirect_dma source(%dma_start3A_932 : memref<32000000xf32, #tpu.memory_space<hbm>>) target(%dma_start3A_927 : memref<128xf32, #tpu.memory_space<vmem>>) offsets(%dma_start3A_930 : memref<128xi32, #tpu.memory_space<vmem>>) semaphore(%arg15 : memref<!tpu.dma_semaphore, #tpu.memory_space<semaphore_mem>>)
    %dma_start3A_933 = arith.constant 12 : i32
    %dma_start3A_934 = arith.constant 12672 : i32
    %dma_start3A_935 = tpu.memref_slice %arg11[%dma_start3A_934] : memref<16384xf32, #tpu.memory_space<vmem>> -> memref<128xf32, #tpu.memory_space<vmem>>
    %dma_start3A_936 = arith.constant 384 : i32
    %dma_start3A_937 = tpu.memref_slice %arg10[%dma_start3A_933, %dma_start3A_936] : memref<16x1024xi32, #tpu.memory_space<vmem>> -> memref<1x128xi32, #tpu.memory_space<vmem>>
    %dma_start3A_938 = tpu.memref_squeeze %dma_start3A_937 : memref<1x128xi32, #tpu.memory_space<vmem>> -> memref<128xi32, #tpu.memory_space<vmem>>
    %dma_start3A_939 = arith.constant 0 : i32
    %dma_start3A_940 = tpu.memref_slice %arg3[%dma_start3A_939] : memref<32000000xf32, #tpu.memory_space<hbm>> -> memref<32000000xf32, #tpu.memory_space<hbm>>
    tpu.enqueue_indirect_dma source(%dma_start3A_940 : memref<32000000xf32, #tpu.memory_space<hbm>>) target(%dma_start3A_935 : memref<128xf32, #tpu.memory_space<vmem>>) offsets(%dma_start3A_938 : memref<128xi32, #tpu.memory_space<vmem>>) semaphore(%arg15 : memref<!tpu.dma_semaphore, #tpu.memory_space<semaphore_mem>>)
    %dma_start3A_941 = arith.constant 12 : i32
    %dma_start3A_942 = arith.constant 12800 : i32
    %dma_start3A_943 = tpu.memref_slice %arg11[%dma_start3A_942] : memref<16384xf32, #tpu.memory_space<vmem>> -> memref<128xf32, #tpu.memory_space<vmem>>
    %dma_start3A_944 = arith.constant 512 : i32
    %dma_start3A_945 = tpu.memref_slice %arg10[%dma_start3A_941, %dma_start3A_944] : memref<16x1024xi32, #tpu.memory_space<vmem>> -> memref<1x128xi32, #tpu.memory_space<vmem>>
    %dma_start3A_946 = tpu.memref_squeeze %dma_start3A_945 : memref<1x128xi32, #tpu.memory_space<vmem>> -> memref<128xi32, #tpu.memory_space<vmem>>
    %dma_start3A_947 = arith.constant 0 : i32
    %dma_start3A_948 = tpu.memref_slice %arg3[%dma_start3A_947] : memref<32000000xf32, #tpu.memory_space<hbm>> -> memref<32000000xf32, #tpu.memory_space<hbm>>
    tpu.enqueue_indirect_dma source(%dma_start3A_948 : memref<32000000xf32, #tpu.memory_space<hbm>>) target(%dma_start3A_943 : memref<128xf32, #tpu.memory_space<vmem>>) offsets(%dma_start3A_946 : memref<128xi32, #tpu.memory_space<vmem>>) semaphore(%arg15 : memref<!tpu.dma_semaphore, #tpu.memory_space<semaphore_mem>>)
    %dma_start3A_949 = arith.constant 12 : i32
    %dma_start3A_950 = arith.constant 12928 : i32
    %dma_start3A_951 = tpu.memref_slice %arg11[%dma_start3A_950] : memref<16384xf32, #tpu.memory_space<vmem>> -> memref<128xf32, #tpu.memory_space<vmem>>
    %dma_start3A_952 = arith.constant 640 : i32
    %dma_start3A_953 = tpu.memref_slice %arg10[%dma_start3A_949, %dma_start3A_952] : memref<16x1024xi32, #tpu.memory_space<vmem>> -> memref<1x128xi32, #tpu.memory_space<vmem>>
    %dma_start3A_954 = tpu.memref_squeeze %dma_start3A_953 : memref<1x128xi32, #tpu.memory_space<vmem>> -> memref<128xi32, #tpu.memory_space<vmem>>
    %dma_start3A_955 = arith.constant 0 : i32
    %dma_start3A_956 = tpu.memref_slice %arg3[%dma_start3A_955] : memref<32000000xf32, #tpu.memory_space<hbm>> -> memref<32000000xf32, #tpu.memory_space<hbm>>
    tpu.enqueue_indirect_dma source(%dma_start3A_956 : memref<32000000xf32, #tpu.memory_space<hbm>>) target(%dma_start3A_951 : memref<128xf32, #tpu.memory_space<vmem>>) offsets(%dma_start3A_954 : memref<128xi32, #tpu.memory_space<vmem>>) semaphore(%arg15 : memref<!tpu.dma_semaphore, #tpu.memory_space<semaphore_mem>>)
    %dma_start3A_957 = arith.constant 12 : i32
    %dma_start3A_958 = arith.constant 13056 : i32
    %dma_start3A_959 = tpu.memref_slice %arg11[%dma_start3A_958] : memref<16384xf32, #tpu.memory_space<vmem>> -> memref<128xf32, #tpu.memory_space<vmem>>
    %dma_start3A_960 = arith.constant 768 : i32
    %dma_start3A_961 = tpu.memref_slice %arg10[%dma_start3A_957, %dma_start3A_960] : memref<16x1024xi32, #tpu.memory_space<vmem>> -> memref<1x128xi32, #tpu.memory_space<vmem>>
    %dma_start3A_962 = tpu.memref_squeeze %dma_start3A_961 : memref<1x128xi32, #tpu.memory_space<vmem>> -> memref<128xi32, #tpu.memory_space<vmem>>
    %dma_start3A_963 = arith.constant 0 : i32
    %dma_start3A_964 = tpu.memref_slice %arg3[%dma_start3A_963] : memref<32000000xf32, #tpu.memory_space<hbm>> -> memref<32000000xf32, #tpu.memory_space<hbm>>
    tpu.enqueue_indirect_dma source(%dma_start3A_964 : memref<32000000xf32, #tpu.memory_space<hbm>>) target(%dma_start3A_959 : memref<128xf32, #tpu.memory_space<vmem>>) offsets(%dma_start3A_962 : memref<128xi32, #tpu.memory_space<vmem>>) semaphore(%arg15 : memref<!tpu.dma_semaphore, #tpu.memory_space<semaphore_mem>>)
    %dma_start3A_965 = arith.constant 12 : i32
    %dma_start3A_966 = arith.constant 13184 : i32
    %dma_start3A_967 = tpu.memref_slice %arg11[%dma_start3A_966] : memref<16384xf32, #tpu.memory_space<vmem>> -> memref<128xf32, #tpu.memory_space<vmem>>
    %dma_start3A_968 = arith.constant 896 : i32
    %dma_start3A_969 = tpu.memref_slice %arg10[%dma_start3A_965, %dma_start3A_968] : memref<16x1024xi32, #tpu.memory_space<vmem>> -> memref<1x128xi32, #tpu.memory_space<vmem>>
    %dma_start3A_970 = tpu.memref_squeeze %dma_start3A_969 : memref<1x128xi32, #tpu.memory_space<vmem>> -> memref<128xi32, #tpu.memory_space<vmem>>
    %dma_start3A_971 = arith.constant 0 : i32
    %dma_start3A_972 = tpu.memref_slice %arg3[%dma_start3A_971] : memref<32000000xf32, #tpu.memory_space<hbm>> -> memref<32000000xf32, #tpu.memory_space<hbm>>
    tpu.enqueue_indirect_dma source(%dma_start3A_972 : memref<32000000xf32, #tpu.memory_space<hbm>>) target(%dma_start3A_967 : memref<128xf32, #tpu.memory_space<vmem>>) offsets(%dma_start3A_970 : memref<128xi32, #tpu.memory_space<vmem>>) semaphore(%arg15 : memref<!tpu.dma_semaphore, #tpu.memory_space<semaphore_mem>>)
    %scan3A_973 = arith.constant 0 : i32
    %scan3A_974 = arith.constant 0 : i32
    %scan3A_975 = arith.constant 64 : i32
    %scan3A_976 = arith.addi %scan3A_974, %scan3A_975 : i32
    %scan3A_977 = arith.constant 1 : i32
    scf.for %scan3A_1197 = %scan3A_974 to %scan3A_976 step %scan3A_977  : i32 {
      %mul3A_1198 = arith.constant 16 : i32
      %mul3A_1199 = arith.muli %scan3A_1197, %mul3A_1198 : i32
      %get3A_1200 = arith.index_cast %mul3A_1199 : i32 to index
      %get3A_1201 = tpu.vector_load %arg9[%get3A_1200] {strides = array<i32>} : memref<1024xi32, #tpu.memory_space<vmem>>, vector<16xi32>,
      %add3A_1202 = arith.constant 16000640 : i32
      %add3A_1203 = vector.broadcast %add3A_1202 : i32 to vector<16xi32>
      %add3A_1204 = arith.addi %get3A_1201, %add3A_1203 : vector<16xi32>
      %mul3A_1205 = arith.constant 16 : i32
      %mul3A_1206 = arith.muli %scan3A_1197, %mul3A_1205 : i32
      %swap3A = arith.constant 13 : i32
      %swap3A_1207 = arith.index_cast %swap3A : i32 to index
      %swap3A_1208 = arith.index_cast %mul3A_1206 : i32 to index
      %swap3A_1209 = tpu.vector_load %arg10[%swap3A_1207, %swap3A_1208] {strides = array<i32>} : memref<16x1024xi32, #tpu.memory_space<vmem>>, vector<16xi32>,
      tpu.vector_store %arg10[%swap3A_1207, %swap3A_1208], %add3A_1204 {strides = array<i32>} : memref<16x1024xi32, #tpu.memory_space<vmem>>, vector<16xi32>,
    }
    %scan3A_978 = arith.constant 64 : i32
    %dma_start3A_979 = arith.constant 13 : i32
    %dma_start3A_980 = arith.constant 13312 : i32
    %dma_start3A_981 = tpu.memref_slice %arg11[%dma_start3A_980] : memref<16384xf32, #tpu.memory_space<vmem>> -> memref<128xf32, #tpu.memory_space<vmem>>
    %dma_start3A_982 = arith.constant 0 : i32
    %dma_start3A_983 = tpu.memref_slice %arg10[%dma_start3A_979, %dma_start3A_982] : memref<16x1024xi32, #tpu.memory_space<vmem>> -> memref<1x128xi32, #tpu.memory_space<vmem>>
    %dma_start3A_984 = tpu.memref_squeeze %dma_start3A_983 : memref<1x128xi32, #tpu.memory_space<vmem>> -> memref<128xi32, #tpu.memory_space<vmem>>
    %dma_start3A_985 = arith.constant 0 : i32
    %dma_start3A_986 = tpu.memref_slice %arg3[%dma_start3A_985] : memref<32000000xf32, #tpu.memory_space<hbm>> -> memref<32000000xf32, #tpu.memory_space<hbm>>
    tpu.enqueue_indirect_dma source(%dma_start3A_986 : memref<32000000xf32, #tpu.memory_space<hbm>>) target(%dma_start3A_981 : memref<128xf32, #tpu.memory_space<vmem>>) offsets(%dma_start3A_984 : memref<128xi32, #tpu.memory_space<vmem>>) semaphore(%arg15 : memref<!tpu.dma_semaphore, #tpu.memory_space<semaphore_mem>>)
    %dma_start3A_987 = arith.constant 13 : i32
    %dma_start3A_988 = arith.constant 13440 : i32
    %dma_start3A_989 = tpu.memref_slice %arg11[%dma_start3A_988] : memref<16384xf32, #tpu.memory_space<vmem>> -> memref<128xf32, #tpu.memory_space<vmem>>
    %dma_start3A_990 = arith.constant 128 : i32
    %dma_start3A_991 = tpu.memref_slice %arg10[%dma_start3A_987, %dma_start3A_990] : memref<16x1024xi32, #tpu.memory_space<vmem>> -> memref<1x128xi32, #tpu.memory_space<vmem>>
    %dma_start3A_992 = tpu.memref_squeeze %dma_start3A_991 : memref<1x128xi32, #tpu.memory_space<vmem>> -> memref<128xi32, #tpu.memory_space<vmem>>
    %dma_start3A_993 = arith.constant 0 : i32
    %dma_start3A_994 = tpu.memref_slice %arg3[%dma_start3A_993] : memref<32000000xf32, #tpu.memory_space<hbm>> -> memref<32000000xf32, #tpu.memory_space<hbm>>
    tpu.enqueue_indirect_dma source(%dma_start3A_994 : memref<32000000xf32, #tpu.memory_space<hbm>>) target(%dma_start3A_989 : memref<128xf32, #tpu.memory_space<vmem>>) offsets(%dma_start3A_992 : memref<128xi32, #tpu.memory_space<vmem>>) semaphore(%arg15 : memref<!tpu.dma_semaphore, #tpu.memory_space<semaphore_mem>>)
    %dma_start3A_995 = arith.constant 13 : i32
    %dma_start3A_996 = arith.constant 13568 : i32
    %dma_start3A_997 = tpu.memref_slice %arg11[%dma_start3A_996] : memref<16384xf32, #tpu.memory_space<vmem>> -> memref<128xf32, #tpu.memory_space<vmem>>
    %dma_start3A_998 = arith.constant 256 : i32
    %dma_start3A_999 = tpu.memref_slice %arg10[%dma_start3A_995, %dma_start3A_998] : memref<16x1024xi32, #tpu.memory_space<vmem>> -> memref<1x128xi32, #tpu.memory_space<vmem>>
    %dma_start3A_1000 = tpu.memref_squeeze %dma_start3A_999 : memref<1x128xi32, #tpu.memory_space<vmem>> -> memref<128xi32, #tpu.memory_space<vmem>>
    %dma_start3A_1001 = arith.constant 0 : i32
    %dma_start3A_1002 = tpu.memref_slice %arg3[%dma_start3A_1001] : memref<32000000xf32, #tpu.memory_space<hbm>> -> memref<32000000xf32, #tpu.memory_space<hbm>>
    tpu.enqueue_indirect_dma source(%dma_start3A_1002 : memref<32000000xf32, #tpu.memory_space<hbm>>) target(%dma_start3A_997 : memref<128xf32, #tpu.memory_space<vmem>>) offsets(%dma_start3A_1000 : memref<128xi32, #tpu.memory_space<vmem>>) semaphore(%arg15 : memref<!tpu.dma_semaphore, #tpu.memory_space<semaphore_mem>>)
    %dma_start3A_1003 = arith.constant 13 : i32
    %dma_start3A_1004 = arith.constant 13696 : i32
    %dma_start3A_1005 = tpu.memref_slice %arg11[%dma_start3A_1004] : memref<16384xf32, #tpu.memory_space<vmem>> -> memref<128xf32, #tpu.memory_space<vmem>>
    %dma_start3A_1006 = arith.constant 384 : i32
    %dma_start3A_1007 = tpu.memref_slice %arg10[%dma_start3A_1003, %dma_start3A_1006] : memref<16x1024xi32, #tpu.memory_space<vmem>> -> memref<1x128xi32, #tpu.memory_space<vmem>>
    %dma_start3A_1008 = tpu.memref_squeeze %dma_start3A_1007 : memref<1x128xi32, #tpu.memory_space<vmem>> -> memref<128xi32, #tpu.memory_space<vmem>>
    %dma_start3A_1009 = arith.constant 0 : i32
    %dma_start3A_1010 = tpu.memref_slice %arg3[%dma_start3A_1009] : memref<32000000xf32, #tpu.memory_space<hbm>> -> memref<32000000xf32, #tpu.memory_space<hbm>>
    tpu.enqueue_indirect_dma source(%dma_start3A_1010 : memref<32000000xf32, #tpu.memory_space<hbm>>) target(%dma_start3A_1005 : memref<128xf32, #tpu.memory_space<vmem>>) offsets(%dma_start3A_1008 : memref<128xi32, #tpu.memory_space<vmem>>) semaphore(%arg15 : memref<!tpu.dma_semaphore, #tpu.memory_space<semaphore_mem>>)
    %dma_start3A_1011 = arith.constant 13 : i32
    %dma_start3A_1012 = arith.constant 13824 : i32
    %dma_start3A_1013 = tpu.memref_slice %arg11[%dma_start3A_1012] : memref<16384xf32, #tpu.memory_space<vmem>> -> memref<128xf32, #tpu.memory_space<vmem>>
    %dma_start3A_1014 = arith.constant 512 : i32
    %dma_start3A_1015 = tpu.memref_slice %arg10[%dma_start3A_1011, %dma_start3A_1014] : memref<16x1024xi32, #tpu.memory_space<vmem>> -> memref<1x128xi32, #tpu.memory_space<vmem>>
    %dma_start3A_1016 = tpu.memref_squeeze %dma_start3A_1015 : memref<1x128xi32, #tpu.memory_space<vmem>> -> memref<128xi32, #tpu.memory_space<vmem>>
    %dma_start3A_1017 = arith.constant 0 : i32
    %dma_start3A_1018 = tpu.memref_slice %arg3[%dma_start3A_1017] : memref<32000000xf32, #tpu.memory_space<hbm>> -> memref<32000000xf32, #tpu.memory_space<hbm>>
    tpu.enqueue_indirect_dma source(%dma_start3A_1018 : memref<32000000xf32, #tpu.memory_space<hbm>>) target(%dma_start3A_1013 : memref<128xf32, #tpu.memory_space<vmem>>) offsets(%dma_start3A_1016 : memref<128xi32, #tpu.memory_space<vmem>>) semaphore(%arg15 : memref<!tpu.dma_semaphore, #tpu.memory_space<semaphore_mem>>)
    %dma_start3A_1019 = arith.constant 13 : i32
    %dma_start3A_1020 = arith.constant 13952 : i32
    %dma_start3A_1021 = tpu.memref_slice %arg11[%dma_start3A_1020] : memref<16384xf32, #tpu.memory_space<vmem>> -> memref<128xf32, #tpu.memory_space<vmem>>
    %dma_start3A_1022 = arith.constant 640 : i32
    %dma_start3A_1023 = tpu.memref_slice %arg10[%dma_start3A_1019, %dma_start3A_1022] : memref<16x1024xi32, #tpu.memory_space<vmem>> -> memref<1x128xi32, #tpu.memory_space<vmem>>
    %dma_start3A_1024 = tpu.memref_squeeze %dma_start3A_1023 : memref<1x128xi32, #tpu.memory_space<vmem>> -> memref<128xi32, #tpu.memory_space<vmem>>
    %dma_start3A_1025 = arith.constant 0 : i32
    %dma_start3A_1026 = tpu.memref_slice %arg3[%dma_start3A_1025] : memref<32000000xf32, #tpu.memory_space<hbm>> -> memref<32000000xf32, #tpu.memory_space<hbm>>
    tpu.enqueue_indirect_dma source(%dma_start3A_1026 : memref<32000000xf32, #tpu.memory_space<hbm>>) target(%dma_start3A_1021 : memref<128xf32, #tpu.memory_space<vmem>>) offsets(%dma_start3A_1024 : memref<128xi32, #tpu.memory_space<vmem>>) semaphore(%arg15 : memref<!tpu.dma_semaphore, #tpu.memory_space<semaphore_mem>>)
    %dma_start3A_1027 = arith.constant 13 : i32
    %dma_start3A_1028 = arith.constant 14080 : i32
    %dma_start3A_1029 = tpu.memref_slice %arg11[%dma_start3A_1028] : memref<16384xf32, #tpu.memory_space<vmem>> -> memref<128xf32, #tpu.memory_space<vmem>>
    %dma_start3A_1030 = arith.constant 768 : i32
    %dma_start3A_1031 = tpu.memref_slice %arg10[%dma_start3A_1027, %dma_start3A_1030] : memref<16x1024xi32, #tpu.memory_space<vmem>> -> memref<1x128xi32, #tpu.memory_space<vmem>>
    %dma_start3A_1032 = tpu.memref_squeeze %dma_start3A_1031 : memref<1x128xi32, #tpu.memory_space<vmem>> -> memref<128xi32, #tpu.memory_space<vmem>>
    %dma_start3A_1033 = arith.constant 0 : i32
    %dma_start3A_1034 = tpu.memref_slice %arg3[%dma_start3A_1033] : memref<32000000xf32, #tpu.memory_space<hbm>> -> memref<32000000xf32, #tpu.memory_space<hbm>>
    tpu.enqueue_indirect_dma source(%dma_start3A_1034 : memref<32000000xf32, #tpu.memory_space<hbm>>) target(%dma_start3A_1029 : memref<128xf32, #tpu.memory_space<vmem>>) offsets(%dma_start3A_1032 : memref<128xi32, #tpu.memory_space<vmem>>) semaphore(%arg15 : memref<!tpu.dma_semaphore, #tpu.memory_space<semaphore_mem>>)
    %dma_start3A_1035 = arith.constant 13 : i32
    %dma_start3A_1036 = arith.constant 14208 : i32
    %dma_start3A_1037 = tpu.memref_slice %arg11[%dma_start3A_1036] : memref<16384xf32, #tpu.memory_space<vmem>> -> memref<128xf32, #tpu.memory_space<vmem>>
    %dma_start3A_1038 = arith.constant 896 : i32
    %dma_start3A_1039 = tpu.memref_slice %arg10[%dma_start3A_1035, %dma_start3A_1038] : memref<16x1024xi32, #tpu.memory_space<vmem>> -> memref<1x128xi32, #tpu.memory_space<vmem>>
    %dma_start3A_1040 = tpu.memref_squeeze %dma_start3A_1039 : memref<1x128xi32, #tpu.memory_space<vmem>> -> memref<128xi32, #tpu.memory_space<vmem>>
    %dma_start3A_1041 = arith.constant 0 : i32
    %dma_start3A_1042 = tpu.memref_slice %arg3[%dma_start3A_1041] : memref<32000000xf32, #tpu.memory_space<hbm>> -> memref<32000000xf32, #tpu.memory_space<hbm>>
    tpu.enqueue_indirect_dma source(%dma_start3A_1042 : memref<32000000xf32, #tpu.memory_space<hbm>>) target(%dma_start3A_1037 : memref<128xf32, #tpu.memory_space<vmem>>) offsets(%dma_start3A_1040 : memref<128xi32, #tpu.memory_space<vmem>>) semaphore(%arg15 : memref<!tpu.dma_semaphore, #tpu.memory_space<semaphore_mem>>)
    %scan3A_1043 = arith.constant 0 : i32
    %scan3A_1044 = arith.constant 0 : i32
    %scan3A_1045 = arith.constant 64 : i32
    %scan3A_1046 = arith.addi %scan3A_1044, %scan3A_1045 : i32
    %scan3A_1047 = arith.constant 1 : i32
    scf.for %scan3A_1197 = %scan3A_1044 to %scan3A_1046 step %scan3A_1047  : i32 {
      %mul3A_1198 = arith.constant 16 : i32
      %mul3A_1199 = arith.muli %scan3A_1197, %mul3A_1198 : i32
      %get3A_1200 = arith.index_cast %mul3A_1199 : i32 to index
      %get3A_1201 = tpu.vector_load %arg9[%get3A_1200] {strides = array<i32>} : memref<1024xi32, #tpu.memory_space<vmem>>, vector<16xi32>,
      %add3A_1202 = arith.constant 16000768 : i32
      %add3A_1203 = vector.broadcast %add3A_1202 : i32 to vector<16xi32>
      %add3A_1204 = arith.addi %get3A_1201, %add3A_1203 : vector<16xi32>
      %mul3A_1205 = arith.constant 16 : i32
      %mul3A_1206 = arith.muli %scan3A_1197, %mul3A_1205 : i32
      %swap3A = arith.constant 14 : i32
      %swap3A_1207 = arith.index_cast %swap3A : i32 to index
      %swap3A_1208 = arith.index_cast %mul3A_1206 : i32 to index
      %swap3A_1209 = tpu.vector_load %arg10[%swap3A_1207, %swap3A_1208] {strides = array<i32>} : memref<16x1024xi32, #tpu.memory_space<vmem>>, vector<16xi32>,
      tpu.vector_store %arg10[%swap3A_1207, %swap3A_1208], %add3A_1204 {strides = array<i32>} : memref<16x1024xi32, #tpu.memory_space<vmem>>, vector<16xi32>,
    }
    %scan3A_1048 = arith.constant 64 : i32
    %dma_start3A_1049 = arith.constant 14 : i32
    %dma_start3A_1050 = arith.constant 14336 : i32
    %dma_start3A_1051 = tpu.memref_slice %arg11[%dma_start3A_1050] : memref<16384xf32, #tpu.memory_space<vmem>> -> memref<128xf32, #tpu.memory_space<vmem>>
    %dma_start3A_1052 = arith.constant 0 : i32
    %dma_start3A_1053 = tpu.memref_slice %arg10[%dma_start3A_1049, %dma_start3A_1052] : memref<16x1024xi32, #tpu.memory_space<vmem>> -> memref<1x128xi32, #tpu.memory_space<vmem>>
    %dma_start3A_1054 = tpu.memref_squeeze %dma_start3A_1053 : memref<1x128xi32, #tpu.memory_space<vmem>> -> memref<128xi32, #tpu.memory_space<vmem>>
    %dma_start3A_1055 = arith.constant 0 : i32
    %dma_start3A_1056 = tpu.memref_slice %arg3[%dma_start3A_1055] : memref<32000000xf32, #tpu.memory_space<hbm>> -> memref<32000000xf32, #tpu.memory_space<hbm>>
    tpu.enqueue_indirect_dma source(%dma_start3A_1056 : memref<32000000xf32, #tpu.memory_space<hbm>>) target(%dma_start3A_1051 : memref<128xf32, #tpu.memory_space<vmem>>) offsets(%dma_start3A_1054 : memref<128xi32, #tpu.memory_space<vmem>>) semaphore(%arg15 : memref<!tpu.dma_semaphore, #tpu.memory_space<semaphore_mem>>)
    %dma_start3A_1057 = arith.constant 14 : i32
    %dma_start3A_1058 = arith.constant 14464 : i32
    %dma_start3A_1059 = tpu.memref_slice %arg11[%dma_start3A_1058] : memref<16384xf32, #tpu.memory_space<vmem>> -> memref<128xf32, #tpu.memory_space<vmem>>
    %dma_start3A_1060 = arith.constant 128 : i32
    %dma_start3A_1061 = tpu.memref_slice %arg10[%dma_start3A_1057, %dma_start3A_1060] : memref<16x1024xi32, #tpu.memory_space<vmem>> -> memref<1x128xi32, #tpu.memory_space<vmem>>
    %dma_start3A_1062 = tpu.memref_squeeze %dma_start3A_1061 : memref<1x128xi32, #tpu.memory_space<vmem>> -> memref<128xi32, #tpu.memory_space<vmem>>
    %dma_start3A_1063 = arith.constant 0 : i32
    %dma_start3A_1064 = tpu.memref_slice %arg3[%dma_start3A_1063] : memref<32000000xf32, #tpu.memory_space<hbm>> -> memref<32000000xf32, #tpu.memory_space<hbm>>
    tpu.enqueue_indirect_dma source(%dma_start3A_1064 : memref<32000000xf32, #tpu.memory_space<hbm>>) target(%dma_start3A_1059 : memref<128xf32, #tpu.memory_space<vmem>>) offsets(%dma_start3A_1062 : memref<128xi32, #tpu.memory_space<vmem>>) semaphore(%arg15 : memref<!tpu.dma_semaphore, #tpu.memory_space<semaphore_mem>>)
    %dma_start3A_1065 = arith.constant 14 : i32
    %dma_start3A_1066 = arith.constant 14592 : i32
    %dma_start3A_1067 = tpu.memref_slice %arg11[%dma_start3A_1066] : memref<16384xf32, #tpu.memory_space<vmem>> -> memref<128xf32, #tpu.memory_space<vmem>>
    %dma_start3A_1068 = arith.constant 256 : i32
    %dma_start3A_1069 = tpu.memref_slice %arg10[%dma_start3A_1065, %dma_start3A_1068] : memref<16x1024xi32, #tpu.memory_space<vmem>> -> memref<1x128xi32, #tpu.memory_space<vmem>>
    %dma_start3A_1070 = tpu.memref_squeeze %dma_start3A_1069 : memref<1x128xi32, #tpu.memory_space<vmem>> -> memref<128xi32, #tpu.memory_space<vmem>>
    %dma_start3A_1071 = arith.constant 0 : i32
    %dma_start3A_1072 = tpu.memref_slice %arg3[%dma_start3A_1071] : memref<32000000xf32, #tpu.memory_space<hbm>> -> memref<32000000xf32, #tpu.memory_space<hbm>>
    tpu.enqueue_indirect_dma source(%dma_start3A_1072 : memref<32000000xf32, #tpu.memory_space<hbm>>) target(%dma_start3A_1067 : memref<128xf32, #tpu.memory_space<vmem>>) offsets(%dma_start3A_1070 : memref<128xi32, #tpu.memory_space<vmem>>) semaphore(%arg15 : memref<!tpu.dma_semaphore, #tpu.memory_space<semaphore_mem>>)
    %dma_start3A_1073 = arith.constant 14 : i32
    %dma_start3A_1074 = arith.constant 14720 : i32
    %dma_start3A_1075 = tpu.memref_slice %arg11[%dma_start3A_1074] : memref<16384xf32, #tpu.memory_space<vmem>> -> memref<128xf32, #tpu.memory_space<vmem>>
    %dma_start3A_1076 = arith.constant 384 : i32
    %dma_start3A_1077 = tpu.memref_slice %arg10[%dma_start3A_1073, %dma_start3A_1076] : memref<16x1024xi32, #tpu.memory_space<vmem>> -> memref<1x128xi32, #tpu.memory_space<vmem>>
    %dma_start3A_1078 = tpu.memref_squeeze %dma_start3A_1077 : memref<1x128xi32, #tpu.memory_space<vmem>> -> memref<128xi32, #tpu.memory_space<vmem>>
    %dma_start3A_1079 = arith.constant 0 : i32
    %dma_start3A_1080 = tpu.memref_slice %arg3[%dma_start3A_1079] : memref<32000000xf32, #tpu.memory_space<hbm>> -> memref<32000000xf32, #tpu.memory_space<hbm>>
    tpu.enqueue_indirect_dma source(%dma_start3A_1080 : memref<32000000xf32, #tpu.memory_space<hbm>>) target(%dma_start3A_1075 : memref<128xf32, #tpu.memory_space<vmem>>) offsets(%dma_start3A_1078 : memref<128xi32, #tpu.memory_space<vmem>>) semaphore(%arg15 : memref<!tpu.dma_semaphore, #tpu.memory_space<semaphore_mem>>)
    %dma_start3A_1081 = arith.constant 14 : i32
    %dma_start3A_1082 = arith.constant 14848 : i32
    %dma_start3A_1083 = tpu.memref_slice %arg11[%dma_start3A_1082] : memref<16384xf32, #tpu.memory_space<vmem>> -> memref<128xf32, #tpu.memory_space<vmem>>
    %dma_start3A_1084 = arith.constant 512 : i32
    %dma_start3A_1085 = tpu.memref_slice %arg10[%dma_start3A_1081, %dma_start3A_1084] : memref<16x1024xi32, #tpu.memory_space<vmem>> -> memref<1x128xi32, #tpu.memory_space<vmem>>
    %dma_start3A_1086 = tpu.memref_squeeze %dma_start3A_1085 : memref<1x128xi32, #tpu.memory_space<vmem>> -> memref<128xi32, #tpu.memory_space<vmem>>
    %dma_start3A_1087 = arith.constant 0 : i32
    %dma_start3A_1088 = tpu.memref_slice %arg3[%dma_start3A_1087] : memref<32000000xf32, #tpu.memory_space<hbm>> -> memref<32000000xf32, #tpu.memory_space<hbm>>
    tpu.enqueue_indirect_dma source(%dma_start3A_1088 : memref<32000000xf32, #tpu.memory_space<hbm>>) target(%dma_start3A_1083 : memref<128xf32, #tpu.memory_space<vmem>>) offsets(%dma_start3A_1086 : memref<128xi32, #tpu.memory_space<vmem>>) semaphore(%arg15 : memref<!tpu.dma_semaphore, #tpu.memory_space<semaphore_mem>>)
    %dma_start3A_1089 = arith.constant 14 : i32
    %dma_start3A_1090 = arith.constant 14976 : i32
    %dma_start3A_1091 = tpu.memref_slice %arg11[%dma_start3A_1090] : memref<16384xf32, #tpu.memory_space<vmem>> -> memref<128xf32, #tpu.memory_space<vmem>>
    %dma_start3A_1092 = arith.constant 640 : i32
    %dma_start3A_1093 = tpu.memref_slice %arg10[%dma_start3A_1089, %dma_start3A_1092] : memref<16x1024xi32, #tpu.memory_space<vmem>> -> memref<1x128xi32, #tpu.memory_space<vmem>>
    %dma_start3A_1094 = tpu.memref_squeeze %dma_start3A_1093 : memref<1x128xi32, #tpu.memory_space<vmem>> -> memref<128xi32, #tpu.memory_space<vmem>>
    %dma_start3A_1095 = arith.constant 0 : i32
    %dma_start3A_1096 = tpu.memref_slice %arg3[%dma_start3A_1095] : memref<32000000xf32, #tpu.memory_space<hbm>> -> memref<32000000xf32, #tpu.memory_space<hbm>>
    tpu.enqueue_indirect_dma source(%dma_start3A_1096 : memref<32000000xf32, #tpu.memory_space<hbm>>) target(%dma_start3A_1091 : memref<128xf32, #tpu.memory_space<vmem>>) offsets(%dma_start3A_1094 : memref<128xi32, #tpu.memory_space<vmem>>) semaphore(%arg15 : memref<!tpu.dma_semaphore, #tpu.memory_space<semaphore_mem>>)
    %dma_start3A_1097 = arith.constant 14 : i32
    %dma_start3A_1098 = arith.constant 15104 : i32
    %dma_start3A_1099 = tpu.memref_slice %arg11[%dma_start3A_1098] : memref<16384xf32, #tpu.memory_space<vmem>> -> memref<128xf32, #tpu.memory_space<vmem>>
    %dma_start3A_1100 = arith.constant 768 : i32
    %dma_start3A_1101 = tpu.memref_slice %arg10[%dma_start3A_1097, %dma_start3A_1100] : memref<16x1024xi32, #tpu.memory_space<vmem>> -> memref<1x128xi32, #tpu.memory_space<vmem>>
    %dma_start3A_1102 = tpu.memref_squeeze %dma_start3A_1101 : memref<1x128xi32, #tpu.memory_space<vmem>> -> memref<128xi32, #tpu.memory_space<vmem>>
    %dma_start3A_1103 = arith.constant 0 : i32
    %dma_start3A_1104 = tpu.memref_slice %arg3[%dma_start3A_1103] : memref<32000000xf32, #tpu.memory_space<hbm>> -> memref<32000000xf32, #tpu.memory_space<hbm>>
    tpu.enqueue_indirect_dma source(%dma_start3A_1104 : memref<32000000xf32, #tpu.memory_space<hbm>>) target(%dma_start3A_1099 : memref<128xf32, #tpu.memory_space<vmem>>) offsets(%dma_start3A_1102 : memref<128xi32, #tpu.memory_space<vmem>>) semaphore(%arg15 : memref<!tpu.dma_semaphore, #tpu.memory_space<semaphore_mem>>)
    %dma_start3A_1105 = arith.constant 14 : i32
    %dma_start3A_1106 = arith.constant 15232 : i32
    %dma_start3A_1107 = tpu.memref_slice %arg11[%dma_start3A_1106] : memref<16384xf32, #tpu.memory_space<vmem>> -> memref<128xf32, #tpu.memory_space<vmem>>
    %dma_start3A_1108 = arith.constant 896 : i32
    %dma_start3A_1109 = tpu.memref_slice %arg10[%dma_start3A_1105, %dma_start3A_1108] : memref<16x1024xi32, #tpu.memory_space<vmem>> -> memref<1x128xi32, #tpu.memory_space<vmem>>
    %dma_start3A_1110 = tpu.memref_squeeze %dma_start3A_1109 : memref<1x128xi32, #tpu.memory_space<vmem>> -> memref<128xi32, #tpu.memory_space<vmem>>
    %dma_start3A_1111 = arith.constant 0 : i32
    %dma_start3A_1112 = tpu.memref_slice %arg3[%dma_start3A_1111] : memref<32000000xf32, #tpu.memory_space<hbm>> -> memref<32000000xf32, #tpu.memory_space<hbm>>
    tpu.enqueue_indirect_dma source(%dma_start3A_1112 : memref<32000000xf32, #tpu.memory_space<hbm>>) target(%dma_start3A_1107 : memref<128xf32, #tpu.memory_space<vmem>>) offsets(%dma_start3A_1110 : memref<128xi32, #tpu.memory_space<vmem>>) semaphore(%arg15 : memref<!tpu.dma_semaphore, #tpu.memory_space<semaphore_mem>>)
    %scan3A_1113 = arith.constant 0 : i32
    %scan3A_1114 = arith.constant 0 : i32
    %scan3A_1115 = arith.constant 64 : i32
    %scan3A_1116 = arith.addi %scan3A_1114, %scan3A_1115 : i32
    %scan3A_1117 = arith.constant 1 : i32
    scf.for %scan3A_1197 = %scan3A_1114 to %scan3A_1116 step %scan3A_1117  : i32 {
      %mul3A_1198 = arith.constant 16 : i32
      %mul3A_1199 = arith.muli %scan3A_1197, %mul3A_1198 : i32
      %get3A_1200 = arith.index_cast %mul3A_1199 : i32 to index
      %get3A_1201 = tpu.vector_load %arg9[%get3A_1200] {strides = array<i32>} : memref<1024xi32, #tpu.memory_space<vmem>>, vector<16xi32>,
      %add3A_1202 = arith.constant 16000896 : i32
      %add3A_1203 = vector.broadcast %add3A_1202 : i32 to vector<16xi32>
      %add3A_1204 = arith.addi %get3A_1201, %add3A_1203 : vector<16xi32>
      %mul3A_1205 = arith.constant 16 : i32
      %mul3A_1206 = arith.muli %scan3A_1197, %mul3A_1205 : i32
      %swap3A = arith.constant 15 : i32
      %swap3A_1207 = arith.index_cast %swap3A : i32 to index
      %swap3A_1208 = arith.index_cast %mul3A_1206 : i32 to index
      %swap3A_1209 = tpu.vector_load %arg10[%swap3A_1207, %swap3A_1208] {strides = array<i32>} : memref<16x1024xi32, #tpu.memory_space<vmem>>, vector<16xi32>,
      tpu.vector_store %arg10[%swap3A_1207, %swap3A_1208], %add3A_1204 {strides = array<i32>} : memref<16x1024xi32, #tpu.memory_space<vmem>>, vector<16xi32>,
    }
    %scan3A_1118 = arith.constant 64 : i32
    %dma_start3A_1119 = arith.constant 15 : i32
    %dma_start3A_1120 = arith.constant 15360 : i32
    %dma_start3A_1121 = tpu.memref_slice %arg11[%dma_start3A_1120] : memref<16384xf32, #tpu.memory_space<vmem>> -> memref<128xf32, #tpu.memory_space<vmem>>
    %dma_start3A_1122 = arith.constant 0 : i32
    %dma_start3A_1123 = tpu.memref_slice %arg10[%dma_start3A_1119, %dma_start3A_1122] : memref<16x1024xi32, #tpu.memory_space<vmem>> -> memref<1x128xi32, #tpu.memory_space<vmem>>
    %dma_start3A_1124 = tpu.memref_squeeze %dma_start3A_1123 : memref<1x128xi32, #tpu.memory_space<vmem>> -> memref<128xi32, #tpu.memory_space<vmem>>
    %dma_start3A_1125 = arith.constant 0 : i32
    %dma_start3A_1126 = tpu.memref_slice %arg3[%dma_start3A_1125] : memref<32000000xf32, #tpu.memory_space<hbm>> -> memref<32000000xf32, #tpu.memory_space<hbm>>
    tpu.enqueue_indirect_dma source(%dma_start3A_1126 : memref<32000000xf32, #tpu.memory_space<hbm>>) target(%dma_start3A_1121 : memref<128xf32, #tpu.memory_space<vmem>>) offsets(%dma_start3A_1124 : memref<128xi32, #tpu.memory_space<vmem>>) semaphore(%arg15 : memref<!tpu.dma_semaphore, #tpu.memory_space<semaphore_mem>>)
    %dma_start3A_1127 = arith.constant 15 : i32
    %dma_start3A_1128 = arith.constant 15488 : i32
    %dma_start3A_1129 = tpu.memref_slice %arg11[%dma_start3A_1128] : memref<16384xf32, #tpu.memory_space<vmem>> -> memref<128xf32, #tpu.memory_space<vmem>>
    %dma_start3A_1130 = arith.constant 128 : i32
    %dma_start3A_1131 = tpu.memref_slice %arg10[%dma_start3A_1127, %dma_start3A_1130] : memref<16x1024xi32, #tpu.memory_space<vmem>> -> memref<1x128xi32, #tpu.memory_space<vmem>>
    %dma_start3A_1132 = tpu.memref_squeeze %dma_start3A_1131 : memref<1x128xi32, #tpu.memory_space<vmem>> -> memref<128xi32, #tpu.memory_space<vmem>>
    %dma_start3A_1133 = arith.constant 0 : i32
    %dma_start3A_1134 = tpu.memref_slice %arg3[%dma_start3A_1133] : memref<32000000xf32, #tpu.memory_space<hbm>> -> memref<32000000xf32, #tpu.memory_space<hbm>>
    tpu.enqueue_indirect_dma source(%dma_start3A_1134 : memref<32000000xf32, #tpu.memory_space<hbm>>) target(%dma_start3A_1129 : memref<128xf32, #tpu.memory_space<vmem>>) offsets(%dma_start3A_1132 : memref<128xi32, #tpu.memory_space<vmem>>) semaphore(%arg15 : memref<!tpu.dma_semaphore, #tpu.memory_space<semaphore_mem>>)
    %dma_start3A_1135 = arith.constant 15 : i32
    %dma_start3A_1136 = arith.constant 15616 : i32
    %dma_start3A_1137 = tpu.memref_slice %arg11[%dma_start3A_1136] : memref<16384xf32, #tpu.memory_space<vmem>> -> memref<128xf32, #tpu.memory_space<vmem>>
    %dma_start3A_1138 = arith.constant 256 : i32
    %dma_start3A_1139 = tpu.memref_slice %arg10[%dma_start3A_1135, %dma_start3A_1138] : memref<16x1024xi32, #tpu.memory_space<vmem>> -> memref<1x128xi32, #tpu.memory_space<vmem>>
    %dma_start3A_1140 = tpu.memref_squeeze %dma_start3A_1139 : memref<1x128xi32, #tpu.memory_space<vmem>> -> memref<128xi32, #tpu.memory_space<vmem>>
    %dma_start3A_1141 = arith.constant 0 : i32
    %dma_start3A_1142 = tpu.memref_slice %arg3[%dma_start3A_1141] : memref<32000000xf32, #tpu.memory_space<hbm>> -> memref<32000000xf32, #tpu.memory_space<hbm>>
    tpu.enqueue_indirect_dma source(%dma_start3A_1142 : memref<32000000xf32, #tpu.memory_space<hbm>>) target(%dma_start3A_1137 : memref<128xf32, #tpu.memory_space<vmem>>) offsets(%dma_start3A_1140 : memref<128xi32, #tpu.memory_space<vmem>>) semaphore(%arg15 : memref<!tpu.dma_semaphore, #tpu.memory_space<semaphore_mem>>)
    %dma_start3A_1143 = arith.constant 15 : i32
    %dma_start3A_1144 = arith.constant 15744 : i32
    %dma_start3A_1145 = tpu.memref_slice %arg11[%dma_start3A_1144] : memref<16384xf32, #tpu.memory_space<vmem>> -> memref<128xf32, #tpu.memory_space<vmem>>
    %dma_start3A_1146 = arith.constant 384 : i32
    %dma_start3A_1147 = tpu.memref_slice %arg10[%dma_start3A_1143, %dma_start3A_1146] : memref<16x1024xi32, #tpu.memory_space<vmem>> -> memref<1x128xi32, #tpu.memory_space<vmem>>
    %dma_start3A_1148 = tpu.memref_squeeze %dma_start3A_1147 : memref<1x128xi32, #tpu.memory_space<vmem>> -> memref<128xi32, #tpu.memory_space<vmem>>
    %dma_start3A_1149 = arith.constant 0 : i32
    %dma_start3A_1150 = tpu.memref_slice %arg3[%dma_start3A_1149] : memref<32000000xf32, #tpu.memory_space<hbm>> -> memref<32000000xf32, #tpu.memory_space<hbm>>
    tpu.enqueue_indirect_dma source(%dma_start3A_1150 : memref<32000000xf32, #tpu.memory_space<hbm>>) target(%dma_start3A_1145 : memref<128xf32, #tpu.memory_space<vmem>>) offsets(%dma_start3A_1148 : memref<128xi32, #tpu.memory_space<vmem>>) semaphore(%arg15 : memref<!tpu.dma_semaphore, #tpu.memory_space<semaphore_mem>>)
    %dma_start3A_1151 = arith.constant 15 : i32
    %dma_start3A_1152 = arith.constant 15872 : i32
    %dma_start3A_1153 = tpu.memref_slice %arg11[%dma_start3A_1152] : memref<16384xf32, #tpu.memory_space<vmem>> -> memref<128xf32, #tpu.memory_space<vmem>>
    %dma_start3A_1154 = arith.constant 512 : i32
    %dma_start3A_1155 = tpu.memref_slice %arg10[%dma_start3A_1151, %dma_start3A_1154] : memref<16x1024xi32, #tpu.memory_space<vmem>> -> memref<1x128xi32, #tpu.memory_space<vmem>>
    %dma_start3A_1156 = tpu.memref_squeeze %dma_start3A_1155 : memref<1x128xi32, #tpu.memory_space<vmem>> -> memref<128xi32, #tpu.memory_space<vmem>>
    %dma_start3A_1157 = arith.constant 0 : i32
    %dma_start3A_1158 = tpu.memref_slice %arg3[%dma_start3A_1157] : memref<32000000xf32, #tpu.memory_space<hbm>> -> memref<32000000xf32, #tpu.memory_space<hbm>>
    tpu.enqueue_indirect_dma source(%dma_start3A_1158 : memref<32000000xf32, #tpu.memory_space<hbm>>) target(%dma_start3A_1153 : memref<128xf32, #tpu.memory_space<vmem>>) offsets(%dma_start3A_1156 : memref<128xi32, #tpu.memory_space<vmem>>) semaphore(%arg15 : memref<!tpu.dma_semaphore, #tpu.memory_space<semaphore_mem>>)
    %dma_start3A_1159 = arith.constant 15 : i32
    %dma_start3A_1160 = arith.constant 16000 : i32
    %dma_start3A_1161 = tpu.memref_slice %arg11[%dma_start3A_1160] : memref<16384xf32, #tpu.memory_space<vmem>> -> memref<128xf32, #tpu.memory_space<vmem>>
    %dma_start3A_1162 = arith.constant 640 : i32
    %dma_start3A_1163 = tpu.memref_slice %arg10[%dma_start3A_1159, %dma_start3A_1162] : memref<16x1024xi32, #tpu.memory_space<vmem>> -> memref<1x128xi32, #tpu.memory_space<vmem>>
    %dma_start3A_1164 = tpu.memref_squeeze %dma_start3A_1163 : memref<1x128xi32, #tpu.memory_space<vmem>> -> memref<128xi32, #tpu.memory_space<vmem>>
    %dma_start3A_1165 = arith.constant 0 : i32
    %dma_start3A_1166 = tpu.memref_slice %arg3[%dma_start3A_1165] : memref<32000000xf32, #tpu.memory_space<hbm>> -> memref<32000000xf32, #tpu.memory_space<hbm>>
    tpu.enqueue_indirect_dma source(%dma_start3A_1166 : memref<32000000xf32, #tpu.memory_space<hbm>>) target(%dma_start3A_1161 : memref<128xf32, #tpu.memory_space<vmem>>) offsets(%dma_start3A_1164 : memref<128xi32, #tpu.memory_space<vmem>>) semaphore(%arg15 : memref<!tpu.dma_semaphore, #tpu.memory_space<semaphore_mem>>)
    %dma_start3A_1167 = arith.constant 15 : i32
    %dma_start3A_1168 = arith.constant 16128 : i32
    %dma_start3A_1169 = tpu.memref_slice %arg11[%dma_start3A_1168] : memref<16384xf32, #tpu.memory_space<vmem>> -> memref<128xf32, #tpu.memory_space<vmem>>
    %dma_start3A_1170 = arith.constant 768 : i32
    %dma_start3A_1171 = tpu.memref_slice %arg10[%dma_start3A_1167, %dma_start3A_1170] : memref<16x1024xi32, #tpu.memory_space<vmem>> -> memref<1x128xi32, #tpu.memory_space<vmem>>
    %dma_start3A_1172 = tpu.memref_squeeze %dma_start3A_1171 : memref<1x128xi32, #tpu.memory_space<vmem>> -> memref<128xi32, #tpu.memory_space<vmem>>
    %dma_start3A_1173 = arith.constant 0 : i32
    %dma_start3A_1174 = tpu.memref_slice %arg3[%dma_start3A_1173] : memref<32000000xf32, #tpu.memory_space<hbm>> -> memref<32000000xf32, #tpu.memory_space<hbm>>
    tpu.enqueue_indirect_dma source(%dma_start3A_1174 : memref<32000000xf32, #tpu.memory_space<hbm>>) target(%dma_start3A_1169 : memref<128xf32, #tpu.memory_space<vmem>>) offsets(%dma_start3A_1172 : memref<128xi32, #tpu.memory_space<vmem>>) semaphore(%arg15 : memref<!tpu.dma_semaphore, #tpu.memory_space<semaphore_mem>>)
    %dma_start3A_1175 = arith.constant 15 : i32
    %dma_start3A_1176 = arith.constant 16256 : i32
    %dma_start3A_1177 = tpu.memref_slice %arg11[%dma_start3A_1176] : memref<16384xf32, #tpu.memory_space<vmem>> -> memref<128xf32, #tpu.memory_space<vmem>>
    %dma_start3A_1178 = arith.constant 896 : i32
    %dma_start3A_1179 = tpu.memref_slice %arg10[%dma_start3A_1175, %dma_start3A_1178] : memref<16x1024xi32, #tpu.memory_space<vmem>> -> memref<1x128xi32, #tpu.memory_space<vmem>>
    %dma_start3A_1180 = tpu.memref_squeeze %dma_start3A_1179 : memref<1x128xi32, #tpu.memory_space<vmem>> -> memref<128xi32, #tpu.memory_space<vmem>>
    %dma_start3A_1181 = arith.constant 0 : i32
    %dma_start3A_1182 = tpu.memref_slice %arg3[%dma_start3A_1181] : memref<32000000xf32, #tpu.memory_space<hbm>> -> memref<32000000xf32, #tpu.memory_space<hbm>>
    tpu.enqueue_indirect_dma source(%dma_start3A_1182 : memref<32000000xf32, #tpu.memory_space<hbm>>) target(%dma_start3A_1177 : memref<128xf32, #tpu.memory_space<vmem>>) offsets(%dma_start3A_1180 : memref<128xi32, #tpu.memory_space<vmem>>) semaphore(%arg15 : memref<!tpu.dma_semaphore, #tpu.memory_space<semaphore_mem>>)
    %dma_wait3A = arith.constant 0 : i32
    %dma_wait3A_1183 = tpu.memref_slice %arg2[%dma_wait3A] : memref<32768xi32, #tpu.memory_space<hbm>> -> memref<16384xi32, #tpu.memory_space<hbm>>
    %dma_wait3A_1184 = arith.constant 0 : i32
    %dma_wait3A_1185 = tpu.memref_slice %arg2[%dma_wait3A_1184] : memref<32768xi32, #tpu.memory_space<hbm>> -> memref<16384xi32, #tpu.memory_space<hbm>>
    tpu.wait_dma2 semaphore(%arg15 : memref<!tpu.dma_semaphore, #tpu.memory_space<semaphore_mem>>) src(%dma_wait3A_1185 : memref<16384xi32, #tpu.memory_space<hbm>>) dst(%arg11 : memref<16384xf32, #tpu.memory_space<vmem>>)
    %dma_wait3A_1186 = arith.constant 0 : i32
    %dma_wait3A_1187 = tpu.memref_slice %arg4[%dma_wait3A_1186] : memref<2000000xf32, #tpu.memory_space<hbm>> -> memref<1024xf32, #tpu.memory_space<hbm>>
    %dma_wait3A_1188 = arith.constant 0 : i32
    %dma_wait3A_1189 = tpu.memref_slice %arg4[%dma_wait3A_1188] : memref<2000000xf32, #tpu.memory_space<hbm>> -> memref<1024xf32, #tpu.memory_space<hbm>>
    tpu.wait_dma2 semaphore(%arg16 : memref<!tpu.dma_semaphore, #tpu.memory_space<semaphore_mem>>) src(%dma_wait3A_1189 : memref<1024xf32, #tpu.memory_space<hbm>>) dst(%arg12 : memref<1024xf32, #tpu.memory_space<vmem>>)
    %get3A = arith.constant 0 : index
    %get3A_1190 = tpu.vector_load %arg14[%get3A] {strides = array<i32>} : memref<16xf32, #tpu.memory_space<vmem>>, vector<16xf32>,
    %scan3A_1191 = arith.constant 0 : i32
    %scan3A_1192 = arith.constant 0 : i32
    %scan3A_1193 = arith.constant 32 : i32
    %scan3A_1194 = arith.addi %scan3A_1192, %scan3A_1193 : i32
    %scan3A_1195 = arith.constant 1 : i32
    scf.for %scan3A_1197 = %scan3A_1192 to %scan3A_1194 step %scan3A_1195  : i32 {
      %mul3A_1198 = arith.constant 16 : i32
      %mul3A_1199 = arith.muli %scan3A_1197, %mul3A_1198 : i32
      %get3A_1200 = arith.index_cast %mul3A_1199 : i32 to index
      %get3A_1201 = tpu.vector_load %arg12[%get3A_1200] {strides = array<i32>} : memref<1024xf32, #tpu.memory_space<vmem>>, vector<16xf32>,
      %add3A_1202 = arith.addf %get3A_1190, %get3A_1201 : vector<16xf32>
      %add3A_1203 = arith.constant 512 : i32
      %add3A_1204 = arith.addi %add3A_1203, %mul3A_1199 : i32
      %get3A_1205 = arith.index_cast %add3A_1204 : i32 to index
      %get3A_1206 = tpu.vector_load %arg12[%get3A_1205] {strides = array<i32>} : memref<1024xf32, #tpu.memory_space<vmem>>, vector<16xf32>,
      %add3A_1207 = arith.addf %add3A_1202, %get3A_1206 : vector<16xf32>
      %add3A_1208 = arith.constant 0 : i32
      %add3A_1209 = arith.addi %add3A_1208, %mul3A_1199 : i32
      %get3A_1210 = arith.index_cast %add3A_1209 : i32 to index
      %get3A_1211 = tpu.vector_load %arg11[%get3A_1210] {strides = array<i32>} : memref<16384xf32, #tpu.memory_space<vmem>>, vector<16xf32>,
      %add3A_1212 = arith.constant 512 : i32
      %add3A_1213 = arith.addi %add3A_1212, %mul3A_1199 : i32
      %get3A_1214 = arith.index_cast %add3A_1213 : i32 to index
      %get3A_1215 = tpu.vector_load %arg11[%get3A_1214] {strides = array<i32>} : memref<16384xf32, #tpu.memory_space<vmem>>, vector<16xf32>,
      %mul3A_1216 = arith.mulf %get3A_1211, %get3A_1215 : vector<16xf32>
      %add3A_1217 = arith.addf %add3A_1207, %mul3A_1216 : vector<16xf32>
      %add3A_1218 = arith.constant 1024 : i32
      %add3A_1219 = arith.addi %add3A_1218, %mul3A_1199 : i32
      %get3A_1220 = arith.index_cast %add3A_1219 : i32 to index
      %get3A_1221 = tpu.vector_load %arg11[%get3A_1220] {strides = array<i32>} : memref<16384xf32, #tpu.memory_space<vmem>>, vector<16xf32>,
      %add3A_1222 = arith.constant 1536 : i32
      %add3A_1223 = arith.addi %add3A_1222, %mul3A_1199 : i32
      %get3A_1224 = arith.index_cast %add3A_1223 : i32 to index
      %get3A_1225 = tpu.vector_load %arg11[%get3A_1224] {strides = array<i32>} : memref<16384xf32, #tpu.memory_space<vmem>>, vector<16xf32>,
      %mul3A_1226 = arith.mulf %get3A_1221, %get3A_1225 : vector<16xf32>
      %add3A_1227 = arith.addf %add3A_1217, %mul3A_1226 : vector<16xf32>
      %add3A_1228 = arith.constant 2048 : i32
      %add3A_1229 = arith.addi %add3A_1228, %mul3A_1199 : i32
      %get3A_1230 = arith.index_cast %add3A_1229 : i32 to index
      %get3A_1231 = tpu.vector_load %arg11[%get3A_1230] {strides = array<i32>} : memref<16384xf32, #tpu.memory_space<vmem>>, vector<16xf32>,
      %add3A_1232 = arith.constant 2560 : i32
      %add3A_1233 = arith.addi %add3A_1232, %mul3A_1199 : i32
      %get3A_1234 = arith.index_cast %add3A_1233 : i32 to index
      %get3A_1235 = tpu.vector_load %arg11[%get3A_1234] {strides = array<i32>} : memref<16384xf32, #tpu.memory_space<vmem>>, vector<16xf32>,
      %mul3A_1236 = arith.mulf %get3A_1231, %get3A_1235 : vector<16xf32>
      %add3A_1237 = arith.addf %add3A_1227, %mul3A_1236 : vector<16xf32>
      %add3A_1238 = arith.constant 3072 : i32
      %add3A_1239 = arith.addi %add3A_1238, %mul3A_1199 : i32
      %get3A_1240 = arith.index_cast %add3A_1239 : i32 to index
      %get3A_1241 = tpu.vector_load %arg11[%get3A_1240] {strides = array<i32>} : memref<16384xf32, #tpu.memory_space<vmem>>, vector<16xf32>,
      %add3A_1242 = arith.constant 3584 : i32
      %add3A_1243 = arith.addi %add3A_1242, %mul3A_1199 : i32
      %get3A_1244 = arith.index_cast %add3A_1243 : i32 to index
      %get3A_1245 = tpu.vector_load %arg11[%get3A_1244] {strides = array<i32>} : memref<16384xf32, #tpu.memory_space<vmem>>, vector<16xf32>,
      %mul3A_1246 = arith.mulf %get3A_1241, %get3A_1245 : vector<16xf32>
      %add3A_1247 = arith.addf %add3A_1237, %mul3A_1246 : vector<16xf32>
      %add3A_1248 = arith.constant 4096 : i32
      %add3A_1249 = arith.addi %add3A_1248, %mul3A_1199 : i32
      %get3A_1250 = arith.index_cast %add3A_1249 : i32 to index
      %get3A_1251 = tpu.vector_load %arg11[%get3A_1250] {strides = array<i32>} : memref<16384xf32, #tpu.memory_space<vmem>>, vector<16xf32>,
      %add3A_1252 = arith.constant 4608 : i32
      %add3A_1253 = arith.addi %add3A_1252, %mul3A_1199 : i32
      %get3A_1254 = arith.index_cast %add3A_1253 : i32 to index
      %get3A_1255 = tpu.vector_load %arg11[%get3A_1254] {strides = array<i32>} : memref<16384xf32, #tpu.memory_space<vmem>>, vector<16xf32>,
      %mul3A_1256 = arith.mulf %get3A_1251, %get3A_1255 : vector<16xf32>
      %add3A_1257 = arith.addf %add3A_1247, %mul3A_1256 : vector<16xf32>
      %add3A_1258 = arith.constant 5120 : i32
      %add3A_1259 = arith.addi %add3A_1258, %mul3A_1199 : i32
      %get3A_1260 = arith.index_cast %add3A_1259 : i32 to index
      %get3A_1261 = tpu.vector_load %arg11[%get3A_1260] {strides = array<i32>} : memref<16384xf32, #tpu.memory_space<vmem>>, vector<16xf32>,
      %add3A_1262 = arith.constant 5632 : i32
      %add3A_1263 = arith.addi %add3A_1262, %mul3A_1199 : i32
      %get3A_1264 = arith.index_cast %add3A_1263 : i32 to index
      %get3A_1265 = tpu.vector_load %arg11[%get3A_1264] {strides = array<i32>} : memref<16384xf32, #tpu.memory_space<vmem>>, vector<16xf32>,
      %mul3A_1266 = arith.mulf %get3A_1261, %get3A_1265 : vector<16xf32>
      %add3A_1267 = arith.addf %add3A_1257, %mul3A_1266 : vector<16xf32>
      %add3A_1268 = arith.constant 6144 : i32
      %add3A_1269 = arith.addi %add3A_1268, %mul3A_1199 : i32
      %get3A_1270 = arith.index_cast %add3A_1269 : i32 to index
      %get3A_1271 = tpu.vector_load %arg11[%get3A_1270] {strides = array<i32>} : memref<16384xf32, #tpu.memory_space<vmem>>, vector<16xf32>,
      %add3A_1272 = arith.constant 6656 : i32
      %add3A_1273 = arith.addi %add3A_1272, %mul3A_1199 : i32
      %get3A_1274 = arith.index_cast %add3A_1273 : i32 to index
      %get3A_1275 = tpu.vector_load %arg11[%get3A_1274] {strides = array<i32>} : memref<16384xf32, #tpu.memory_space<vmem>>, vector<16xf32>,
      %mul3A_1276 = arith.mulf %get3A_1271, %get3A_1275 : vector<16xf32>
      %add3A_1277 = arith.addf %add3A_1267, %mul3A_1276 : vector<16xf32>
      %add3A_1278 = arith.constant 7168 : i32
      %add3A_1279 = arith.addi %add3A_1278, %mul3A_1199 : i32
      %get3A_1280 = arith.index_cast %add3A_1279 : i32 to index
      %get3A_1281 = tpu.vector_load %arg11[%get3A_1280] {strides = array<i32>} : memref<16384xf32, #tpu.memory_space<vmem>>, vector<16xf32>,
      %add3A_1282 = arith.constant 7680 : i32
      %add3A_1283 = arith.addi %add3A_1282, %mul3A_1199 : i32
      %get3A_1284 = arith.index_cast %add3A_1283 : i32 to index
      %get3A_1285 = tpu.vector_load %arg11[%get3A_1284] {strides = array<i32>} : memref<16384xf32, #tpu.memory_space<vmem>>, vector<16xf32>,
      %mul3A_1286 = arith.mulf %get3A_1281, %get3A_1285 : vector<16xf32>
      %add3A_1287 = arith.addf %add3A_1277, %mul3A_1286 : vector<16xf32>
      %add3A_1288 = arith.constant 8192 : i32
      %add3A_1289 = arith.addi %add3A_1288, %mul3A_1199 : i32
      %get3A_1290 = arith.index_cast %add3A_1289 : i32 to index
      %get3A_1291 = tpu.vector_load %arg11[%get3A_1290] {strides = array<i32>} : memref<16384xf32, #tpu.memory_space<vmem>>, vector<16xf32>,
      %add3A_1292 = arith.constant 8704 : i32
      %add3A_1293 = arith.addi %add3A_1292, %mul3A_1199 : i32
      %get3A_1294 = arith.index_cast %add3A_1293 : i32 to index
      %get3A_1295 = tpu.vector_load %arg11[%get3A_1294] {strides = array<i32>} : memref<16384xf32, #tpu.memory_space<vmem>>, vector<16xf32>,
      %mul3A_1296 = arith.mulf %get3A_1291, %get3A_1295 : vector<16xf32>
      %add3A_1297 = arith.addf %add3A_1287, %mul3A_1296 : vector<16xf32>
      %add3A_1298 = arith.constant 9216 : i32
      %add3A_1299 = arith.addi %add3A_1298, %mul3A_1199 : i32
      %get3A_1300 = arith.index_cast %add3A_1299 : i32 to index
      %get3A_1301 = tpu.vector_load %arg11[%get3A_1300] {strides = array<i32>} : memref<16384xf32, #tpu.memory_space<vmem>>, vector<16xf32>,
      %add3A_1302 = arith.constant 9728 : i32
      %add3A_1303 = arith.addi %add3A_1302, %mul3A_1199 : i32
      %get3A_1304 = arith.index_cast %add3A_1303 : i32 to index
      %get3A_1305 = tpu.vector_load %arg11[%get3A_1304] {strides = array<i32>} : memref<16384xf32, #tpu.memory_space<vmem>>, vector<16xf32>,
      %mul3A_1306 = arith.mulf %get3A_1301, %get3A_1305 : vector<16xf32>
      %add3A_1307 = arith.addf %add3A_1297, %mul3A_1306 : vector<16xf32>
      %add3A_1308 = arith.constant 10240 : i32
      %add3A_1309 = arith.addi %add3A_1308, %mul3A_1199 : i32
      %get3A_1310 = arith.index_cast %add3A_1309 : i32 to index
      %get3A_1311 = tpu.vector_load %arg11[%get3A_1310] {strides = array<i32>} : memref<16384xf32, #tpu.memory_space<vmem>>, vector<16xf32>,
      %add3A_1312 = arith.constant 10752 : i32
      %add3A_1313 = arith.addi %add3A_1312, %mul3A_1199 : i32
      %get3A_1314 = arith.index_cast %add3A_1313 : i32 to index
      %get3A_1315 = tpu.vector_load %arg11[%get3A_1314] {strides = array<i32>} : memref<16384xf32, #tpu.memory_space<vmem>>, vector<16xf32>,
      %mul3A_1316 = arith.mulf %get3A_1311, %get3A_1315 : vector<16xf32>
      %add3A_1317 = arith.addf %add3A_1307, %mul3A_1316 : vector<16xf32>
      %add3A_1318 = arith.constant 11264 : i32
      %add3A_1319 = arith.addi %add3A_1318, %mul3A_1199 : i32
      %get3A_1320 = arith.index_cast %add3A_1319 : i32 to index
      %get3A_1321 = tpu.vector_load %arg11[%get3A_1320] {strides = array<i32>} : memref<16384xf32, #tpu.memory_space<vmem>>, vector<16xf32>,
      %add3A_1322 = arith.constant 11776 : i32
      %add3A_1323 = arith.addi %add3A_1322, %mul3A_1199 : i32
      %get3A_1324 = arith.index_cast %add3A_1323 : i32 to index
      %get3A_1325 = tpu.vector_load %arg11[%get3A_1324] {strides = array<i32>} : memref<16384xf32, #tpu.memory_space<vmem>>, vector<16xf32>,
      %mul3A_1326 = arith.mulf %get3A_1321, %get3A_1325 : vector<16xf32>
      %add3A_1327 = arith.addf %add3A_1317, %mul3A_1326 : vector<16xf32>
      %add3A_1328 = arith.constant 12288 : i32
      %add3A_1329 = arith.addi %add3A_1328, %mul3A_1199 : i32
      %get3A_1330 = arith.index_cast %add3A_1329 : i32 to index
      %get3A_1331 = tpu.vector_load %arg11[%get3A_1330] {strides = array<i32>} : memref<16384xf32, #tpu.memory_space<vmem>>, vector<16xf32>,
      %add3A_1332 = arith.constant 12800 : i32
      %add3A_1333 = arith.addi %add3A_1332, %mul3A_1199 : i32
      %get3A_1334 = arith.index_cast %add3A_1333 : i32 to index
      %get3A_1335 = tpu.vector_load %arg11[%get3A_1334] {strides = array<i32>} : memref<16384xf32, #tpu.memory_space<vmem>>, vector<16xf32>,
      %mul3A_1336 = arith.mulf %get3A_1331, %get3A_1335 : vector<16xf32>
      %add3A_1337 = arith.addf %add3A_1327, %mul3A_1336 : vector<16xf32>
      %add3A_1338 = arith.constant 13312 : i32
      %add3A_1339 = arith.addi %add3A_1338, %mul3A_1199 : i32
      %get3A_1340 = arith.index_cast %add3A_1339 : i32 to index
      %get3A_1341 = tpu.vector_load %arg11[%get3A_1340] {strides = array<i32>} : memref<16384xf32, #tpu.memory_space<vmem>>, vector<16xf32>,
      %add3A_1342 = arith.constant 13824 : i32
      %add3A_1343 = arith.addi %add3A_1342, %mul3A_1199 : i32
      %get3A_1344 = arith.index_cast %add3A_1343 : i32 to index
      %get3A_1345 = tpu.vector_load %arg11[%get3A_1344] {strides = array<i32>} : memref<16384xf32, #tpu.memory_space<vmem>>, vector<16xf32>,
      %mul3A_1346 = arith.mulf %get3A_1341, %get3A_1345 : vector<16xf32>
      %add3A_1347 = arith.addf %add3A_1337, %mul3A_1346 : vector<16xf32>
      %add3A_1348 = arith.constant 14336 : i32
      %add3A_1349 = arith.addi %add3A_1348, %mul3A_1199 : i32
      %get3A_1350 = arith.index_cast %add3A_1349 : i32 to index
      %get3A_1351 = tpu.vector_load %arg11[%get3A_1350] {strides = array<i32>} : memref<16384xf32, #tpu.memory_space<vmem>>, vector<16xf32>,
      %add3A_1352 = arith.constant 14848 : i32
      %add3A_1353 = arith.addi %add3A_1352, %mul3A_1199 : i32
      %get3A_1354 = arith.index_cast %add3A_1353 : i32 to index
      %get3A_1355 = tpu.vector_load %arg11[%get3A_1354] {strides = array<i32>} : memref<16384xf32, #tpu.memory_space<vmem>>, vector<16xf32>,
      %mul3A_1356 = arith.mulf %get3A_1351, %get3A_1355 : vector<16xf32>
      %add3A_1357 = arith.addf %add3A_1347, %mul3A_1356 : vector<16xf32>
      %add3A_1358 = arith.constant 15360 : i32
      %add3A_1359 = arith.addi %add3A_1358, %mul3A_1199 : i32
      %get3A_1360 = arith.index_cast %add3A_1359 : i32 to index
      %get3A_1361 = tpu.vector_load %arg11[%get3A_1360] {strides = array<i32>} : memref<16384xf32, #tpu.memory_space<vmem>>, vector<16xf32>,
      %add3A_1362 = arith.constant 15872 : i32
      %add3A_1363 = arith.addi %add3A_1362, %mul3A_1199 : i32
      %get3A_1364 = arith.index_cast %add3A_1363 : i32 to index
      %get3A_1365 = tpu.vector_load %arg11[%get3A_1364] {strides = array<i32>} : memref<16384xf32, #tpu.memory_space<vmem>>, vector<16xf32>,
      %mul3A_1366 = arith.mulf %get3A_1361, %get3A_1365 : vector<16xf32>
      %add3A_1367 = arith.addf %add3A_1357, %mul3A_1366 : vector<16xf32>
      %swap3A = arith.index_cast %mul3A_1199 : i32 to index
      %swap3A_1368 = tpu.vector_load %arg13[%swap3A] {strides = array<i32>} : memref<512xf32, #tpu.memory_space<vmem>>, vector<16xf32>,
      tpu.vector_store %arg13[%swap3A], %add3A_1367 {strides = array<i32>} : memref<512xf32, #tpu.memory_space<vmem>>, vector<16xf32>,
    }
    %scan3A_1196 = arith.constant 32 : i32
    "tpu.region"() ({
      %run_scoped3A = tpu.sem_alloc : memref<!tpu.dma_semaphore, #tpu.memory_space<semaphore_mem>>
      %dma_start3A_1197 = tpu.memref_slice %arg6[%mul3A_2] : memref<16384xf32, #tpu.memory_space<hbm>> -> memref<512xf32, #tpu.memory_space<hbm>>
      %dma_start3A_1198 = tpu.memref_slice %arg6[%mul3A_2] : memref<16384xf32, #tpu.memory_space<hbm>> -> memref<512xf32, #tpu.memory_space<hbm>>
      tpu.enqueue_dma source(%arg13 : memref<512xf32, #tpu.memory_space<vmem>>) target(%dma_start3A_1198 : memref<512xf32, #tpu.memory_space<hbm>>) target_semaphore(%run_scoped3A : memref<!tpu.dma_semaphore, #tpu.memory_space<semaphore_mem>>)
      %dma_wait3A_1199 = tpu.memref_slice %arg6[%mul3A_2] : memref<16384xf32, #tpu.memory_space<hbm>> -> memref<512xf32, #tpu.memory_space<hbm>>
      %dma_wait3A_1200 = tpu.memref_slice %arg6[%mul3A_2] : memref<16384xf32, #tpu.memory_space<hbm>> -> memref<512xf32, #tpu.memory_space<hbm>>
      tpu.wait_dma2 semaphore(%run_scoped3A : memref<!tpu.dma_semaphore, #tpu.memory_space<semaphore_mem>>) src(%arg13 : memref<512xf32, #tpu.memory_space<vmem>>) dst(%dma_wait3A_1200 : memref<512xf32, #tpu.memory_space<hbm>>)
      tpu.yield
    }) : () -> ()
    return
  }
}

</mosaic_0001>

<sc_bundles>
// kernel: _fm.3.cloned.1.call-start
scs
__scs_entry_jumppad:
0x0: {  	(pc) =	sbr.rel $0x88, $3  }
0x1: {  	(tag) =	ssettag $0x0;
	lr =	simm.s32 $0x1  }
0x2: {  	[smem:$0x3F9D] =	sst lr;
	_ =	strace $0xD0000000  }
0x3: {  	_ = 	snop  }
0x4: {  	_ = 	snop  }
0x5: {  	_ = 	snop  }
0x6: {  	_ = 	snop  }
0x7: {  	_ = 	snop  }
__scs_overlays_trampoline_lowered:
0x8: {  	[smem:$0x3FAC] =	sst s0  }
0x9: {  	[smem:$0x3FAD] =	sst s1  }
0xa: {  	[smem:$0x3FAE] =	sst s2  }
0xb: {  	[smem:$0x3FAF] =	sst s3  }
0xc: {  	[smem:$0x3FB0] =	sst s4  }
0xd: {  	[smem:$0x3FB1] =	sst s5  }
0xe: {  	[smem:$0x3FB2] =	sst s6  }
0xf: {  	[smem:$0x3FB3] =	sst s7  }
0x10: {  	[smem:$0x3FB4] =	sst s8  }
0x11: {  	[smem:$0x3FB5] =	sst s9;
	s0 =	simm.s32 @!p0 $0x0  }
0x12: {  	s1 =	sld [smem:$0x3F9B];
	s0 =	simm.s32 @p0 $0x1  }
0x13: {  	[smem:$0x3FB6] =	sst s0;
	s0 =	simm.s32 @!p1 $0x0  }
0x14: {  	s2 =	sld [smem:$0x3F9A];
	s0 =	simm.s32 @p1 $0x1  }
0x15: {  	[smem:$0x3FB7] =	sst s0;
	s0 =	simm.s32 @!p2 $0x0  }
0x16: {  	s3 =	sld [smem:$0x3FDB];
	s0 =	simm.s32 @p2 $0x1  }
0x17: {  	s4 =	simm.s32 $0x1BF5;
	[smem:$0x3FB9] =	sst s0  }
0x18: {  	s0 =	sld [smem:$0x3F9C];
	_ =	swait.ge [sflag:s4], $0x0  }
0x19: {  	s7 =	sld [smem:$0x3F9D]  }
0x1a: {  	s8 =	sadd.s32 $0xFFFFE003, lr  }
0x1b: {  	s9 =	sadd.s32 $0xFFFFFEF7, lr;
	s5 =	simm.s32 $0xFFFFFFFF;
	p2 =	slt.u32 s8, $0xFFFFF086  }
0x1c: {  	p1 =	slt.u32 s9, $0xF7A;
	s5 =	simm.s32 @!p2 $0x0  }
0x1d: {  	s5 =	simm.s32 @p1 $0x1;
	p0 =	seq.s32 s7, s2  }
0x1e: {  	s7 =	smul.u32 @!p0 $0xF7A, s2;
	p2 =	seq.s32 @!p0 s5, $0x0  }
0x1f: {  	s9 =	smul.u32 $0xF7A, s1;
	s8 =	simm.s32 @!p0 $0x1BF5;
	p2 =	por !p2, p0  }
0x20: {  	[sflag:s8] =	ssyncset.s32 @!p0 $0xFFFFF086;
	s6 =	sadd.s32 @!p0 s3, s7;
	s7 =	simm.s32 @!p0 $0x108  }
0x21: {  	s3 =	sadd.s32 s3, s9;
	s6 =	sadd.s32 @!p0 $0x88, s6;
	s7 =	simm.s32 @p2 $0x1082  }
0x22: {  	[simem:s7], [sflag:s8] =	dma.local @!p0 [hbm:s6], $0xF7A  }
0x23: {  	s9 =	sor.u32 $0xD0000000, s2;
	s6 =	simm.s32 $0x108;
	_ =	swait.ge @!p0 [sflag:s8], $0x0  }
0x24: {  	s3 =	sadd.s32 $0x88, s3;
	s6 =	simm.s32 @!p1 $0x1082;
	[sflag:s4] =	ssyncset.s32 $0xFFFFF086  }
0x25: {  	[simem:s6], [sflag:s4] =	dma.local [hbm:s3], $0xF7A  }
0x26: {  	[smem:$0x3F9D] =	sst s1;
	(tag) =	ssettag s2;
	_ =	strace s9  }
0x27: {  	s1 =	sld [smem:$0x3FAD]  }
0x28: {  	s2 =	sld [smem:$0x3FAE]  }
0x29: {  	s4 =	sld [smem:$0x3FB0]  }
0x2a: {  	p0 =	seq.s32 s5, $0x0;
	s5 =	sld [smem:$0x3FB1]  }
0x2b: {  	s6 =	sld [smem:$0x3FB2]  }
0x2c: {  	s7 =	sld [smem:$0x3FB3]  }
0x2d: {  	s3 =	simm.s32 $0x108;
	s8 =	sld [smem:$0x3FB4]  }
0x2e: {  	s3 =	simm.s32 @!p0 $0x1082;
	s9 =	sld [smem:$0x3FB5]  }
0x2f: {  	lr =	sadd.s32 s0, s3;
	s0 =	sld [smem:$0x3FAC]  }
0x30: {  	s3 =	sld [smem:$0x3FAF]  }
0x31: {  	[smem:$0x3FB8] =	sst s10  }
0x32: {  	s10 =	sld [smem:$0x3FB6];
	_ =	sdelay $0x3  }
0x33: {  	p0 =	seq.s32 s10, $0x1;
	s10 =	sld [smem:$0x3FB8];
	_ =	sdelay $0x3  }
0x34: {  	[smem:$0x3FB8] =	sst s10  }
0x35: {  	s10 =	sld [smem:$0x3FB7];
	_ =	sdelay $0x3  }
0x36: {  	p1 =	seq.s32 s10, $0x1;
	s10 =	sld [smem:$0x3FB8];
	_ =	sdelay $0x3  }
0x37: {  	[smem:$0x3FB8] =	sst s10  }
0x38: {  	s10 =	sld [smem:$0x3FB9]  }
0x39: {  	_ = 	snop;
	(pc) =	sbr.ind lr, $3  }
0x3a: {  	_ = 	snop  }
0x3b: {  	_ = 	snop  }
0x3c: {  	p2 =	seq.s32 s10, $0x1;
	s10 =	sld [smem:$0x3FB8]  }
0x3d: {  	_ =	shalt  }
0x3e: {  	_ =	shalt  }
0x3f: {  	_ =	shalt  }
0x40: {  	_ =	shalt  }
0x41: {  	_ =	shalt  }
0x42: {  	_ =	shalt  }
0x43: {  	_ =	shalt  }
0x44: {  	_ =	shalt  }
0x45: {  	_ =	shalt  }
0x46: {  	_ =	shalt  }
0x47: {  	_ =	shalt  }
0x48: {  	_ =	shalt  }
0x49: {  	_ =	shalt  }
0x4a: {  	_ =	shalt  }
0x4b: {  	_ =	shalt  }
0x4c: {  	_ =	shalt  }
0x4d: {  	_ =	shalt  }
0x4e: {  	_ =	shalt  }
0x4f: {  	_ =	shalt  }
0x50: {  	_ =	shalt  }
0x51: {  	_ =	shalt  }
0x52: {  	_ =	shalt  }
0x53: {  	_ =	shalt  }
0x54: {  	_ =	shalt  }
0x55: {  	_ =	shalt  }
0x56: {  	_ =	shalt  }
0x57: {  	_ =	shalt  }
0x58: {  	_ =	shalt  }
0x59: {  	_ =	shalt  }
0x5a: {  	_ =	shalt  }
0x5b: {  	_ =	shalt  }
0x5c: {  	_ =	shalt  }
0x5d: {  	_ =	shalt  }
0x5e: {  	_ =	shalt  }
0x5f: {  	_ =	shalt  }
0x60: {  	_ =	shalt  }
0x61: {  	_ =	shalt  }
0x62: {  	_ =	shalt  }
0x63: {  	_ =	shalt  }
0x64: {  	_ =	shalt  }
0x65: {  	_ =	shalt  }
0x66: {  	_ =	shalt  }
0x67: {  	_ =	shalt  }
0x68: {  	_ =	shalt  }
0x69: {  	_ =	shalt  }
0x6a: {  	_ =	shalt  }
0x6b: {  	_ =	shalt  }
0x6c: {  	_ =	shalt  }
0x6d: {  	_ =	shalt  }
0x6e: {  	_ =	shalt  }
0x6f: {  	_ =	shalt  }
0x70: {  	_ =	shalt  }
0x71: {  	_ =	shalt  }
0x72: {  	_ =	shalt  }
0x73: {  	_ =	shalt  }
0x74: {  	_ =	shalt  }
0x75: {  	_ =	shalt  }
0x76: {  	_ =	shalt  }
0x77: {  	_ =	shalt  }
0x78: {  	_ =	shalt  }
0x79: {  	_ =	shalt  }
0x7a: {  	_ =	shalt  }
0x7b: {  	_ =	shalt  }
0x7c: {  	_ =	shalt  }
0x7d: {  	_ =	shalt  }
0x7e: {  	_ =	shalt  }
0x7f: {  	_ =	shalt  }
0x80: {  	_ =	shalt  }
0x81: {  	_ =	shalt  }
0x82: {  	_ =	shalt  }
0x83: {  	_ =	shalt  }
0x84: {  	_ =	shalt  }
0x85: {  	_ =	shalt  }
0x86: {  	_ =	shalt  }
0x87: {  	_ =	shalt  }
.Lfunc_end0:
.L_simem_size_0:
called_computation_lowered:
.L_overlay_start_0:
0x88: {  	s2 =	sld [smem:$0x3FD9]  }
0x89: {  	s3 =	sld [smem:$0x3FFE];
	_ =	sdelay $0x1  }
0x8a: {  	s1 =	srdreg.scid  }
0x8b: {  	s0 =	sand.u32 $0x1, s1  }
0x8c: {  	s18 =	sshll.u32 s0, $0xA;
	s2 =	sadd.s32 s3, s2  }
0x8d: {  	s2 =	sadd.s32 s2, s18  }
0x8e: {  	[smem:$0x3FC4] =	sst s2  }
0x8f: {  	_ = 	snop  }
0x90: {  	s2 =	sld [smem:$0x3FC9]  }
0x91: {  	s19 =	sld [smem:$0x3FC8]  }
0x92: {  	s4 =	sld [smem:$0x3FC7]  }
0x93: {  	s5 =	sld [smem:$0x3FC6]  }
0x94: {  	s6 =	sld [smem:$0x3FD0];
	(tm) =	ssettm $0x1  }
0x95: {  	s7 =	sld [smem:$0x3FFB];
	_ =	sdelay $0x3  }
0x96: {  	_ =	strace s7  }
0x97: {  	s7 =	sld [smem:$0x3FFC];
	_ =	sdelay $0x3  }
0x98: {  	_ =	strace s7  }
0x99: {  	s7 =	sld [smem:$0x3FFD];
	_ =	sdelay $0x3  }
0x9a: {  	_ =	strace s7  }
0x9b: {  	_ =	strace $0x8FFFFFFF  }
0x9c: {  	s20 =	sld [smem:$0x3FDB];
	_ =	sdelay $0x1  }
0x9d: {  	s8 =	simm.s32 $_scs_section_size  }
0x9e: {  	s9 =	simm.s32 $_size__tile_overlayer_lowered;
	s10 =	simm.s32 $_tile_overlayer_lowered  }
0x9f: {  	s23 =	simm.s32 $0x1BFF;
	s22 =	sshll.u32 s10, $0x1;
	s7 =	sadd.s32 s8, s20  }
0xa0: {  	s11 =	simm.s32 $0x0;
	s21 =	sshll.u32 s9, $0x1;
	s9 =	sadd.s32 s22, s7  }
0xa1: {  	[timem:s11], [sflag:s23] =	dma.local [hbm:s9], s21  }
0xa2: {  	_ =	swait.ge [sflag:s23], s21  }
0xa3: {  	s8 =	ssub.s32 $0x0, s21;
	[sflag:s23] =	ssyncset.done $0x0  }
0xa4: {  	[sflag:s23] =	ssyncadd.s32 s8;
	_ =	sdelay $0x1  }
0xa5: {  	s24 =	simm.s32 $0x1B8B  }
0xa6: {  	_ =	swait.ge [sflag:s24], $0x1  }
0xa7: {  	[sflag:s24] =	ssyncset.done $0x0  }
0xa8: {  	s25 =	simm.s32 $0x1B8E;
	[sflag:s24] =	ssyncadd.s32 $0xFFFFFFFF  }
0xa9: {  	s26 =	simm.s32 $execute0_lowered;
	[smem:$0x3FD2] =	sst s25  }
0xaa: {  	s8 =	sshll.u32 s26, $0x1;
	_ =	strace $0x80000046;
	[dreg:$0x1] =	wrdreg $0xFFFFFFFF  }
0xab: {  	s28 =	simm.s32 $_size_execute0_lowered;
	s7 =	sadd.s32 s7, s8;
	[dreg:$0x0] =	wrdreg $0x0  }
0xac: {  	s8 =	sshll.u32 s28, $0x1;
	[dreg:$0x2] =	wrdreg s7  }
0xad: {  	[dreg:$0x3] =	wrdreg s8  }
0xae: {  	[dreg:$0x4] =	wrdreg $0xC0  }
0xaf: {  	_ =	task [dreg:s11], $0x5FFFF  }
0xb0: {  	[dreg:$0x1] =	wrdreg $0xFFFFFFFF  }
0xb1: {  	[dreg:$0x0] =	wrdreg $0x60  }
0xb2: {  	[dreg:$0x2] =	wrdreg s2  }
0xb3: {  	[dreg:$0x3] =	wrdreg s19  }
0xb4: {  	[dreg:$0x4] =	wrdreg s4  }
0xb5: {  	[dreg:$0x5] =	wrdreg s5  }
0xb6: {  	[dreg:$0x6] =	wrdreg s6  }
0xb7: {  	[dreg:$0x7] =	wrdreg $0x9  }
0xb8: {  	_ =	task.clear_ibuf [dreg:s11], $0x8FFFF;
	_ =	strace $0x90000046  }
0xb9: {  	s29 =	simm.s32 $0x9;
	_ =	strace $0x80000048  }
0xba: {  	_ =	swait.ge [sflag:s29], $0x1  }
0xbb: {  	[sflag:s29] =	ssyncadd.s32 $0xFFFFFFFF  }
0xbc: {  	_ =	strace $0x90000048  }
0xbd: {  	_ =	sfence  }
0xbe: {  	s30 =	sld [smem:$0x0];
	_ =	sdelay $0x2  }
0xbf: {  	s31 =	sshll.u32 s1, $0xD;
	s1 =	sshrl.u32 s1, $0x2  }
0xc0: {  	s3 =	sand.u32 $0x4000, s31;
	s1 =	sadd.s32 s1, s30  }
0xc1: {  	s0 =	sor.u32 s3, s0;
	s1 =	sshll.u32 s1, $0x11  }
0xc2: {  	s0 =	sor.u32 s1, s0  }
0xc3: {  	s0 =	sadd.s32 $0x8F2B, s0  }
0xc4: {  	[sflag:s0] =	ssyncadd.remote.s32 $0x1  }
0xc5: {  	_ =	sfence.sel $0xFFFF  }
0xc6: {  	[dreg:$0x0] =	wrdreg $0xFFFFFFFF;
	(pc) =	sbr.abs _section_cstart, $3  }
0xc7: {  	[dreg:$0x1] =	wrdreg $0xFFFFFFFF  }
0xc8: {  	_ =	task.clear_ibuf [dreg:s11], $0x2FFFF;
	_ =	strace $0x9FFFFFFF  }
0xc9: {  	(tm) =	ssettm $0x7FFFFFFF  }
tec
execute0_lowered:
.L_overlay_start_1:
0x0: {  	(tag) =	ssettag $0x1  }
0x1: {  	s1 =	rddreg [dreg:$0x0]  }
0x2: {  	s0 =	rddreg [dreg:$0x1]  }
0x3: {  	s3 =	rddreg [dreg:$0x2];
	s2 =	srdreg.scid  }
0x4: {  	s4 =	rddreg [dreg:$0x4];
	s5 =	stileid.u32;
	s10 =	simm.s32 $0x3  }
0x5: {  	s11 =	simm.s32 $0x200;
	s13 =	simm.s32 $0x80;
	s18 =	simm.s32 $0x8480  }
0x6: {  	s19 =	simm.s32 $0x4500;
	s20 =	simm.s32 $0x8500;
	s21 =	simm.s32 $0x4580  }
0x7: {  	s22 =	simm.s32 $0x8580;
	s23 =	simm.s32 $0x4600;
	s24 =	simm.s32 $0x8600  }
0x8: {  	s28 =	simm.s32 $0x4700;
	s29 =	simm.s32 $0x8700;
	s30 =	simm.s32 $0x4780  }
0x9: {  	s31 =	simm.s32 $0x8780;
	s12 =	simm.s32 $0x0;
	s2 =	sand.u32 $0x1, s2  }
0xa: {  	s6 =	sshll.u32 s5, $0x7;
	s5 =	simm.s32 $0x0;
	s7 =	sshll.u32 s2, $0x6  }
0xb: {  	s2 =	ssub.s32 $0x2, s2;
	[smem:$0x7FF] =	sst s5;
	s8 =	sor.u32 s7, s6  }
0xc: {  	s25 =	sshrl.u32 s2, $0x1;
	_ =	strace $0x80000047;
	s6 =	sadd.s32 s1, s8  }
0xd: {  	s26 =	ssub.s32 s2, s25;
	s8 =	sadd.s32 s4, s8;
	s25 =	simm.s32 $0x4680  }
0xe: {  	s1 =	simm.s32 $0x1;
	s2 =	simm.s32 $0x2;
	s4 =	simm.s32 $0x8C00  }
0xf: {  	s7 =	sadd.s32 $0x800, s6;
	s9 =	smax.u32 s26, $0x1;
	s26 =	simm.s32 $0x8680  }
.LBB2_1:
0x10: {  	[tilespmem:s5], [sflag:$0x3] =	stream.linear.gather [hbm4b:s6+s5], $0x200, $0x38;
	[tilespmem:$0x8E10] =	vst v63  }
0x11: {  	_ =	swait.ge [sflag:s10], $0x200  }
0x12: {  	[sflag:s10] =	ssyncset.done $0x0  }
0x13: {  	[sflag:s10] =	ssyncadd.s32 $0xFFFFFE00  }
0x14: {  	[tilespmem:s11], [sflag:$0x3] =	stream.linear.gather [hbm4b:s7+s5], $0x200, $0x38;
	[tilespmem:$0x8E10] =	vst v63  }
0x15: {  	_ =	swait.ge [sflag:s10], $0x200  }
0x16: {  	[sflag:s10] =	ssyncset.done $0x0  }
0x17: {  	[sflag:s10] =	ssyncadd.s32 $0xFFFFFE00  }
0x18: {  	s15 =	simm.s32 $0x8E00;
	s14 =	rddreg [dreg:$0x3]  }
0x19: {  	[tilespmem:s15], [sflag:$0x3] =	stream.linear.gather [hbm4b:s14+s5], $0x10, $0x38;
	[tilespmem:$0x8E10] =	vst v63  }
0x1a: {  	_ =	swait.ge [sflag:s10], $0x10  }
0x1b: {  	[sflag:s10] =	ssyncset.done $0x0  }
0x1c: {  	s16 =	simm.s32 $0x8800;
	[sflag:s10] =	ssyncadd.s32 $0xFFFFFFF0  }
0x1d: {  	[tilespmem:s16], [sflag:$0x2] =	stream.indirect.gather [hbm4b:s3+s13], $0x1, s5, s13, $0xb8;
	[tilespmem:$0x8E10] =	vst v63  }
0x1e: {  	s17 =	simm.s32 $0x8A00  }
0x1f: {  	[tilespmem:s17], [sflag:$0x2] =	stream.indirect.gather [hbm4b:s3+s13], $0x1, s11, s13, $0xb8;
	[tilespmem:$0x8E10] =	vst v63  }
0x20: {  	s15 =	simm.s32 $0x8880  }
0x21: {  	[tilespmem:s15], [sflag:$0x2] =	stream.indirect.gather [hbm4b:s3+s13], $0x1, s13, s13, $0xb8;
	[tilespmem:$0x8E10] =	vst v63  }
0x22: {  	s16 =	simm.s32 $0x280;
	s17 =	simm.s32 $0x8A80  }
0x23: {  	[tilespmem:s17], [sflag:$0x2] =	stream.indirect.gather [hbm4b:s3+s13], $0x1, s16, s13, $0xb8;
	[tilespmem:$0x8E10] =	vst v63  }
0x24: {  	s16 =	simm.s32 $0x100;
	s17 =	simm.s32 $0x8900  }
0x25: {  	[tilespmem:s17], [sflag:$0x2] =	stream.indirect.gather [hbm4b:s3+s13], $0x1, s16, s13, $0xb8;
	[tilespmem:$0x8E10] =	vst v63  }
0x26: {  	s16 =	simm.s32 $0x300;
	s17 =	simm.s32 $0x8B00  }
0x27: {  	[tilespmem:s17], [sflag:$0x2] =	stream.indirect.gather [hbm4b:s3+s13], $0x1, s16, s13, $0xb8;
	[tilespmem:$0x8E10] =	vst v63  }
0x28: {  	s16 =	simm.s32 $0x180;
	s17 =	simm.s32 $0x8980  }
0x29: {  	[tilespmem:s17], [sflag:$0x2] =	stream.indirect.gather [hbm4b:s3+s13], $0x1, s16, s13, $0xb8;
	[tilespmem:$0x8E10] =	vst v63  }
0x2a: {  	s14 =	simm.s32 $0x0;
	s16 =	simm.s32 $0x380;
	s17 =	simm.s32 $0x8B80  }
0x2b: {  	[tilespmem:s17], [sflag:$0x2] =	stream.indirect.gather [hbm4b:s3+s13], $0x1, s16, s13, $0xb8;
	[tilespmem:$0x8E10] =	vst v63  }
0x2c: {  	s15 =	simm.s32 $0x40;
	v0 =	vld [tilespmem:s14+$0x0]  }
.LBB2_2:
0x2d: {  	_ =	sdelay $0x1  }
0x2e: {  	p0 =	sne.s32 s15, $0x7C0  }
.Ltmp0:
0x2f: {  	_ = 	snop;
	(pc) =	sbr.rel @p0 .LBB2_2-.Ltmp0, $4  }
0x30: {  	v1 =	vshll.u32 v0, $0x3  }
0x31: {  	v2 =	vand.u32 $0x7F, v0;
	v1 =	vand.u32 $0xFFFFFC00, v1  }
0x32: {  	s16 =	sshra.s32 s15, $0x2;
	v1 =	vor.u32 v2, v1  }
0x33: {  	s15 =	sadd.s32 $0x40, s15;
	v0 =	vld [tilespmem:s16+$0x0];
	[tilespmem:s14+$0x400] =	vst v1;
	s14 =	smov.u32 s16  }
0x34: {  	_ =	sdelay $0x3  }
0x35: {  	v1 =	vshll.u32 v0, $0x3  }
0x36: {  	v0 =	vand.u32 $0x7F, v0;
	v1 =	vand.u32 $0xFFFFFC00, v1  }
0x37: {  	v0 =	vor.u32 v0, v1  }
0x38: {  	[tilespmem:s14+$0x400] =	vst v0;
	s14 =	simm.s32 $0x0  }
0x39: {  	s16 =	simm.s32 $0x40;
	s15 =	simm.s32 $0x0;
	v0 =	vld [tilespmem:s14+$0x200]  }
.LBB2_4:
0x3a: {  	_ =	sdelay $0x1  }
0x3b: {  	p0 =	sne.s32 s16, $0x7C0  }
.Ltmp1:
0x3c: {  	_ = 	snop;
	(pc) =	sbr.rel @p0 .LBB2_4-.Ltmp1, $4  }
0x3d: {  	v1 =	vshll.u32 v0, $0x3  }
0x3e: {  	v2 =	vand.u32 $0x7F, v0;
	v1 =	vand.u32 $0xFFFFFC00, v1  }
0x3f: {  	s17 =	sshra.s32 s16, $0x2;
	v1 =	vor.u32 v2, v1  }
0x40: {  	s16 =	sadd.s32 $0x40, s16;
	v0 =	vld [tilespmem:s17+$0x200];
	[tilespmem:s15+$0x600] =	vst v1;
	s15 =	smov.u32 s17  }
0x41: {  	_ =	sdelay $0x3  }
0x42: {  	v1 =	vshll.u32 v0, $0x3  }
0x43: {  	v0 =	vand.u32 $0x7F, v0;
	v1 =	vand.u32 $0xFFFFFC00, v1  }
0x44: {  	v0 =	vor.u32 v0, v1  }
0x45: {  	[tilespmem:s15+$0x600] =	vst v0  }
0x46: {  	s15 =	simm.s32 $0x40;
	v0 =	vld [tilespmem:s14+$0x400]  }
.LBB2_6:
0x47: {  	p0 =	sne.s32 s15, $0xFC0  }
.Ltmp2:
0x48: {  	_ = 	snop;
	(pc) =	sbr.rel @p0 .LBB2_6-.Ltmp2, $3  }
0x49: {  	_ =	sdelay $0x1  }
0x4a: {  	[tilespmem:s14+$0x800] =	vst v0;
	s14 =	sshra.s32 s15, $0x2;
	s15 =	sadd.s32 $0x40, s15  }
0x4b: {  	v0 =	vld [tilespmem:s14+$0x400]  }
0x4c: {  	_ =	sdelay $0x3  }
0x4d: {  	s17 =	simm.s32 $0x800;
	s15 =	simm.s32 $0x4800;
	[tilespmem:s14+$0x800] =	vst v0  }
0x4e: {  	[tilespmem:s15], [sflag:$0x1] =	stream.indirect.gather [hbm4b:s0+s13], $0x1, s17, s13, $0xb8;
	[tilespmem:$0x8E10] =	vst v63  }
0x4f: {  	s16 =	simm.s32 $0x880;
	s17 =	simm.s32 $0x4880  }
0x50: {  	[tilespmem:s17], [sflag:$0x1] =	stream.indirect.gather [hbm4b:s0+s13], $0x1, s16, s13, $0xb8;
	[tilespmem:$0x8E10] =	vst v63  }
0x51: {  	s16 =	simm.s32 $0x900;
	s17 =	simm.s32 $0x4900  }
0x52: {  	[tilespmem:s17], [sflag:$0x1] =	stream.indirect.gather [hbm4b:s0+s13], $0x1, s16, s13, $0xb8;
	[tilespmem:$0x8E10] =	vst v63  }
0x53: {  	s16 =	simm.s32 $0x980;
	s17 =	simm.s32 $0x4980  }
0x54: {  	[tilespmem:s17], [sflag:$0x1] =	stream.indirect.gather [hbm4b:s0+s13], $0x1, s16, s13, $0xb8;
	[tilespmem:$0x8E10] =	vst v63  }
0x55: {  	s16 =	simm.s32 $0xA00;
	s17 =	simm.s32 $0x4A00  }
0x56: {  	[tilespmem:s17], [sflag:$0x1] =	stream.indirect.gather [hbm4b:s0+s13], $0x1, s16, s13, $0xb8;
	[tilespmem:$0x8E10] =	vst v63  }
0x57: {  	s16 =	simm.s32 $0xA80;
	s17 =	simm.s32 $0x4A80  }
0x58: {  	[tilespmem:s17], [sflag:$0x1] =	stream.indirect.gather [hbm4b:s0+s13], $0x1, s16, s13, $0xb8;
	[tilespmem:$0x8E10] =	vst v63  }
0x59: {  	s16 =	simm.s32 $0xB00;
	s17 =	simm.s32 $0x4B00  }
0x5a: {  	[tilespmem:s17], [sflag:$0x1] =	stream.indirect.gather [hbm4b:s0+s13], $0x1, s16, s13, $0xb8;
	[tilespmem:$0x8E10] =	vst v63  }
0x5b: {  	s14 =	simm.s32 $0x0;
	s16 =	simm.s32 $0xB80;
	s17 =	simm.s32 $0x4B80  }
0x5c: {  	[tilespmem:s17], [sflag:$0x1] =	stream.indirect.gather [hbm4b:s0+s13], $0x1, s16, s13, $0xb8;
	[tilespmem:$0x8E10] =	vst v63  }
0x5d: {  	s15 =	simm.s32 $0x40;
	v0 =	vld [tilespmem:s14+$0x400]  }
.LBB2_8:
0x5e: {  	p0 =	sne.s32 s15, $0xFC0  }
.Ltmp3:
0x5f: {  	_ = 	snop;
	(pc) =	sbr.rel @p0 .LBB2_8-.Ltmp3, $3  }
0x60: {  	_ =	sdelay $0x1  }
0x61: {  	s16 =	sshra.s32 s15, $0x2;
	s15 =	sadd.s32 $0x40, s15;
	v1 =	vadd.s32 $0x80, v0  }
0x62: {  	v0 =	vld [tilespmem:s16+$0x400];
	[tilespmem:s14+$0xC00] =	vst v1;
	s14 =	smov.u32 s16  }
0x63: {  	_ =	sdelay $0x3  }
0x64: {  	v0 =	vadd.s32 $0x80, v0  }
0x65: {  	s17 =	simm.s32 $0xC00;
	s15 =	simm.s32 $0x4C00;
	[tilespmem:s14+$0xC00] =	vst v0  }
0x66: {  	[tilespmem:s15], [sflag:$0x1] =	stream.indirect.gather [hbm4b:s0+s13], $0x1, s17, s13, $0xb8;
	[tilespmem:$0x8E10] =	vst v63  }
0x67: {  	s16 =	simm.s32 $0xC80;
	s17 =	simm.s32 $0x4C80  }
0x68: {  	[tilespmem:s17], [sflag:$0x1] =	stream.indirect.gather [hbm4b:s0+s13], $0x1, s16, s13, $0xb8;
	[tilespmem:$0x8E10] =	vst v63  }
0x69: {  	s16 =	simm.s32 $0xD00;
	s17 =	simm.s32 $0x4D00  }
0x6a: {  	[tilespmem:s17], [sflag:$0x1] =	stream.indirect.gather [hbm4b:s0+s13], $0x1, s16, s13, $0xb8;
	[tilespmem:$0x8E10] =	vst v63  }
0x6b: {  	s16 =	simm.s32 $0xD80;
	s17 =	simm.s32 $0x4D80  }
0x6c: {  	[tilespmem:s17], [sflag:$0x1] =	stream.indirect.gather [hbm4b:s0+s13], $0x1, s16, s13, $0xb8;
	[tilespmem:$0x8E10] =	vst v63  }
0x6d: {  	s16 =	simm.s32 $0xE00;
	s17 =	simm.s32 $0x4E00  }
0x6e: {  	[tilespmem:s17], [sflag:$0x1] =	stream.indirect.gather [hbm4b:s0+s13], $0x1, s16, s13, $0xb8;
	[tilespmem:$0x8E10] =	vst v63  }
0x6f: {  	s16 =	simm.s32 $0xE80;
	s17 =	simm.s32 $0x4E80  }
0x70: {  	[tilespmem:s17], [sflag:$0x1] =	stream.indirect.gather [hbm4b:s0+s13], $0x1, s16, s13, $0xb8;
	[tilespmem:$0x8E10] =	vst v63  }
0x71: {  	s16 =	simm.s32 $0xF00;
	s17 =	simm.s32 $0x4F00  }
0x72: {  	[tilespmem:s17], [sflag:$0x1] =	stream.indirect.gather [hbm4b:s0+s13], $0x1, s16, s13, $0xb8;
	[tilespmem:$0x8E10] =	vst v63  }
0x73: {  	s14 =	simm.s32 $0x0;
	s16 =	simm.s32 $0xF80;
	s17 =	simm.s32 $0x4F80  }
0x74: {  	[tilespmem:s17], [sflag:$0x1] =	stream.indirect.gather [hbm4b:s0+s13], $0x1, s16, s13, $0xb8;
	[tilespmem:$0x8E10] =	vst v63  }
0x75: {  	s15 =	simm.s32 $0x40;
	v0 =	vld [tilespmem:s14+$0x400]  }
.LBB2_10:
0x76: {  	p0 =	sne.s32 s15, $0xFC0  }
.Ltmp4:
0x77: {  	_ = 	snop;
	(pc) =	sbr.rel @p0 .LBB2_10-.Ltmp4, $3  }
0x78: {  	_ =	sdelay $0x1  }
0x79: {  	s16 =	sshra.s32 s15, $0x2;
	s15 =	sadd.s32 $0x40, s15;
	v1 =	vadd.s32 $0x100, v0  }
0x7a: {  	v0 =	vld [tilespmem:s16+$0x400];
	[tilespmem:s14+$0x1000] =	vst v1;
	s14 =	smov.u32 s16  }
0x7b: {  	_ =	sdelay $0x3  }
0x7c: {  	v0 =	vadd.s32 $0x100, v0  }
0x7d: {  	s17 =	simm.s32 $0x1000;
	s15 =	simm.s32 $0x5000;
	[tilespmem:s14+$0x1000] =	vst v0  }
0x7e: {  	[tilespmem:s15], [sflag:$0x1] =	stream.indirect.gather [hbm4b:s0+s13], $0x1, s17, s13, $0xb8;
	[tilespmem:$0x8E10] =	vst v63  }
0x7f: {  	s16 =	simm.s32 $0x1080;
	s17 =	simm.s32 $0x5080  }
0x80: {  	[tilespmem:s17], [sflag:$0x1] =	stream.indirect.gather [hbm4b:s0+s13], $0x1, s16, s13, $0xb8;
	[tilespmem:$0x8E10] =	vst v63  }
0x81: {  	s16 =	simm.s32 $0x1100;
	s17 =	simm.s32 $0x5100  }
0x82: {  	[tilespmem:s17], [sflag:$0x1] =	stream.indirect.gather [hbm4b:s0+s13], $0x1, s16, s13, $0xb8;
	[tilespmem:$0x8E10] =	vst v63  }
0x83: {  	s16 =	simm.s32 $0x1180;
	s17 =	simm.s32 $0x5180  }
0x84: {  	[tilespmem:s17], [sflag:$0x1] =	stream.indirect.gather [hbm4b:s0+s13], $0x1, s16, s13, $0xb8;
	[tilespmem:$0x8E10] =	vst v63  }
0x85: {  	s16 =	simm.s32 $0x1200;
	s17 =	simm.s32 $0x5200  }
0x86: {  	[tilespmem:s17], [sflag:$0x1] =	stream.indirect.gather [hbm4b:s0+s13], $0x1, s16, s13, $0xb8;
	[tilespmem:$0x8E10] =	vst v63  }
0x87: {  	s16 =	simm.s32 $0x1280;
	s17 =	simm.s32 $0x5280  }
0x88: {  	[tilespmem:s17], [sflag:$0x1] =	stream.indirect.gather [hbm4b:s0+s13], $0x1, s16, s13, $0xb8;
	[tilespmem:$0x8E10] =	vst v63  }
0x89: {  	s16 =	simm.s32 $0x1300;
	s17 =	simm.s32 $0x5300  }
0x8a: {  	[tilespmem:s17], [sflag:$0x1] =	stream.indirect.gather [hbm4b:s0+s13], $0x1, s16, s13, $0xb8;
	[tilespmem:$0x8E10] =	vst v63  }
0x8b: {  	s14 =	simm.s32 $0x0;
	s16 =	simm.s32 $0x1380;
	s17 =	simm.s32 $0x5380  }
0x8c: {  	[tilespmem:s17], [sflag:$0x1] =	stream.indirect.gather [hbm4b:s0+s13], $0x1, s16, s13, $0xb8;
	[tilespmem:$0x8E10] =	vst v63  }
0x8d: {  	s15 =	simm.s32 $0x40;
	v0 =	vld [tilespmem:s14+$0x400]  }
.LBB2_12:
0x8e: {  	p0 =	sne.s32 s15, $0xFC0  }
.Ltmp5:
0x8f: {  	_ = 	snop;
	(pc) =	sbr.rel @p0 .LBB2_12-.Ltmp5, $3  }
0x90: {  	_ =	sdelay $0x1  }
0x91: {  	s16 =	sshra.s32 s15, $0x2;
	s15 =	sadd.s32 $0x40, s15;
	v1 =	vadd.s32 $0x180, v0  }
0x92: {  	v0 =	vld [tilespmem:s16+$0x400];
	[tilespmem:s14+$0x1400] =	vst v1;
	s14 =	smov.u32 s16  }
0x93: {  	_ =	sdelay $0x3  }
0x94: {  	v0 =	vadd.s32 $0x180, v0  }
0x95: {  	s17 =	simm.s32 $0x1400;
	s15 =	simm.s32 $0x5400;
	[tilespmem:s14+$0x1400] =	vst v0  }
0x96: {  	[tilespmem:s15], [sflag:$0x1] =	stream.indirect.gather [hbm4b:s0+s13], $0x1, s17, s13, $0xb8;
	[tilespmem:$0x8E10] =	vst v63  }
0x97: {  	s16 =	simm.s32 $0x1480;
	s17 =	simm.s32 $0x5480  }
0x98: {  	[tilespmem:s17], [sflag:$0x1] =	stream.indirect.gather [hbm4b:s0+s13], $0x1, s16, s13, $0xb8;
	[tilespmem:$0x8E10] =	vst v63  }
0x99: {  	s16 =	simm.s32 $0x1500;
	s17 =	simm.s32 $0x5500  }
0x9a: {  	[tilespmem:s17], [sflag:$0x1] =	stream.indirect.gather [hbm4b:s0+s13], $0x1, s16, s13, $0xb8;
	[tilespmem:$0x8E10] =	vst v63  }
0x9b: {  	s16 =	simm.s32 $0x1580;
	s17 =	simm.s32 $0x5580  }
0x9c: {  	[tilespmem:s17], [sflag:$0x1] =	stream.indirect.gather [hbm4b:s0+s13], $0x1, s16, s13, $0xb8;
	[tilespmem:$0x8E10] =	vst v63  }
0x9d: {  	s16 =	simm.s32 $0x1600;
	s17 =	simm.s32 $0x5600  }
0x9e: {  	[tilespmem:s17], [sflag:$0x1] =	stream.indirect.gather [hbm4b:s0+s13], $0x1, s16, s13, $0xb8;
	[tilespmem:$0x8E10] =	vst v63  }
0x9f: {  	s16 =	simm.s32 $0x1680;
	s17 =	simm.s32 $0x5680  }
0xa0: {  	[tilespmem:s17], [sflag:$0x1] =	stream.indirect.gather [hbm4b:s0+s13], $0x1, s16, s13, $0xb8;
	[tilespmem:$0x8E10] =	vst v63  }
0xa1: {  	s16 =	simm.s32 $0x1700;
	s17 =	simm.s32 $0x5700  }
0xa2: {  	[tilespmem:s17], [sflag:$0x1] =	stream.indirect.gather [hbm4b:s0+s13], $0x1, s16, s13, $0xb8;
	[tilespmem:$0x8E10] =	vst v63  }
0xa3: {  	s14 =	simm.s32 $0x0;
	s16 =	simm.s32 $0x1780;
	s17 =	simm.s32 $0x5780  }
0xa4: {  	[tilespmem:s17], [sflag:$0x1] =	stream.indirect.gather [hbm4b:s0+s13], $0x1, s16, s13, $0xb8;
	[tilespmem:$0x8E10] =	vst v63  }
0xa5: {  	s15 =	simm.s32 $0x40;
	v0 =	vld [tilespmem:s14+$0x400]  }
.LBB2_14:
0xa6: {  	p0 =	sne.s32 s15, $0xFC0  }
.Ltmp6:
0xa7: {  	_ = 	snop;
	(pc) =	sbr.rel @p0 .LBB2_14-.Ltmp6, $3  }
0xa8: {  	_ =	sdelay $0x1  }
0xa9: {  	s16 =	sshra.s32 s15, $0x2;
	s15 =	sadd.s32 $0x40, s15;
	v1 =	vadd.s32 $0x200, v0  }
0xaa: {  	v0 =	vld [tilespmem:s16+$0x400];
	[tilespmem:s14+$0x1800] =	vst v1;
	s14 =	smov.u32 s16  }
0xab: {  	_ =	sdelay $0x3  }
0xac: {  	v0 =	vadd.s32 $0x200, v0  }
0xad: {  	s17 =	simm.s32 $0x1800;
	s15 =	simm.s32 $0x5800;
	[tilespmem:s14+$0x1800] =	vst v0  }
0xae: {  	[tilespmem:s15], [sflag:$0x1] =	stream.indirect.gather [hbm4b:s0+s13], $0x1, s17, s13, $0xb8;
	[tilespmem:$0x8E10] =	vst v63  }
0xaf: {  	s16 =	simm.s32 $0x1880;
	s17 =	simm.s32 $0x5880  }
0xb0: {  	[tilespmem:s17], [sflag:$0x1] =	stream.indirect.gather [hbm4b:s0+s13], $0x1, s16, s13, $0xb8;
	[tilespmem:$0x8E10] =	vst v63  }
0xb1: {  	s16 =	simm.s32 $0x1900;
	s17 =	simm.s32 $0x5900  }
0xb2: {  	[tilespmem:s17], [sflag:$0x1] =	stream.indirect.gather [hbm4b:s0+s13], $0x1, s16, s13, $0xb8;
	[tilespmem:$0x8E10] =	vst v63  }
0xb3: {  	s16 =	simm.s32 $0x1980;
	s17 =	simm.s32 $0x5980  }
0xb4: {  	[tilespmem:s17], [sflag:$0x1] =	stream.indirect.gather [hbm4b:s0+s13], $0x1, s16, s13, $0xb8;
	[tilespmem:$0x8E10] =	vst v63  }
0xb5: {  	s16 =	simm.s32 $0x1A00;
	s17 =	simm.s32 $0x5A00  }
0xb6: {  	[tilespmem:s17], [sflag:$0x1] =	stream.indirect.gather [hbm4b:s0+s13], $0x1, s16, s13, $0xb8;
	[tilespmem:$0x8E10] =	vst v63  }
0xb7: {  	s16 =	simm.s32 $0x1A80;
	s17 =	simm.s32 $0x5A80  }
0xb8: {  	[tilespmem:s17], [sflag:$0x1] =	stream.indirect.gather [hbm4b:s0+s13], $0x1, s16, s13, $0xb8;
	[tilespmem:$0x8E10] =	vst v63  }
0xb9: {  	s16 =	simm.s32 $0x1B00;
	s17 =	simm.s32 $0x5B00  }
0xba: {  	[tilespmem:s17], [sflag:$0x1] =	stream.indirect.gather [hbm4b:s0+s13], $0x1, s16, s13, $0xb8;
	[tilespmem:$0x8E10] =	vst v63  }
0xbb: {  	s14 =	simm.s32 $0x0;
	s16 =	simm.s32 $0x1B80;
	s17 =	simm.s32 $0x5B80  }
0xbc: {  	[tilespmem:s17], [sflag:$0x1] =	stream.indirect.gather [hbm4b:s0+s13], $0x1, s16, s13, $0xb8;
	[tilespmem:$0x8E10] =	vst v63  }
0xbd: {  	s15 =	simm.s32 $0x40;
	v0 =	vld [tilespmem:s14+$0x400]  }
.LBB2_16:
0xbe: {  	p0 =	sne.s32 s15, $0xFC0  }
.Ltmp7:
0xbf: {  	_ = 	snop;
	(pc) =	sbr.rel @p0 .LBB2_16-.Ltmp7, $3  }
0xc0: {  	_ =	sdelay $0x1  }
0xc1: {  	s16 =	sshra.s32 s15, $0x2;
	s15 =	sadd.s32 $0x40, s15;
	v1 =	vadd.s32 $0x280, v0  }
0xc2: {  	v0 =	vld [tilespmem:s16+$0x400];
	[tilespmem:s14+$0x1C00] =	vst v1;
	s14 =	smov.u32 s16  }
0xc3: {  	_ =	sdelay $0x3  }
0xc4: {  	v0 =	vadd.s32 $0x280, v0  }
0xc5: {  	s17 =	simm.s32 $0x1C00;
	s15 =	simm.s32 $0x5C00;
	[tilespmem:s14+$0x1C00] =	vst v0  }
0xc6: {  	[tilespmem:s15], [sflag:$0x1] =	stream.indirect.gather [hbm4b:s0+s13], $0x1, s17, s13, $0xb8;
	[tilespmem:$0x8E10] =	vst v63  }
0xc7: {  	s16 =	simm.s32 $0x1C80;
	s17 =	simm.s32 $0x5C80  }
0xc8: {  	[tilespmem:s17], [sflag:$0x1] =	stream.indirect.gather [hbm4b:s0+s13], $0x1, s16, s13, $0xb8;
	[tilespmem:$0x8E10] =	vst v63  }
0xc9: {  	s16 =	simm.s32 $0x1D00;
	s17 =	simm.s32 $0x5D00  }
0xca: {  	[tilespmem:s17], [sflag:$0x1] =	stream.indirect.gather [hbm4b:s0+s13], $0x1, s16, s13, $0xb8;
	[tilespmem:$0x8E10] =	vst v63  }
0xcb: {  	s16 =	simm.s32 $0x1D80;
	s17 =	simm.s32 $0x5D80  }
0xcc: {  	[tilespmem:s17], [sflag:$0x1] =	stream.indirect.gather [hbm4b:s0+s13], $0x1, s16, s13, $0xb8;
	[tilespmem:$0x8E10] =	vst v63  }
0xcd: {  	s16 =	simm.s32 $0x1E00;
	s17 =	simm.s32 $0x5E00  }
0xce: {  	[tilespmem:s17], [sflag:$0x1] =	stream.indirect.gather [hbm4b:s0+s13], $0x1, s16, s13, $0xb8;
	[tilespmem:$0x8E10] =	vst v63  }
0xcf: {  	s16 =	simm.s32 $0x1E80;
	s17 =	simm.s32 $0x5E80  }
0xd0: {  	[tilespmem:s17], [sflag:$0x1] =	stream.indirect.gather [hbm4b:s0+s13], $0x1, s16, s13, $0xb8;
	[tilespmem:$0x8E10] =	vst v63  }
0xd1: {  	s16 =	simm.s32 $0x1F00;
	s17 =	simm.s32 $0x5F00  }
0xd2: {  	[tilespmem:s17], [sflag:$0x1] =	stream.indirect.gather [hbm4b:s0+s13], $0x1, s16, s13, $0xb8;
	[tilespmem:$0x8E10] =	vst v63  }
0xd3: {  	s14 =	simm.s32 $0x0;
	s16 =	simm.s32 $0x1F80;
	s17 =	simm.s32 $0x5F80  }
0xd4: {  	[tilespmem:s17], [sflag:$0x1] =	stream.indirect.gather [hbm4b:s0+s13], $0x1, s16, s13, $0xb8;
	[tilespmem:$0x8E10] =	vst v63  }
0xd5: {  	s15 =	simm.s32 $0x40;
	v0 =	vld [tilespmem:s14+$0x400]  }
.LBB2_18:
0xd6: {  	p0 =	sne.s32 s15, $0xFC0  }
.Ltmp8:
0xd7: {  	_ = 	snop;
	(pc) =	sbr.rel @p0 .LBB2_18-.Ltmp8, $3  }
0xd8: {  	_ =	sdelay $0x1  }
0xd9: {  	s16 =	sshra.s32 s15, $0x2;
	s15 =	sadd.s32 $0x40, s15;
	v1 =	vadd.s32 $0x300, v0  }
0xda: {  	v0 =	vld [tilespmem:s16+$0x400];
	[tilespmem:s14+$0x2000] =	vst v1;
	s14 =	smov.u32 s16  }
0xdb: {  	_ =	sdelay $0x3  }
0xdc: {  	v0 =	vadd.s32 $0x300, v0  }
0xdd: {  	s17 =	simm.s32 $0x2000;
	s15 =	simm.s32 $0x6000;
	[tilespmem:s14+$0x2000] =	vst v0  }
0xde: {  	[tilespmem:s15], [sflag:$0x1] =	stream.indirect.gather [hbm4b:s0+s13], $0x1, s17, s13, $0xb8;
	[tilespmem:$0x8E10] =	vst v63  }
0xdf: {  	s16 =	simm.s32 $0x2080;
	s17 =	simm.s32 $0x6080  }
0xe0: {  	[tilespmem:s17], [sflag:$0x1] =	stream.indirect.gather [hbm4b:s0+s13], $0x1, s16, s13, $0xb8;
	[tilespmem:$0x8E10] =	vst v63  }
0xe1: {  	s16 =	simm.s32 $0x2100;
	s17 =	simm.s32 $0x6100  }
0xe2: {  	[tilespmem:s17], [sflag:$0x1] =	stream.indirect.gather [hbm4b:s0+s13], $0x1, s16, s13, $0xb8;
	[tilespmem:$0x8E10] =	vst v63  }
0xe3: {  	s16 =	simm.s32 $0x2180;
	s17 =	simm.s32 $0x6180  }
0xe4: {  	[tilespmem:s17], [sflag:$0x1] =	stream.indirect.gather [hbm4b:s0+s13], $0x1, s16, s13, $0xb8;
	[tilespmem:$0x8E10] =	vst v63  }
0xe5: {  	s16 =	simm.s32 $0x2200;
	s17 =	simm.s32 $0x6200  }
0xe6: {  	[tilespmem:s17], [sflag:$0x1] =	stream.indirect.gather [hbm4b:s0+s13], $0x1, s16, s13, $0xb8;
	[tilespmem:$0x8E10] =	vst v63  }
0xe7: {  	s16 =	simm.s32 $0x2280;
	s17 =	simm.s32 $0x6280  }
0xe8: {  	[tilespmem:s17], [sflag:$0x1] =	stream.indirect.gather [hbm4b:s0+s13], $0x1, s16, s13, $0xb8;
	[tilespmem:$0x8E10] =	vst v63  }
0xe9: {  	s16 =	simm.s32 $0x2300;
	s17 =	simm.s32 $0x6300  }
0xea: {  	[tilespmem:s17], [sflag:$0x1] =	stream.indirect.gather [hbm4b:s0+s13], $0x1, s16, s13, $0xb8;
	[tilespmem:$0x8E10] =	vst v63  }
0xeb: {  	s14 =	simm.s32 $0x0;
	s16 =	simm.s32 $0x2380;
	s17 =	simm.s32 $0x6380  }
0xec: {  	[tilespmem:s17], [sflag:$0x1] =	stream.indirect.gather [hbm4b:s0+s13], $0x1, s16, s13, $0xb8;
	[tilespmem:$0x8E10] =	vst v63  }
0xed: {  	s15 =	simm.s32 $0x40;
	v0 =	vld [tilespmem:s14+$0x400]  }
.LBB2_20:
0xee: {  	p0 =	sne.s32 s15, $0xFC0  }
.Ltmp9:
0xef: {  	_ = 	snop;
	(pc) =	sbr.rel @p0 .LBB2_20-.Ltmp9, $3  }
0xf0: {  	_ =	sdelay $0x1  }
0xf1: {  	s16 =	sshra.s32 s15, $0x2;
	s15 =	sadd.s32 $0x40, s15;
	v1 =	vadd.s32 $0x380, v0  }
0xf2: {  	v0 =	vld [tilespmem:s16+$0x400];
	[tilespmem:s14+$0x2400] =	vst v1;
	s14 =	smov.u32 s16  }
0xf3: {  	_ =	sdelay $0x3  }
0xf4: {  	v0 =	vadd.s32 $0x380, v0  }
0xf5: {  	s17 =	simm.s32 $0x2400;
	s15 =	simm.s32 $0x6400;
	[tilespmem:s14+$0x2400] =	vst v0  }
0xf6: {  	[tilespmem:s15], [sflag:$0x1] =	stream.indirect.gather [hbm4b:s0+s13], $0x1, s17, s13, $0xb8;
	[tilespmem:$0x8E10] =	vst v63  }
0xf7: {  	s16 =	simm.s32 $0x2480;
	s17 =	simm.s32 $0x6480  }
0xf8: {  	[tilespmem:s17], [sflag:$0x1] =	stream.indirect.gather [hbm4b:s0+s13], $0x1, s16, s13, $0xb8;
	[tilespmem:$0x8E10] =	vst v63  }
0xf9: {  	s16 =	simm.s32 $0x2500;
	s17 =	simm.s32 $0x6500  }
0xfa: {  	[tilespmem:s17], [sflag:$0x1] =	stream.indirect.gather [hbm4b:s0+s13], $0x1, s16, s13, $0xb8;
	[tilespmem:$0x8E10] =	vst v63  }
0xfb: {  	s16 =	simm.s32 $0x2580;
	s17 =	simm.s32 $0x6580  }
0xfc: {  	[tilespmem:s17], [sflag:$0x1] =	stream.indirect.gather [hbm4b:s0+s13], $0x1, s16, s13, $0xb8;
	[tilespmem:$0x8E10] =	vst v63  }
0xfd: {  	s16 =	simm.s32 $0x2600;
	s17 =	simm.s32 $0x6600  }
0xfe: {  	[tilespmem:s17], [sflag:$0x1] =	stream.indirect.gather [hbm4b:s0+s13], $0x1, s16, s13, $0xb8;
	[tilespmem:$0x8E10] =	vst v63  }
0xff: {  	s16 =	simm.s32 $0x2680;
	s17 =	simm.s32 $0x6680  }
0x100: {  	[tilespmem:s17], [sflag:$0x1] =	stream.indirect.gather [hbm4b:s0+s13], $0x1, s16, s13, $0xb8;
	[tilespmem:$0x8E10] =	vst v63  }
0x101: {  	s16 =	simm.s32 $0x2700;
	s17 =	simm.s32 $0x6700  }
0x102: {  	[tilespmem:s17], [sflag:$0x1] =	stream.indirect.gather [hbm4b:s0+s13], $0x1, s16, s13, $0xb8;
	[tilespmem:$0x8E10] =	vst v63  }
0x103: {  	s14 =	simm.s32 $0x0;
	s16 =	simm.s32 $0x2780;
	s17 =	simm.s32 $0x6780  }
0x104: {  	[tilespmem:s17], [sflag:$0x1] =	stream.indirect.gather [hbm4b:s0+s13], $0x1, s16, s13, $0xb8;
	[tilespmem:$0x8E10] =	vst v63  }
0x105: {  	s15 =	simm.s32 $0x40;
	v0 =	vld [tilespmem:s14+$0x400]  }
.LBB2_22:
0x106: {  	p0 =	sne.s32 s15, $0xFC0  }
.Ltmp10:
0x107: {  	_ = 	snop;
	(pc) =	sbr.rel @p0 .LBB2_22-.Ltmp10, $3  }
0x108: {  	_ =	sdelay $0x1  }
0x109: {  	s16 =	sshra.s32 s15, $0x2;
	s15 =	sadd.s32 $0x40, s15;
	v1 =	vadd.s32 $0xF42400, v0  }
0x10a: {  	v0 =	vld [tilespmem:s16+$0x400];
	[tilespmem:s14+$0x2800] =	vst v1;
	s14 =	smov.u32 s16  }
0x10b: {  	_ =	sdelay $0x3  }
0x10c: {  	v0 =	vadd.s32 $0xF42400, v0  }
0x10d: {  	s17 =	simm.s32 $0x2800;
	s15 =	simm.s32 $0x6800;
	[tilespmem:s14+$0x2800] =	vst v0  }
0x10e: {  	[tilespmem:s15], [sflag:$0x1] =	stream.indirect.gather [hbm4b:s0+s13], $0x1, s17, s13, $0xb8;
	[tilespmem:$0x8E10] =	vst v63  }
0x10f: {  	s16 =	simm.s32 $0x2880;
	s17 =	simm.s32 $0x6880  }
0x110: {  	[tilespmem:s17], [sflag:$0x1] =	stream.indirect.gather [hbm4b:s0+s13], $0x1, s16, s13, $0xb8;
	[tilespmem:$0x8E10] =	vst v63  }
0x111: {  	s16 =	simm.s32 $0x2900;
	s17 =	simm.s32 $0x6900  }
0x112: {  	[tilespmem:s17], [sflag:$0x1] =	stream.indirect.gather [hbm4b:s0+s13], $0x1, s16, s13, $0xb8;
	[tilespmem:$0x8E10] =	vst v63  }
0x113: {  	s16 =	simm.s32 $0x2980;
	s17 =	simm.s32 $0x6980  }
0x114: {  	[tilespmem:s17], [sflag:$0x1] =	stream.indirect.gather [hbm4b:s0+s13], $0x1, s16, s13, $0xb8;
	[tilespmem:$0x8E10] =	vst v63  }
0x115: {  	s16 =	simm.s32 $0x2A00;
	s17 =	simm.s32 $0x6A00  }
0x116: {  	[tilespmem:s17], [sflag:$0x1] =	stream.indirect.gather [hbm4b:s0+s13], $0x1, s16, s13, $0xb8;
	[tilespmem:$0x8E10] =	vst v63  }
0x117: {  	s16 =	simm.s32 $0x2A80;
	s17 =	simm.s32 $0x6A80  }
0x118: {  	[tilespmem:s17], [sflag:$0x1] =	stream.indirect.gather [hbm4b:s0+s13], $0x1, s16, s13, $0xb8;
	[tilespmem:$0x8E10] =	vst v63  }
0x119: {  	s16 =	simm.s32 $0x2B00;
	s17 =	simm.s32 $0x6B00  }
0x11a: {  	[tilespmem:s17], [sflag:$0x1] =	stream.indirect.gather [hbm4b:s0+s13], $0x1, s16, s13, $0xb8;
	[tilespmem:$0x8E10] =	vst v63  }
0x11b: {  	s14 =	simm.s32 $0x0;
	s16 =	simm.s32 $0x2B80;
	s17 =	simm.s32 $0x6B80  }
0x11c: {  	[tilespmem:s17], [sflag:$0x1] =	stream.indirect.gather [hbm4b:s0+s13], $0x1, s16, s13, $0xb8;
	[tilespmem:$0x8E10] =	vst v63  }
0x11d: {  	s15 =	simm.s32 $0x40;
	v0 =	vld [tilespmem:s14+$0x400]  }
.LBB2_24:
0x11e: {  	p0 =	sne.s32 s15, $0xFC0  }
.Ltmp11:
0x11f: {  	_ = 	snop;
	(pc) =	sbr.rel @p0 .LBB2_24-.Ltmp11, $3  }
0x120: {  	_ =	sdelay $0x1  }
0x121: {  	s16 =	sshra.s32 s15, $0x2;
	s15 =	sadd.s32 $0x40, s15;
	v1 =	vadd.s32 $0xF42480, v0  }
0x122: {  	v0 =	vld [tilespmem:s16+$0x400];
	[tilespmem:s14+$0x2C00] =	vst v1;
	s14 =	smov.u32 s16  }
0x123: {  	_ =	sdelay $0x3  }
0x124: {  	v0 =	vadd.s32 $0xF42480, v0  }
0x125: {  	s17 =	simm.s32 $0x2C00;
	s15 =	simm.s32 $0x6C00;
	[tilespmem:s14+$0x2C00] =	vst v0  }
0x126: {  	[tilespmem:s15], [sflag:$0x1] =	stream.indirect.gather [hbm4b:s0+s13], $0x1, s17, s13, $0xb8;
	[tilespmem:$0x8E10] =	vst v63  }
0x127: {  	s16 =	simm.s32 $0x2C80;
	s17 =	simm.s32 $0x6C80  }
0x128: {  	[tilespmem:s17], [sflag:$0x1] =	stream.indirect.gather [hbm4b:s0+s13], $0x1, s16, s13, $0xb8;
	[tilespmem:$0x8E10] =	vst v63  }
0x129: {  	s16 =	simm.s32 $0x2D00;
	s17 =	simm.s32 $0x6D00  }
0x12a: {  	[tilespmem:s17], [sflag:$0x1] =	stream.indirect.gather [hbm4b:s0+s13], $0x1, s16, s13, $0xb8;
	[tilespmem:$0x8E10] =	vst v63  }
0x12b: {  	s16 =	simm.s32 $0x2D80;
	s17 =	simm.s32 $0x6D80  }
0x12c: {  	[tilespmem:s17], [sflag:$0x1] =	stream.indirect.gather [hbm4b:s0+s13], $0x1, s16, s13, $0xb8;
	[tilespmem:$0x8E10] =	vst v63  }
0x12d: {  	s16 =	simm.s32 $0x2E00;
	s17 =	simm.s32 $0x6E00  }
0x12e: {  	[tilespmem:s17], [sflag:$0x1] =	stream.indirect.gather [hbm4b:s0+s13], $0x1, s16, s13, $0xb8;
	[tilespmem:$0x8E10] =	vst v63  }
0x12f: {  	s16 =	simm.s32 $0x2E80;
	s17 =	simm.s32 $0x6E80  }
0x130: {  	[tilespmem:s17], [sflag:$0x1] =	stream.indirect.gather [hbm4b:s0+s13], $0x1, s16, s13, $0xb8;
	[tilespmem:$0x8E10] =	vst v63  }
0x131: {  	s16 =	simm.s32 $0x2F00;
	s17 =	simm.s32 $0x6F00  }
0x132: {  	[tilespmem:s17], [sflag:$0x1] =	stream.indirect.gather [hbm4b:s0+s13], $0x1, s16, s13, $0xb8;
	[tilespmem:$0x8E10] =	vst v63  }
0x133: {  	s14 =	simm.s32 $0x0;
	s16 =	simm.s32 $0x2F80;
	s17 =	simm.s32 $0x6F80  }
0x134: {  	[tilespmem:s17], [sflag:$0x1] =	stream.indirect.gather [hbm4b:s0+s13], $0x1, s16, s13, $0xb8;
	[tilespmem:$0x8E10] =	vst v63  }
0x135: {  	s15 =	simm.s32 $0x40;
	v0 =	vld [tilespmem:s14+$0x400]  }
.LBB2_26:
0x136: {  	p0 =	sne.s32 s15, $0xFC0  }
.Ltmp12:
0x137: {  	_ = 	snop;
	(pc) =	sbr.rel @p0 .LBB2_26-.Ltmp12, $3  }
0x138: {  	_ =	sdelay $0x1  }
0x139: {  	s16 =	sshra.s32 s15, $0x2;
	s15 =	sadd.s32 $0x40, s15;
	v1 =	vadd.s32 $0xF42500, v0  }
0x13a: {  	v0 =	vld [tilespmem:s16+$0x400];
	[tilespmem:s14+$0x3000] =	vst v1;
	s14 =	smov.u32 s16  }
0x13b: {  	_ =	sdelay $0x3  }
0x13c: {  	v0 =	vadd.s32 $0xF42500, v0  }
0x13d: {  	s17 =	simm.s32 $0x3000;
	s15 =	simm.s32 $0x7000;
	[tilespmem:s14+$0x3000] =	vst v0  }
0x13e: {  	[tilespmem:s15], [sflag:$0x1] =	stream.indirect.gather [hbm4b:s0+s13], $0x1, s17, s13, $0xb8;
	[tilespmem:$0x8E10] =	vst v63  }
0x13f: {  	s16 =	simm.s32 $0x3080;
	s17 =	simm.s32 $0x7080  }
0x140: {  	[tilespmem:s17], [sflag:$0x1] =	stream.indirect.gather [hbm4b:s0+s13], $0x1, s16, s13, $0xb8;
	[tilespmem:$0x8E10] =	vst v63  }
0x141: {  	s16 =	simm.s32 $0x3100;
	s17 =	simm.s32 $0x7100  }
0x142: {  	[tilespmem:s17], [sflag:$0x1] =	stream.indirect.gather [hbm4b:s0+s13], $0x1, s16, s13, $0xb8;
	[tilespmem:$0x8E10] =	vst v63  }
0x143: {  	s16 =	simm.s32 $0x3180;
	s17 =	simm.s32 $0x7180  }
0x144: {  	[tilespmem:s17], [sflag:$0x1] =	stream.indirect.gather [hbm4b:s0+s13], $0x1, s16, s13, $0xb8;
	[tilespmem:$0x8E10] =	vst v63  }
0x145: {  	s16 =	simm.s32 $0x3200;
	s17 =	simm.s32 $0x7200  }
0x146: {  	[tilespmem:s17], [sflag:$0x1] =	stream.indirect.gather [hbm4b:s0+s13], $0x1, s16, s13, $0xb8;
	[tilespmem:$0x8E10] =	vst v63  }
0x147: {  	s16 =	simm.s32 $0x3280;
	s17 =	simm.s32 $0x7280  }
0x148: {  	[tilespmem:s17], [sflag:$0x1] =	stream.indirect.gather [hbm4b:s0+s13], $0x1, s16, s13, $0xb8;
	[tilespmem:$0x8E10] =	vst v63  }
0x149: {  	s16 =	simm.s32 $0x3300;
	s17 =	simm.s32 $0x7300  }
0x14a: {  	[tilespmem:s17], [sflag:$0x1] =	stream.indirect.gather [hbm4b:s0+s13], $0x1, s16, s13, $0xb8;
	[tilespmem:$0x8E10] =	vst v63  }
0x14b: {  	s14 =	simm.s32 $0x0;
	s16 =	simm.s32 $0x3380;
	s17 =	simm.s32 $0x7380  }
0x14c: {  	[tilespmem:s17], [sflag:$0x1] =	stream.indirect.gather [hbm4b:s0+s13], $0x1, s16, s13, $0xb8;
	[tilespmem:$0x8E10] =	vst v63  }
0x14d: {  	s15 =	simm.s32 $0x40;
	v0 =	vld [tilespmem:s14+$0x400]  }
.LBB2_28:
0x14e: {  	p0 =	sne.s32 s15, $0xFC0  }
.Ltmp13:
0x14f: {  	_ = 	snop;
	(pc) =	sbr.rel @p0 .LBB2_28-.Ltmp13, $3  }
0x150: {  	_ =	sdelay $0x1  }
0x151: {  	s16 =	sshra.s32 s15, $0x2;
	s15 =	sadd.s32 $0x40, s15;
	v1 =	vadd.s32 $0xF42580, v0  }
0x152: {  	v0 =	vld [tilespmem:s16+$0x400];
	[tilespmem:s14+$0x3400] =	vst v1;
	s14 =	smov.u32 s16  }
0x153: {  	_ =	sdelay $0x3  }
0x154: {  	v0 =	vadd.s32 $0xF42580, v0  }
0x155: {  	s17 =	simm.s32 $0x3400;
	s15 =	simm.s32 $0x7400;
	[tilespmem:s14+$0x3400] =	vst v0  }
0x156: {  	[tilespmem:s15], [sflag:$0x1] =	stream.indirect.gather [hbm4b:s0+s13], $0x1, s17, s13, $0xb8;
	[tilespmem:$0x8E10] =	vst v63  }
0x157: {  	s16 =	simm.s32 $0x3480;
	s17 =	simm.s32 $0x7480  }
0x158: {  	[tilespmem:s17], [sflag:$0x1] =	stream.indirect.gather [hbm4b:s0+s13], $0x1, s16, s13, $0xb8;
	[tilespmem:$0x8E10] =	vst v63  }
0x159: {  	s16 =	simm.s32 $0x3500;
	s17 =	simm.s32 $0x7500  }
0x15a: {  	[tilespmem:s17], [sflag:$0x1] =	stream.indirect.gather [hbm4b:s0+s13], $0x1, s16, s13, $0xb8;
	[tilespmem:$0x8E10] =	vst v63  }
0x15b: {  	s16 =	simm.s32 $0x3580;
	s17 =	simm.s32 $0x7580  }
0x15c: {  	[tilespmem:s17], [sflag:$0x1] =	stream.indirect.gather [hbm4b:s0+s13], $0x1, s16, s13, $0xb8;
	[tilespmem:$0x8E10] =	vst v63  }
0x15d: {  	s16 =	simm.s32 $0x3600;
	s17 =	simm.s32 $0x7600  }
0x15e: {  	[tilespmem:s17], [sflag:$0x1] =	stream.indirect.gather [hbm4b:s0+s13], $0x1, s16, s13, $0xb8;
	[tilespmem:$0x8E10] =	vst v63  }
0x15f: {  	s16 =	simm.s32 $0x3680;
	s17 =	simm.s32 $0x7680  }
0x160: {  	[tilespmem:s17], [sflag:$0x1] =	stream.indirect.gather [hbm4b:s0+s13], $0x1, s16, s13, $0xb8;
	[tilespmem:$0x8E10] =	vst v63  }
0x161: {  	s16 =	simm.s32 $0x3700;
	s17 =	simm.s32 $0x7700  }
0x162: {  	[tilespmem:s17], [sflag:$0x1] =	stream.indirect.gather [hbm4b:s0+s13], $0x1, s16, s13, $0xb8;
	[tilespmem:$0x8E10] =	vst v63  }
0x163: {  	s14 =	simm.s32 $0x0;
	s16 =	simm.s32 $0x3780;
	s17 =	simm.s32 $0x7780  }
0x164: {  	[tilespmem:s17], [sflag:$0x1] =	stream.indirect.gather [hbm4b:s0+s13], $0x1, s16, s13, $0xb8;
	[tilespmem:$0x8E10] =	vst v63  }
0x165: {  	s15 =	simm.s32 $0x40;
	v0 =	vld [tilespmem:s14+$0x400]  }
.LBB2_30:
0x166: {  	p0 =	sne.s32 s15, $0xFC0  }
.Ltmp14:
0x167: {  	_ = 	snop;
	(pc) =	sbr.rel @p0 .LBB2_30-.Ltmp14, $3  }
0x168: {  	_ =	sdelay $0x1  }
0x169: {  	s16 =	sshra.s32 s15, $0x2;
	s15 =	sadd.s32 $0x40, s15;
	v1 =	vadd.s32 $0xF42600, v0  }
0x16a: {  	v0 =	vld [tilespmem:s16+$0x400];
	[tilespmem:s14+$0x3800] =	vst v1;
	s14 =	smov.u32 s16  }
0x16b: {  	_ =	sdelay $0x3  }
0x16c: {  	v0 =	vadd.s32 $0xF42600, v0  }
0x16d: {  	s17 =	simm.s32 $0x3800;
	s15 =	simm.s32 $0x7800;
	[tilespmem:s14+$0x3800] =	vst v0  }
0x16e: {  	[tilespmem:s15], [sflag:$0x1] =	stream.indirect.gather [hbm4b:s0+s13], $0x1, s17, s13, $0xb8;
	[tilespmem:$0x8E10] =	vst v63  }
0x16f: {  	s16 =	simm.s32 $0x3880;
	s17 =	simm.s32 $0x7880  }
0x170: {  	[tilespmem:s17], [sflag:$0x1] =	stream.indirect.gather [hbm4b:s0+s13], $0x1, s16, s13, $0xb8;
	[tilespmem:$0x8E10] =	vst v63  }
0x171: {  	s16 =	simm.s32 $0x3900;
	s17 =	simm.s32 $0x7900  }
0x172: {  	[tilespmem:s17], [sflag:$0x1] =	stream.indirect.gather [hbm4b:s0+s13], $0x1, s16, s13, $0xb8;
	[tilespmem:$0x8E10] =	vst v63  }
0x173: {  	s16 =	simm.s32 $0x3980;
	s17 =	simm.s32 $0x7980  }
0x174: {  	[tilespmem:s17], [sflag:$0x1] =	stream.indirect.gather [hbm4b:s0+s13], $0x1, s16, s13, $0xb8;
	[tilespmem:$0x8E10] =	vst v63  }
0x175: {  	s16 =	simm.s32 $0x3A00;
	s17 =	simm.s32 $0x7A00  }
0x176: {  	[tilespmem:s17], [sflag:$0x1] =	stream.indirect.gather [hbm4b:s0+s13], $0x1, s16, s13, $0xb8;
	[tilespmem:$0x8E10] =	vst v63  }
0x177: {  	s16 =	simm.s32 $0x3A80;
	s17 =	simm.s32 $0x7A80  }
0x178: {  	[tilespmem:s17], [sflag:$0x1] =	stream.indirect.gather [hbm4b:s0+s13], $0x1, s16, s13, $0xb8;
	[tilespmem:$0x8E10] =	vst v63  }
0x179: {  	s16 =	simm.s32 $0x3B00;
	s17 =	simm.s32 $0x7B00  }
0x17a: {  	[tilespmem:s17], [sflag:$0x1] =	stream.indirect.gather [hbm4b:s0+s13], $0x1, s16, s13, $0xb8;
	[tilespmem:$0x8E10] =	vst v63  }
0x17b: {  	s14 =	simm.s32 $0x0;
	s16 =	simm.s32 $0x3B80;
	s17 =	simm.s32 $0x7B80  }
0x17c: {  	[tilespmem:s17], [sflag:$0x1] =	stream.indirect.gather [hbm4b:s0+s13], $0x1, s16, s13, $0xb8;
	[tilespmem:$0x8E10] =	vst v63  }
0x17d: {  	s15 =	simm.s32 $0x40;
	v0 =	vld [tilespmem:s14+$0x400]  }
.LBB2_32:
0x17e: {  	p0 =	sne.s32 s15, $0xFC0  }
.Ltmp15:
0x17f: {  	_ = 	snop;
	(pc) =	sbr.rel @p0 .LBB2_32-.Ltmp15, $3  }
0x180: {  	_ =	sdelay $0x1  }
0x181: {  	s16 =	sshra.s32 s15, $0x2;
	s15 =	sadd.s32 $0x40, s15;
	v1 =	vadd.s32 $0xF42680, v0  }
0x182: {  	v0 =	vld [tilespmem:s16+$0x400];
	[tilespmem:s14+$0x3C00] =	vst v1;
	s14 =	smov.u32 s16  }
0x183: {  	_ =	sdelay $0x3  }
0x184: {  	v0 =	vadd.s32 $0xF42680, v0  }
0x185: {  	s17 =	simm.s32 $0x3C00;
	s15 =	simm.s32 $0x7C00;
	[tilespmem:s14+$0x3C00] =	vst v0  }
0x186: {  	[tilespmem:s15], [sflag:$0x1] =	stream.indirect.gather [hbm4b:s0+s13], $0x1, s17, s13, $0xb8;
	[tilespmem:$0x8E10] =	vst v63  }
0x187: {  	s16 =	simm.s32 $0x3C80;
	s17 =	simm.s32 $0x7C80  }
0x188: {  	[tilespmem:s17], [sflag:$0x1] =	stream.indirect.gather [hbm4b:s0+s13], $0x1, s16, s13, $0xb8;
	[tilespmem:$0x8E10] =	vst v63  }
0x189: {  	s16 =	simm.s32 $0x3D00;
	s17 =	simm.s32 $0x7D00  }
0x18a: {  	[tilespmem:s17], [sflag:$0x1] =	stream.indirect.gather [hbm4b:s0+s13], $0x1, s16, s13, $0xb8;
	[tilespmem:$0x8E10] =	vst v63  }
0x18b: {  	s16 =	simm.s32 $0x3D80;
	s17 =	simm.s32 $0x7D80  }
0x18c: {  	[tilespmem:s17], [sflag:$0x1] =	stream.indirect.gather [hbm4b:s0+s13], $0x1, s16, s13, $0xb8;
	[tilespmem:$0x8E10] =	vst v63  }
0x18d: {  	s16 =	simm.s32 $0x3E00;
	s17 =	simm.s32 $0x7E00  }
0x18e: {  	[tilespmem:s17], [sflag:$0x1] =	stream.indirect.gather [hbm4b:s0+s13], $0x1, s16, s13, $0xb8;
	[tilespmem:$0x8E10] =	vst v63  }
0x18f: {  	s16 =	simm.s32 $0x3E80;
	s17 =	simm.s32 $0x7E80  }
0x190: {  	[tilespmem:s17], [sflag:$0x1] =	stream.indirect.gather [hbm4b:s0+s13], $0x1, s16, s13, $0xb8;
	[tilespmem:$0x8E10] =	vst v63  }
0x191: {  	s16 =	simm.s32 $0x3F00;
	s17 =	simm.s32 $0x7F00  }
0x192: {  	[tilespmem:s17], [sflag:$0x1] =	stream.indirect.gather [hbm4b:s0+s13], $0x1, s16, s13, $0xb8;
	[tilespmem:$0x8E10] =	vst v63  }
0x193: {  	s14 =	simm.s32 $0x0;
	s16 =	simm.s32 $0x3F80;
	s17 =	simm.s32 $0x7F80  }
0x194: {  	[tilespmem:s17], [sflag:$0x1] =	stream.indirect.gather [hbm4b:s0+s13], $0x1, s16, s13, $0xb8;
	[tilespmem:$0x8E10] =	vst v63  }
0x195: {  	s15 =	simm.s32 $0x40;
	v0 =	vld [tilespmem:s14+$0x400]  }
.LBB2_34:
0x196: {  	p0 =	sne.s32 s15, $0xFC0  }
.Ltmp16:
0x197: {  	_ = 	snop;
	(pc) =	sbr.rel @p0 .LBB2_34-.Ltmp16, $3  }
0x198: {  	_ =	sdelay $0x1  }
0x199: {  	s16 =	sshra.s32 s15, $0x2;
	s15 =	sadd.s32 $0x40, s15;
	v1 =	vadd.s32 $0xF42700, v0  }
0x19a: {  	v0 =	vld [tilespmem:s16+$0x400];
	[tilespmem:s14+$0x4000] =	vst v1;
	s14 =	smov.u32 s16  }
0x19b: {  	_ =	sdelay $0x3  }
0x19c: {  	v0 =	vadd.s32 $0xF42700, v0  }
0x19d: {  	s17 =	simm.s32 $0x4000;
	s15 =	simm.s32 $0x8000;
	[tilespmem:s14+$0x4000] =	vst v0  }
0x19e: {  	[tilespmem:s15], [sflag:$0x1] =	stream.indirect.gather [hbm4b:s0+s13], $0x1, s17, s13, $0xb8;
	[tilespmem:$0x8E10] =	vst v63  }
0x19f: {  	s16 =	simm.s32 $0x4080;
	s17 =	simm.s32 $0x8080  }
0x1a0: {  	[tilespmem:s17], [sflag:$0x1] =	stream.indirect.gather [hbm4b:s0+s13], $0x1, s16, s13, $0xb8;
	[tilespmem:$0x8E10] =	vst v63  }
0x1a1: {  	s16 =	simm.s32 $0x4100;
	s17 =	simm.s32 $0x8100  }
0x1a2: {  	[tilespmem:s17], [sflag:$0x1] =	stream.indirect.gather [hbm4b:s0+s13], $0x1, s16, s13, $0xb8;
	[tilespmem:$0x8E10] =	vst v63  }
0x1a3: {  	s16 =	simm.s32 $0x4180;
	s17 =	simm.s32 $0x8180  }
0x1a4: {  	[tilespmem:s17], [sflag:$0x1] =	stream.indirect.gather [hbm4b:s0+s13], $0x1, s16, s13, $0xb8;
	[tilespmem:$0x8E10] =	vst v63  }
0x1a5: {  	s16 =	simm.s32 $0x4200;
	s17 =	simm.s32 $0x8200  }
0x1a6: {  	[tilespmem:s17], [sflag:$0x1] =	stream.indirect.gather [hbm4b:s0+s13], $0x1, s16, s13, $0xb8;
	[tilespmem:$0x8E10] =	vst v63  }
0x1a7: {  	s16 =	simm.s32 $0x4280;
	s17 =	simm.s32 $0x8280  }
0x1a8: {  	[tilespmem:s17], [sflag:$0x1] =	stream.indirect.gather [hbm4b:s0+s13], $0x1, s16, s13, $0xb8;
	[tilespmem:$0x8E10] =	vst v63  }
0x1a9: {  	s16 =	simm.s32 $0x4300;
	s17 =	simm.s32 $0x8300  }
0x1aa: {  	[tilespmem:s17], [sflag:$0x1] =	stream.indirect.gather [hbm4b:s0+s13], $0x1, s16, s13, $0xb8;
	[tilespmem:$0x8E10] =	vst v63  }
0x1ab: {  	s14 =	simm.s32 $0x0;
	s16 =	simm.s32 $0x4380;
	s17 =	simm.s32 $0x8380  }
0x1ac: {  	[tilespmem:s17], [sflag:$0x1] =	stream.indirect.gather [hbm4b:s0+s13], $0x1, s16, s13, $0xb8;
	[tilespmem:$0x8E10] =	vst v63  }
0x1ad: {  	s15 =	simm.s32 $0x40;
	v0 =	vld [tilespmem:s14+$0x400]  }
.LBB2_36:
0x1ae: {  	p0 =	sne.s32 s15, $0xFC0  }
.Ltmp17:
0x1af: {  	_ = 	snop;
	(pc) =	sbr.rel @p0 .LBB2_36-.Ltmp17, $3  }
0x1b0: {  	_ =	sdelay $0x1  }
0x1b1: {  	s16 =	sshra.s32 s15, $0x2;
	s15 =	sadd.s32 $0x40, s15;
	v1 =	vadd.s32 $0xF42780, v0  }
0x1b2: {  	v0 =	vld [tilespmem:s16+$0x400];
	[tilespmem:s14+$0x4400] =	vst v1;
	s14 =	smov.u32 s16  }
0x1b3: {  	_ =	sdelay $0x3  }
0x1b4: {  	v0 =	vadd.s32 $0xF42780, v0  }
0x1b5: {  	s16 =	simm.s32 $0x4400;
	s15 =	simm.s32 $0x8400;
	[tilespmem:s14+$0x4400] =	vst v0  }
0x1b6: {  	[tilespmem:s15], [sflag:$0x1] =	stream.indirect.gather [hbm4b:s0+s13], $0x1, s16, s13, $0xb8;
	[tilespmem:$0x8E10] =	vst v63  }
0x1b7: {  	s17 =	simm.s32 $0x4480  }
0x1b8: {  	[tilespmem:s18], [sflag:$0x1] =	stream.indirect.gather [hbm4b:s0+s13], $0x1, s17, s13, $0xb8;
	[tilespmem:$0x8E10] =	vst v63  }
0x1b9: {  	_ = 	snop  }
0x1ba: {  	[tilespmem:s20], [sflag:$0x1] =	stream.indirect.gather [hbm4b:s0+s13], $0x1, s19, s13, $0xb8;
	[tilespmem:$0x8E10] =	vst v63  }
0x1bb: {  	_ = 	snop  }
0x1bc: {  	[tilespmem:s22], [sflag:$0x1] =	stream.indirect.gather [hbm4b:s0+s13], $0x1, s21, s13, $0xb8;
	[tilespmem:$0x8E10] =	vst v63  }
0x1bd: {  	_ = 	snop  }
0x1be: {  	[tilespmem:s24], [sflag:$0x1] =	stream.indirect.gather [hbm4b:s0+s13], $0x1, s23, s13, $0xb8;
	[tilespmem:$0x8E10] =	vst v63  }
0x1bf: {  	_ = 	snop  }
0x1c0: {  	[tilespmem:s26], [sflag:$0x1] =	stream.indirect.gather [hbm4b:s0+s13], $0x1, s25, s13, $0xb8;
	[tilespmem:$0x8E10] =	vst v63  }
0x1c1: {  	_ = 	snop  }
0x1c2: {  	[tilespmem:s29], [sflag:$0x1] =	stream.indirect.gather [hbm4b:s0+s13], $0x1, s28, s13, $0xb8;
	[tilespmem:$0x8E10] =	vst v63  }
0x1c3: {  	_ = 	snop  }
0x1c4: {  	[tilespmem:s31], [sflag:$0x1] =	stream.indirect.gather [hbm4b:s0+s13], $0x1, s30, s13, $0xb8;
	[tilespmem:$0x8E10] =	vst v63  }
0x1c5: {  	_ =	swait.ge [sflag:s1], $0x4000  }
0x1c6: {  	[sflag:s1] =	ssyncset.done $0x0  }
0x1c7: {  	[sflag:s1] =	ssyncadd.s32 $0xFFFFC000  }
0x1c8: {  	_ =	swait.ge [sflag:s2], $0x400  }
0x1c9: {  	[sflag:s2] =	ssyncset.done $0x0  }
0x1ca: {  	[sflag:s2] =	ssyncadd.s32 $0xFFFFFC00  }
0x1cb: {  	s14 =	simm.s32 $0x0;
	v0 =	vld [tilespmem:$0x8E00]  }
0x1cc: {  	v1 =	vld [tilespmem:s14+$0x8A00]  }
0x1cd: {  	v2 =	vld [tilespmem:s14+$0x8800]  }
0x1ce: {  	v3 =	vld [tilespmem:s14+$0x4800]  }
0x1cf: {  	v4 =	vld [tilespmem:s14+$0x4A00]  }
0x1d0: {  	v5 =	vld [tilespmem:s14+$0x4C00]  }
0x1d1: {  	v6 =	vld [tilespmem:s14+$0x4E00]  }
0x1d2: {  	v7 =	vld [tilespmem:s14+$0x5000];
	v2 =	vadd.f32 v2, v0  }
0x1d3: {  	v8 =	vld [tilespmem:s14+$0x5200]  }
0x1d4: {  	v1 =	vadd.f32 v1, v2;
	v2 =	vmul.f32 v4, v3;
	v3 =	vld [tilespmem:s14+$0x5400]  }
0x1d5: {  	v4 =	vld [tilespmem:s14+$0x5600]  }
0x1d6: {  	v1 =	vadd.f32 v2, v1;
	v2 =	vmul.f32 v6, v5;
	v5 =	vld [tilespmem:s14+$0x5800]  }
0x1d7: {  	v6 =	vld [tilespmem:s14+$0x5A00]  }
0x1d8: {  	v1 =	vadd.f32 v2, v1;
	v2 =	vmul.f32 v8, v7;
	v7 =	vld [tilespmem:s14+$0x5C00]  }
0x1d9: {  	v8 =	vld [tilespmem:s14+$0x5E00]  }
0x1da: {  	v1 =	vadd.f32 v2, v1;
	v2 =	vmul.f32 v4, v3;
	v3 =	vld [tilespmem:s14+$0x6000]  }
0x1db: {  	v4 =	vld [tilespmem:s14+$0x6200]  }
0x1dc: {  	v1 =	vadd.f32 v2, v1;
	v2 =	vmul.f32 v6, v5;
	v5 =	vld [tilespmem:s14+$0x6400]  }
0x1dd: {  	v6 =	vld [tilespmem:s14+$0x6600]  }
0x1de: {  	v1 =	vadd.f32 v2, v1;
	v2 =	vmul.f32 v8, v7;
	v7 =	vld [tilespmem:s14+$0x6800]  }
0x1df: {  	v8 =	vld [tilespmem:s14+$0x6A00]  }
0x1e0: {  	v1 =	vadd.f32 v2, v1;
	v2 =	vmul.f32 v4, v3;
	v3 =	vld [tilespmem:s14+$0x6C00]  }
0x1e1: {  	v4 =	vld [tilespmem:s14+$0x6E00]  }
0x1e2: {  	v1 =	vadd.f32 v2, v1;
	v2 =	vmul.f32 v6, v5;
	v5 =	vld [tilespmem:s14+$0x7000]  }
0x1e3: {  	v6 =	vld [tilespmem:s14+$0x7200]  }
0x1e4: {  	v1 =	vadd.f32 v2, v1;
	v2 =	vmul.f32 v8, v7;
	v7 =	vld [tilespmem:s14+$0x7400]  }
0x1e5: {  	v8 =	vld [tilespmem:s14+$0x7600]  }
0x1e6: {  	v9 =	vld [tilespmem:s14+$0x7A00];
	v1 =	vadd.f32 v2, v1;
	v2 =	vmul.f32 v4, v3  }
0x1e7: {  	v3 =	vld [tilespmem:s14+$0x7800]  }
0x1e8: {  	v10 =	vld [tilespmem:s14+$0x7C00];
	v1 =	vadd.f32 v2, v1;
	v2 =	vmul.f32 v6, v5  }
0x1e9: {  	v11 =	vld [tilespmem:s14+$0x7E00]  }
0x1ea: {  	v4 =	vld [tilespmem:s14+$0x8200];
	v5 =	vmul.f32 v8, v7;
	v1 =	vadd.f32 v2, v1  }
0x1eb: {  	v2 =	vld [tilespmem:s14+$0x8000]  }
0x1ec: {  	v7 =	vmul.f32 v9, v3;
	v3 =	vld [tilespmem:s14+$0x8400];
	v6 =	vadd.f32 v5, v1  }
0x1ed: {  	s15 =	simm.s32 $0x10;
	v5 =	vld [tilespmem:s14+$0x8600]  }
0x1ee: {  	s16 =	simm.s32 $0x80;
	v1 =	vld [tilespmem:s15+$0x8A00];
	v6 =	vadd.f32 v7, v6;
	v7 =	vmul.f32 v11, v10  }
.LBB2_38:
0x1ef: {  	p0 =	sne.s32 s16, $0x7C0;
	v8 =	vld [tilespmem:s15+$0x8800]  }
0x1f0: {  	v9 =	vld [tilespmem:s15+$0x4800];
	v6 =	vadd.f32 v7, v6;
	v2 =	vmul.f32 v4, v2  }
0x1f1: {  	v4 =	vld [tilespmem:s15+$0x4A00]  }
0x1f2: {  	v7 =	vld [tilespmem:s15+$0x4C00];
	v2 =	vadd.f32 v2, v6;
	v3 =	vmul.f32 v5, v3  }
0x1f3: {  	v5 =	vld [tilespmem:s15+$0x4E00]  }
0x1f4: {  	v6 =	vadd.f32 v8, v0;
	v8 =	vld [tilespmem:s15+$0x5000];
	v2 =	vadd.f32 v3, v2  }
0x1f5: {  	v3 =	vld [tilespmem:s15+$0x5200]  }
0x1f6: {  	v1 =	vadd.f32 v1, v6;
	v4 =	vmul.f32 v4, v9;
	v6 =	vld [tilespmem:s15+$0x5400];
	[tilespmem:s14+$0x8C00] =	vst v2;
	s14 =	smov.u32 s15  }
0x1f7: {  	v2 =	vld [tilespmem:s14+$0x5600]  }
0x1f8: {  	v1 =	vadd.f32 v4, v1;
	v4 =	vmul.f32 v5, v7;
	v5 =	vld [tilespmem:s14+$0x5800]  }
0x1f9: {  	v7 =	vld [tilespmem:s14+$0x5A00]  }
0x1fa: {  	v1 =	vadd.f32 v4, v1;
	v3 =	vmul.f32 v3, v8;
	v4 =	vld [tilespmem:s14+$0x5C00]  }
0x1fb: {  	v8 =	vld [tilespmem:s14+$0x5E00]  }
0x1fc: {  	v1 =	vadd.f32 v3, v1;
	v2 =	vmul.f32 v2, v6;
	v3 =	vld [tilespmem:s14+$0x6000]  }
0x1fd: {  	v6 =	vld [tilespmem:s14+$0x6200]  }
0x1fe: {  	v1 =	vadd.f32 v2, v1;
	v2 =	vmul.f32 v7, v5;
	v5 =	vld [tilespmem:s14+$0x6400]  }
0x1ff: {  	v7 =	vld [tilespmem:s14+$0x6600]  }
0x200: {  	v1 =	vadd.f32 v2, v1;
	v2 =	vmul.f32 v8, v4;
	v4 =	vld [tilespmem:s14+$0x6800]  }
0x201: {  	v8 =	vld [tilespmem:s14+$0x6A00]  }
0x202: {  	v1 =	vadd.f32 v2, v1;
	v2 =	vmul.f32 v6, v3;
	v3 =	vld [tilespmem:s14+$0x6C00]  }
0x203: {  	v6 =	vld [tilespmem:s14+$0x6E00]  }
0x204: {  	v1 =	vadd.f32 v2, v1;
	v2 =	vmul.f32 v7, v5;
	v5 =	vld [tilespmem:s14+$0x7000]  }
0x205: {  	v7 =	vld [tilespmem:s14+$0x7200]  }
0x206: {  	v1 =	vadd.f32 v2, v1;
	v2 =	vmul.f32 v8, v4;
	v4 =	vld [tilespmem:s14+$0x7400]  }
0x207: {  	v8 =	vld [tilespmem:s14+$0x7600]  }
0x208: {  	v1 =	vadd.f32 v2, v1;
	v2 =	vmul.f32 v6, v3;
	v3 =	vld [tilespmem:s14+$0x7800]  }
0x209: {  	v6 =	vld [tilespmem:s14+$0x7A00]  }
0x20a: {  	v1 =	vadd.f32 v2, v1;
	v2 =	vmul.f32 v7, v5;
	v7 =	vld [tilespmem:s14+$0x7C00]  }
0x20b: {  	v9 =	vld [tilespmem:s14+$0x7E00]  }
.Ltmp18:
0x20c: {  	v1 =	vadd.f32 v2, v1;
	v5 =	vmul.f32 v8, v4;
	v2 =	vld [tilespmem:s14+$0x8000];
	(pc) =	sbr.rel @p0 .LBB2_38-.Ltmp18, $4  }
0x20d: {  	v4 =	vld [tilespmem:s14+$0x8200]  }
0x20e: {  	v8 =	vadd.f32 v5, v1;
	v6 =	vmul.f32 v6, v3;
	v3 =	vld [tilespmem:s14+$0x8400]  }
0x20f: {  	s15 =	sshra.s32 s16, $0x2;
	v5 =	vld [tilespmem:s14+$0x8600]  }
0x210: {  	s16 =	sadd.s32 $0x40, s16;
	v1 =	vld [tilespmem:s15+$0x8A00];
	v6 =	vadd.f32 v6, v8;
	v7 =	vmul.f32 v9, v7  }
0x211: {  	v8 =	vld [tilespmem:s15+$0x8800]  }
0x212: {  	v9 =	vld [tilespmem:s15+$0x4800];
	v6 =	vadd.f32 v7, v6;
	v2 =	vmul.f32 v4, v2  }
0x213: {  	v18 =	vld [tilespmem:s15+$0x4A00]  }
0x214: {  	v19 =	vld [tilespmem:s15+$0x4C00];
	v2 =	vadd.f32 v2, v6;
	v3 =	vmul.f32 v5, v3  }
0x215: {  	v20 =	vld [tilespmem:s15+$0x4E00]  }
0x216: {  	v21 =	vld [tilespmem:s15+$0x5000];
	v0 =	vadd.f32 v8, v0;
	v2 =	vadd.f32 v3, v2  }
0x217: {  	v22 =	vld [tilespmem:s15+$0x5200]  }
0x218: {  	v23 =	vld [tilespmem:s15+$0x5400];
	v24 =	vmul.f32 v18, v9;
	v0 =	vadd.f32 v1, v0;
	[tilespmem:s14+$0x8C00] =	vst v2  }
0x219: {  	v2 =	vld [tilespmem:s15+$0x5600]  }
0x21a: {  	v25 =	vmul.f32 v20, v19;
	v26 =	vld [tilespmem:s15+$0x5800];
	v0 =	vadd.f32 v24, v0  }
0x21b: {  	v27 =	vld [tilespmem:s15+$0x5A00]  }
0x21c: {  	v28 =	vmul.f32 v22, v21;
	v29 =	vld [tilespmem:s15+$0x5C00];
	v0 =	vadd.f32 v25, v0  }
0x21d: {  	v30 =	vld [tilespmem:s15+$0x5E00]  }
0x21e: {  	v32 =	vld [tilespmem:s15+$0x6000];
	v0 =	vadd.f32 v28, v0;
	v31 =	vmul.f32 v2, v23  }
0x21f: {  	v33 =	vld [tilespmem:s15+$0x6200]  }
0x220: {  	v35 =	vld [tilespmem:s15+$0x6400];
	v34 =	vmul.f32 v27, v26;
	v0 =	vadd.f32 v31, v0  }
0x221: {  	v36 =	vld [tilespmem:s15+$0x6600]  }
0x222: {  	v38 =	vld [tilespmem:s15+$0x6800];
	v37 =	vmul.f32 v30, v29;
	v0 =	vadd.f32 v34, v0  }
0x223: {  	v39 =	vld [tilespmem:s15+$0x6A00]  }
0x224: {  	v41 =	vld [tilespmem:s15+$0x6C00];
	v40 =	vmul.f32 v33, v32;
	v0 =	vadd.f32 v37, v0  }
0x225: {  	v42 =	vld [tilespmem:s15+$0x6E00]  }
0x226: {  	v44 =	vld [tilespmem:s15+$0x7000];
	v43 =	vmul.f32 v36, v35;
	v0 =	vadd.f32 v40, v0  }
0x227: {  	v45 =	vld [tilespmem:s15+$0x7200]  }
0x228: {  	v47 =	vld [tilespmem:s15+$0x7400];
	v46 =	vmul.f32 v39, v38;
	v0 =	vadd.f32 v43, v0  }
0x229: {  	v48 =	vld [tilespmem:s15+$0x7600]  }
0x22a: {  	v50 =	vld [tilespmem:s15+$0x7800];
	v49 =	vmul.f32 v42, v41;
	v0 =	vadd.f32 v46, v0  }
0x22b: {  	v51 =	vld [tilespmem:s15+$0x7A00]  }
0x22c: {  	v53 =	vld [tilespmem:s15+$0x7C00];
	v52 =	vmul.f32 v45, v44;
	v0 =	vadd.f32 v49, v0  }
0x22d: {  	v54 =	vld [tilespmem:s15+$0x7E00]  }
0x22e: {  	v56 =	vld [tilespmem:s15+$0x8000];
	v55 =	vmul.f32 v48, v47;
	v0 =	vadd.f32 v52, v0  }
0x22f: {  	v57 =	vld [tilespmem:s15+$0x8200]  }
0x230: {  	v59 =	vld [tilespmem:s15+$0x8400];
	v58 =	vmul.f32 v51, v50;
	v0 =	vadd.f32 v55, v0  }
0x231: {  	v60 =	vld [tilespmem:s15+$0x8600]  }
0x232: {  	v61 =	vmul.f32 v54, v53;
	v0 =	vadd.f32 v58, v0;
	_ =	sdelay $0x1  }
0x233: {  	v62 =	vmul.f32 v57, v56;
	v0 =	vadd.f32 v61, v0;
	_ =	sdelay $0x1  }
0x234: {  	v63 =	vmul.f32 v60, v59;
	v0 =	vadd.f32 v62, v0;
	_ =	sdelay $0x1  }
0x235: {  	s12 =	sadd.s32 $0x1, s12;
	v0 =	vadd.f32 v63, v0  }
0x236: {  	p0 =	sne.s32 s12, s9  }
.Ltmp19:
0x237: {  	[tilespmem:s15+$0x8C00] =	vst v0;
	(pc) =	sbr.rel @p0 .LBB2_1-.Ltmp19, $4  }
0x238: {  	[hbm4b:s8+s5] =	stream.linear.scatter [tilespmem:s4], [sflag:$0x3], $0x200, $0x38;
	[tilespmem:$0x8E10] =	vst v63  }
0x239: {  	_ =	swait.ge [sflag:s10], $0x200  }
0x23a: {  	[sflag:s10] =	ssyncset.done $0x0  }
0x23b: {  	[sflag:s10] =	ssyncadd.s32 $0xFFFFFE00  }
0x23c: {  	_ =	sfence.sel $0x180000  }
0x23d: {  	[bflag:$0x0] =	sbarrier.arrive $0xFFFF  }
0x23e: {  	_ =	strace $0x90000047  }
0x23f: {  	s0 =	stileid.u32;
	[bflag:$0x2] =	sbarrier.arrive $0xFFFF  }
0x240: {  	p0 =	sne.s32 s0, $0x0;
	s0 =	rddreg [dreg:$0x5]  }
0x241: {  	s0 =	sadd.s32 @!p0 $0x100000, s0  }
0x242: {  	[sflag:s0] =	ssyncadd.tile.s32 @!p0 $0x1;
	_ =	shalt  }
.Lfunc_end2:
_tile_overlayer_lowered:
.L_overlay_start_2:
0x243: {  	(tag) =	ssettag $0x2  }
0x244: {  	s0 =	rddreg [dreg:$0x0];
	s2 =	stileid.u32  }
0x245: {  	s1 =	rddreg [dreg:$0x1];
	p0 =	sne.s32 s2, $0x0  }
0x246: {  	s3 =	rddreg [dreg:$0x2];
	[bflag:$0x3] =	sbarrier.arrive $0xFFFF;
	s2 =	simm.s32 @!p0 $0x1C03  }
0x247: {  	[timem:s3], [sflag:s2] =	dma.local @!p0 [hbm:s0], s1  }
0x248: {  	s0 =	simm.s32 @!p0 $0x3  }
0x249: {  	_ =	swait.ge @!p0 [sflag:s0], s1  }
0x24a: {  	s1 =	ssub.s32 @!p0 $0x0, s1;
	[sflag:s0] =	ssyncset.done @!p0 $0x0  }
0x24b: {  	[sflag:s0] =	ssyncadd.s32 @!p0 s1  }
0x24c: {  	[bflag:$0x3] =	sbarrier.arrive $0xFFFF  }
0x24d: {  	_ =	shalt  }

</sc_bundles>
